<compile_context>
chip_gen: v7x
topology: tpu7x:2x2x1
jax: 0.10.2.dev20260603
libtpu: 0.0.44.dev20260713+nightly
codegen_flags: <defaults>
</compile_context>

<pallas_src>
import jax
import jax.numpy as jnp
from jax import lax
from jax.experimental import pallas as pl
from jax.experimental.pallas import tpu as pltpu
from jax.experimental.pallas import tpu_sc as plsc

B = 4096
L = 200
HIDDEN = 64
N_ROWS = B * L
NW = 32
ROWS_PER_W = N_ROWS // NW
CHUNK = 256
N_CHUNKS = ROWS_PER_W // CHUNK
SUB = 128
NSUB = CHUNK // SUB


def _rsqrt(x):
    i = lax.bitcast_convert_type(x, jnp.int32)
    i = jnp.int32(0x5F3759DF) - lax.shift_right_arithmetic(i, 1)
    y = lax.bitcast_convert_type(i, jnp.float32)
    for _ in range(3):
        y = y * (1.5 - 0.5 * x * y * y)
    return y


def _body(ids_hbm, table_hbm, pos_hbm, gamma_hbm, beta_hbm, out_hbm,
          pos_v, gb_v, idx_v, rows0, rows1, gsem0, gsem1, osem0, osem1):
    cid = lax.axis_index("c")
    sid = lax.axis_index("s")
    wid = sid * 2 + cid
    base = wid * ROWS_PER_W
    rows = (rows0, rows1)
    gsem = (gsem0, gsem1)
    osem = (osem0, osem1)

    pltpu.sync_copy(pos_hbm.at[pl.ds(0, L), :], pos_v)
    pltpu.sync_copy(gamma_hbm, gb_v.at[0])
    pltpu.sync_copy(beta_hbm, gb_v.at[1])

    gamma = [gb_v[0, pl.ds(16 * h, 16)] for h in range(4)]
    beta = [gb_v[1, pl.ds(16 * h, 16)] for h in range(4)]

    def fire_gather(c, b):
        g0 = base + c * CHUNK
        for j in range(NSUB):
            pltpu.sync_copy(ids_hbm.at[pl.ds(g0 + j * SUB, SUB)],
                            idx_v.at[b, j])
        for j in range(NSUB):
            pltpu.async_copy(table_hbm.at[idx_v.at[b, j]],
                             rows[b].at[pl.ds(j * SUB, SUB), :], gsem[b])

    def process(c, b):
        g0 = base + c * CHUNK
        for j in range(NSUB):
            pltpu.make_async_copy(table_hbm.at[idx_v.at[b, j]],
                                  rows[b].at[pl.ds(j * SUB, SUB), :],
                                  gsem[b]).wait()
        @pl.when(c >= 2)
        def _():
            pltpu.make_async_copy(
                rows[b], out_hbm.at[pl.ds(base, CHUNK), :], osem[b]).wait()

        p0 = lax.rem(jnp.int32(c * CHUNK), jnp.int32(L))

        @plsc.parallel_loop(0, CHUNK, 1, unroll=8)
        def _(r):
            p = lax.rem(p0 + r, jnp.int32(L))
            x = [rows[b][r, pl.ds(16 * h, 16)] + pos_v[p, pl.ds(16 * h, 16)]
                 for h in range(4)]
            s = (x[0] + x[1]) + (x[2] + x[3])
            q = (x[0] * x[0] + x[1] * x[1]) + (x[2] * x[2] + x[3] * x[3])
            mean = jnp.sum(s) * (1.0 / HIDDEN)
            var = jnp.sum(q) * (1.0 / HIDDEN) - mean * mean
            inv = _rsqrt(var + 1e-5)
            for h in range(4):
                g = gamma[h] * inv
                rows[b][r, pl.ds(16 * h, 16)] = (x[h] - mean) * g + beta[h]

        pltpu.async_copy(rows[b], out_hbm.at[pl.ds(g0, CHUNK), :], osem[b])

    fire_gather(0, 0)

    def pair_body(g, carry):
        for bb in range(2):
            c = g * 2 + bb

            @pl.when(c + 1 < N_CHUNKS)
            def _():
                fire_gather(c + 1, 1 - bb)

            process(c, bb)
        return carry

    lax.fori_loop(0, N_CHUNKS // 2, pair_body, 0)

    for bb in range(2):
        pltpu.make_async_copy(
            rows[bb], out_hbm.at[pl.ds(base, CHUNK), :], osem[bb]).wait()


def kernel(input_ids, token_table, pos_table, gamma, beta):
    ids_flat = input_ids.reshape(-1).astype(jnp.int32)
    mesh = plsc.VectorSubcoreMesh(core_axis_name="c", subcore_axis_name="s")
    run = pl.kernel(
        _body,
        out_type=jax.ShapeDtypeStruct((N_ROWS, HIDDEN), jnp.float32),
        mesh=mesh,
        compiler_params=pltpu.CompilerParams(needs_layout_passes=False,
                                             use_tc_tiling_on_sc=False),
        scratch_types=[
            pltpu.VMEM((L, HIDDEN), jnp.float32),
            pltpu.VMEM((2, HIDDEN), jnp.float32),
            pltpu.VMEM((2, NSUB, SUB), jnp.int32),
            pltpu.VMEM((CHUNK, HIDDEN), jnp.float32),
            pltpu.VMEM((CHUNK, HIDDEN), jnp.float32),
            pltpu.SemaphoreType.DMA,
            pltpu.SemaphoreType.DMA,
            pltpu.SemaphoreType.DMA,
            pltpu.SemaphoreType.DMA,
        ],
    )
    out = run(ids_flat, token_table, pos_table, gamma, beta)
    return out.reshape(B, L, HIDDEN)

# --- scband reference (transcript-rebuilt; emitter-appended) ---
"""Pipeline reference for scband-bert-embeddings-51677046506048 (READ-ONLY COPY).

The authoritative reference and input builder live on the scoring server;
editing this copy changes nothing except your own understanding.
"""

import jax, jax.numpy as jnp
import numpy as np

VOCAB = 1000000
HIDDEN = 64
MAX_LEN = 512
B = 4096
L = 200

def setup_inputs(seed: int = 0) -> dict:
    key = jax.random.key(seed)
    k1, k2, k3 = jax.random.split(key, 3)
    input_ids = jax.random.randint(k1, (B, L), 0, VOCAB, dtype=jnp.int64 if jax.config.jax_enable_x64 else jnp.int32)
    token_table = jax.random.normal(k2, (VOCAB, HIDDEN), dtype=jnp.float32) * 0.02
    pos_table = jax.random.normal(k3, (MAX_LEN, HIDDEN), dtype=jnp.float32) * 0.02
    gamma = jnp.ones((HIDDEN,), dtype=jnp.float32)
    beta = jnp.zeros((HIDDEN,), dtype=jnp.float32)
    return {"input_ids": input_ids, "token_table": token_table, "pos_table": pos_table, "gamma": gamma, "beta": beta}

def _layer_norm(x, gamma, beta, eps=1e-5):
    mean = jnp.mean(x, axis=-1, keepdims=True)
    var = jnp.mean(jnp.square(x - mean), axis=-1, keepdims=True)
    xhat = (x - mean) / jnp.sqrt(var + eps)
    return xhat * gamma + beta

def reference(input_ids, token_table, pos_table, gamma, beta):
    seq_len = input_ids.shape[1]
    positions = jnp.arange(seq_len)[None, :]
    token_emb = jnp.take(token_table, input_ids, axis=0)
    pos_emb = jnp.take(pos_table, positions, axis=0)
    embeddings = token_emb + pos_emb
    embeddings = _layer_norm(embeddings, gamma, beta)
    # dropout in eval mode is identity
    return embeddings

if __name__ == "__main__":
    import jax
    _d = setup_inputs()
    print(jax.jit(kernel)(*tuple(_d.values())))

</pallas_src>

<mosaic_0001>
#map = affine_map<(d0, d1) -> (0)>
#map1 = affine_map<(d0, d1) -> (0, 0)>
module attributes {stable_mosaic.version = 14 : i64} {
  func.func @_body(%arg0: i32, %arg1: i32, %arg2: memref<819200xi32, #tpu.memory_space<hbm>>, %arg3: memref<1000000x64xf32, #tpu.memory_space<hbm>>, %arg4: memref<512x64xf32, #tpu.memory_space<hbm>>, %arg5: memref<64xf32, #tpu.memory_space<hbm>>, %arg6: memref<64xf32, #tpu.memory_space<hbm>>, %arg7: memref<819200x64xf32, #tpu.memory_space<hbm>>, %arg8: memref<200x64xf32, #tpu.memory_space<vmem>>, %arg9: memref<2x64xf32, #tpu.memory_space<vmem>>, %arg10: memref<2x2x128xi32, #tpu.memory_space<vmem>>, %arg11: memref<256x64xf32, #tpu.memory_space<vmem>>, %arg12: memref<256x64xf32, #tpu.memory_space<vmem>>, %arg13: memref<!tpu.dma_semaphore, #tpu.memory_space<semaphore_mem>>, %arg14: memref<!tpu.dma_semaphore, #tpu.memory_space<semaphore_mem>>, %arg15: memref<!tpu.dma_semaphore, #tpu.memory_space<semaphore_mem>>, %arg16: memref<!tpu.dma_semaphore, #tpu.memory_space<semaphore_mem>>) attributes {dimension_semantics = [#tpu.dimension_semantics<core_parallel>, #tpu.dimension_semantics<subcore_parallel>], iteration_bounds = array<i64: 2, 16>, scalar_prefetch = 0 : i64, scratch_operands = 9 : i64, tpu.core_type = #tpu.core_type<sc_vector_subcore>, window_params = [{transform_indices = #map}, {transform_indices = #map1}, {transform_indices = #map1}, {transform_indices = #map}, {transform_indices = #map}, {transform_indices = #map1}]} {
    %mul3A = arith.constant 2 : i32
    %mul3A_0 = arith.muli %arg1, %mul3A : i32
    %add3A = arith.addi %mul3A_0, %arg0 : i32
    %mul3A_1 = arith.constant 25600 : i32
    %mul3A_2 = arith.muli %add3A, %mul3A_1 : i32
    "tpu.region"() ({
      %run_scoped3A_78 = tpu.sem_alloc : memref<!tpu.dma_semaphore, #tpu.memory_space<semaphore_mem>>
      %dma_start3A_79 = arith.constant 0 : i32
      %dma_start3A_80 = arith.constant 0 : i32
      %dma_start3A_81 = tpu.memref_slice %arg4[%dma_start3A_79, %dma_start3A_80] : memref<512x64xf32, #tpu.memory_space<hbm>> -> memref<200x64xf32, #tpu.memory_space<hbm>>
      %dma_start3A_82 = arith.constant 0 : i32
      %dma_start3A_83 = arith.constant 0 : i32
      %dma_start3A_84 = tpu.memref_slice %arg4[%dma_start3A_82, %dma_start3A_83] : memref<512x64xf32, #tpu.memory_space<hbm>> -> memref<200x64xf32, #tpu.memory_space<hbm>>
      tpu.enqueue_dma source(%dma_start3A_84 : memref<200x64xf32, #tpu.memory_space<hbm>>) target(%arg8 : memref<200x64xf32, #tpu.memory_space<vmem>>) target_semaphore(%run_scoped3A_78 : memref<!tpu.dma_semaphore, #tpu.memory_space<semaphore_mem>>)
      %dma_wait3A_85 = arith.constant 0 : i32
      %dma_wait3A_86 = arith.constant 0 : i32
      %dma_wait3A_87 = tpu.memref_slice %arg4[%dma_wait3A_85, %dma_wait3A_86] : memref<512x64xf32, #tpu.memory_space<hbm>> -> memref<200x64xf32, #tpu.memory_space<hbm>>
      %dma_wait3A_88 = arith.constant 0 : i32
      %dma_wait3A_89 = arith.constant 0 : i32
      %dma_wait3A_90 = tpu.memref_slice %arg4[%dma_wait3A_88, %dma_wait3A_89] : memref<512x64xf32, #tpu.memory_space<hbm>> -> memref<200x64xf32, #tpu.memory_space<hbm>>
      tpu.wait_dma2 semaphore(%run_scoped3A_78 : memref<!tpu.dma_semaphore, #tpu.memory_space<semaphore_mem>>) src(%dma_wait3A_90 : memref<200x64xf32, #tpu.memory_space<hbm>>) dst(%arg8 : memref<200x64xf32, #tpu.memory_space<vmem>>)
      tpu.yield
    }) : () -> ()
    %run_scoped3A = arith.constant 0 : i32
    "tpu.region"() ({
      %run_scoped3A_78 = tpu.sem_alloc : memref<!tpu.dma_semaphore, #tpu.memory_space<semaphore_mem>>
      %dma_start3A_79 = arith.constant 0 : i32
      %dma_start3A_80 = tpu.memref_slice %arg9[%run_scoped3A, %dma_start3A_79] : memref<2x64xf32, #tpu.memory_space<vmem>> -> memref<1x64xf32, #tpu.memory_space<vmem>>
      %dma_start3A_81 = tpu.memref_squeeze %dma_start3A_80 : memref<1x64xf32, #tpu.memory_space<vmem>> -> memref<64xf32, #tpu.memory_space<vmem>>
      %dma_start3A_82 = arith.constant 0 : i32
      %dma_start3A_83 = tpu.memref_slice %arg9[%run_scoped3A, %dma_start3A_82] : memref<2x64xf32, #tpu.memory_space<vmem>> -> memref<1x64xf32, #tpu.memory_space<vmem>>
      %dma_start3A_84 = tpu.memref_squeeze %dma_start3A_83 : memref<1x64xf32, #tpu.memory_space<vmem>> -> memref<64xf32, #tpu.memory_space<vmem>>
      tpu.enqueue_dma source(%arg5 : memref<64xf32, #tpu.memory_space<hbm>>) target(%dma_start3A_84 : memref<64xf32, #tpu.memory_space<vmem>>) target_semaphore(%run_scoped3A_78 : memref<!tpu.dma_semaphore, #tpu.memory_space<semaphore_mem>>)
      %dma_wait3A_85 = arith.constant 0 : i32
      %dma_wait3A_86 = tpu.memref_slice %arg9[%run_scoped3A, %dma_wait3A_85] : memref<2x64xf32, #tpu.memory_space<vmem>> -> memref<1x64xf32, #tpu.memory_space<vmem>>
      %dma_wait3A_87 = tpu.memref_squeeze %dma_wait3A_86 : memref<1x64xf32, #tpu.memory_space<vmem>> -> memref<64xf32, #tpu.memory_space<vmem>>
      %dma_wait3A_88 = arith.constant 0 : i32
      %dma_wait3A_89 = tpu.memref_slice %arg9[%run_scoped3A, %dma_wait3A_88] : memref<2x64xf32, #tpu.memory_space<vmem>> -> memref<1x64xf32, #tpu.memory_space<vmem>>
      %dma_wait3A_90 = tpu.memref_squeeze %dma_wait3A_89 : memref<1x64xf32, #tpu.memory_space<vmem>> -> memref<64xf32, #tpu.memory_space<vmem>>
      tpu.wait_dma2 semaphore(%run_scoped3A_78 : memref<!tpu.dma_semaphore, #tpu.memory_space<semaphore_mem>>) src(%arg5 : memref<64xf32, #tpu.memory_space<hbm>>) dst(%dma_wait3A_90 : memref<64xf32, #tpu.memory_space<vmem>>)
      tpu.yield
    }) : () -> ()
    %run_scoped3A_3 = arith.constant 1 : i32
    "tpu.region"() ({
      %run_scoped3A_78 = tpu.sem_alloc : memref<!tpu.dma_semaphore, #tpu.memory_space<semaphore_mem>>
      %dma_start3A_79 = arith.constant 0 : i32
      %dma_start3A_80 = tpu.memref_slice %arg9[%run_scoped3A_3, %dma_start3A_79] : memref<2x64xf32, #tpu.memory_space<vmem>> -> memref<1x64xf32, #tpu.memory_space<vmem>>
      %dma_start3A_81 = tpu.memref_squeeze %dma_start3A_80 : memref<1x64xf32, #tpu.memory_space<vmem>> -> memref<64xf32, #tpu.memory_space<vmem>>
      %dma_start3A_82 = arith.constant 0 : i32
      %dma_start3A_83 = tpu.memref_slice %arg9[%run_scoped3A_3, %dma_start3A_82] : memref<2x64xf32, #tpu.memory_space<vmem>> -> memref<1x64xf32, #tpu.memory_space<vmem>>
      %dma_start3A_84 = tpu.memref_squeeze %dma_start3A_83 : memref<1x64xf32, #tpu.memory_space<vmem>> -> memref<64xf32, #tpu.memory_space<vmem>>
      tpu.enqueue_dma source(%arg6 : memref<64xf32, #tpu.memory_space<hbm>>) target(%dma_start3A_84 : memref<64xf32, #tpu.memory_space<vmem>>) target_semaphore(%run_scoped3A_78 : memref<!tpu.dma_semaphore, #tpu.memory_space<semaphore_mem>>)
      %dma_wait3A_85 = arith.constant 0 : i32
      %dma_wait3A_86 = tpu.memref_slice %arg9[%run_scoped3A_3, %dma_wait3A_85] : memref<2x64xf32, #tpu.memory_space<vmem>> -> memref<1x64xf32, #tpu.memory_space<vmem>>
      %dma_wait3A_87 = tpu.memref_squeeze %dma_wait3A_86 : memref<1x64xf32, #tpu.memory_space<vmem>> -> memref<64xf32, #tpu.memory_space<vmem>>
      %dma_wait3A_88 = arith.constant 0 : i32
      %dma_wait3A_89 = tpu.memref_slice %arg9[%run_scoped3A_3, %dma_wait3A_88] : memref<2x64xf32, #tpu.memory_space<vmem>> -> memref<1x64xf32, #tpu.memory_space<vmem>>
      %dma_wait3A_90 = tpu.memref_squeeze %dma_wait3A_89 : memref<1x64xf32, #tpu.memory_space<vmem>> -> memref<64xf32, #tpu.memory_space<vmem>>
      tpu.wait_dma2 semaphore(%run_scoped3A_78 : memref<!tpu.dma_semaphore, #tpu.memory_space<semaphore_mem>>) src(%arg6 : memref<64xf32, #tpu.memory_space<hbm>>) dst(%dma_wait3A_90 : memref<64xf32, #tpu.memory_space<vmem>>)
      tpu.yield
    }) : () -> ()
    %get3A = arith.constant 0 : i32
    %get3A_4 = arith.index_cast %get3A : i32 to index
    %get3A_5 = arith.constant 0 : index
    %get3A_6 = tpu.vector_load %arg9[%get3A_4, %get3A_5] {strides = array<i32>} : memref<2x64xf32, #tpu.memory_space<vmem>>, vector<16xf32>,
    %get3A_7 = arith.constant 0 : i32
    %get3A_8 = arith.index_cast %get3A_7 : i32 to index
    %get3A_9 = arith.constant 16 : index
    %get3A_10 = tpu.vector_load %arg9[%get3A_8, %get3A_9] {strides = array<i32>} : memref<2x64xf32, #tpu.memory_space<vmem>>, vector<16xf32>,
    %get3A_11 = arith.constant 0 : i32
    %get3A_12 = arith.index_cast %get3A_11 : i32 to index
    %get3A_13 = arith.constant 32 : index
    %get3A_14 = tpu.vector_load %arg9[%get3A_12, %get3A_13] {strides = array<i32>} : memref<2x64xf32, #tpu.memory_space<vmem>>, vector<16xf32>,
    %get3A_15 = arith.constant 0 : i32
    %get3A_16 = arith.index_cast %get3A_15 : i32 to index
    %get3A_17 = arith.constant 48 : index
    %get3A_18 = tpu.vector_load %arg9[%get3A_16, %get3A_17] {strides = array<i32>} : memref<2x64xf32, #tpu.memory_space<vmem>>, vector<16xf32>,
    %get3A_19 = arith.constant 1 : i32
    %get3A_20 = arith.index_cast %get3A_19 : i32 to index
    %get3A_21 = arith.constant 0 : index
    %get3A_22 = tpu.vector_load %arg9[%get3A_20, %get3A_21] {strides = array<i32>} : memref<2x64xf32, #tpu.memory_space<vmem>>, vector<16xf32>,
    %get3A_23 = arith.constant 1 : i32
    %get3A_24 = arith.index_cast %get3A_23 : i32 to index
    %get3A_25 = arith.constant 16 : index
    %get3A_26 = tpu.vector_load %arg9[%get3A_24, %get3A_25] {strides = array<i32>} : memref<2x64xf32, #tpu.memory_space<vmem>>, vector<16xf32>,
    %get3A_27 = arith.constant 1 : i32
    %get3A_28 = arith.index_cast %get3A_27 : i32 to index
    %get3A_29 = arith.constant 32 : index
    %get3A_30 = tpu.vector_load %arg9[%get3A_28, %get3A_29] {strides = array<i32>} : memref<2x64xf32, #tpu.memory_space<vmem>>, vector<16xf32>,
    %get3A_31 = arith.constant 1 : i32
    %get3A_32 = arith.index_cast %get3A_31 : i32 to index
    %get3A_33 = arith.constant 48 : index
    %get3A_34 = tpu.vector_load %arg9[%get3A_32, %get3A_33] {strides = array<i32>} : memref<2x64xf32, #tpu.memory_space<vmem>>, vector<16xf32>,
    %add3A_35 = arith.constant 0 : i32
    %add3A_36 = arith.addi %mul3A_2, %add3A_35 : i32
    %add3A_37 = arith.constant 0 : i32
    %add3A_38 = arith.addi %add3A_36, %add3A_37 : i32
    %run_scoped3A_39 = arith.constant 0 : i32
    %run_scoped3A_40 = arith.constant 0 : i32
    "tpu.region"() ({
      %run_scoped3A_78 = tpu.sem_alloc : memref<!tpu.dma_semaphore, #tpu.memory_space<semaphore_mem>>
      %dma_start3A_79 = arith.constant 0 : i32
      %dma_start3A_80 = tpu.memref_slice %arg10[%run_scoped3A_39, %run_scoped3A_40, %dma_start3A_79] : memref<2x2x128xi32, #tpu.memory_space<vmem>> -> memref<1x1x128xi32, #tpu.memory_space<vmem>>
      %dma_start3A_81 = tpu.memref_squeeze %dma_start3A_80 : memref<1x1x128xi32, #tpu.memory_space<vmem>> -> memref<128xi32, #tpu.memory_space<vmem>>
      %dma_start3A_82 = tpu.memref_slice %arg2[%add3A_38] : memref<819200xi32, #tpu.memory_space<hbm>> -> memref<128xi32, #tpu.memory_space<hbm>>
      %dma_start3A_83 = arith.constant 0 : i32
      %dma_start3A_84 = tpu.memref_slice %arg10[%run_scoped3A_39, %run_scoped3A_40, %dma_start3A_83] : memref<2x2x128xi32, #tpu.memory_space<vmem>> -> memref<1x1x128xi32, #tpu.memory_space<vmem>>
      %dma_start3A_85 = tpu.memref_squeeze %dma_start3A_84 : memref<1x1x128xi32, #tpu.memory_space<vmem>> -> memref<128xi32, #tpu.memory_space<vmem>>
      %dma_start3A_86 = tpu.memref_slice %arg2[%add3A_38] : memref<819200xi32, #tpu.memory_space<hbm>> -> memref<128xi32, #tpu.memory_space<hbm>>
      tpu.enqueue_dma source(%dma_start3A_86 : memref<128xi32, #tpu.memory_space<hbm>>) target(%dma_start3A_85 : memref<128xi32, #tpu.memory_space<vmem>>) target_semaphore(%run_scoped3A_78 : memref<!tpu.dma_semaphore, #tpu.memory_space<semaphore_mem>>)
      %dma_wait3A_87 = arith.constant 0 : i32
      %dma_wait3A_88 = tpu.memref_slice %arg10[%run_scoped3A_39, %run_scoped3A_40, %dma_wait3A_87] : memref<2x2x128xi32, #tpu.memory_space<vmem>> -> memref<1x1x128xi32, #tpu.memory_space<vmem>>
      %dma_wait3A_89 = tpu.memref_squeeze %dma_wait3A_88 : memref<1x1x128xi32, #tpu.memory_space<vmem>> -> memref<128xi32, #tpu.memory_space<vmem>>
      %dma_wait3A_90 = tpu.memref_slice %arg2[%add3A_38] : memref<819200xi32, #tpu.memory_space<hbm>> -> memref<128xi32, #tpu.memory_space<hbm>>
      %dma_wait3A_91 = arith.constant 0 : i32
      %dma_wait3A_92 = tpu.memref_slice %arg10[%run_scoped3A_39, %run_scoped3A_40, %dma_wait3A_91] : memref<2x2x128xi32, #tpu.memory_space<vmem>> -> memref<1x1x128xi32, #tpu.memory_space<vmem>>
      %dma_wait3A_93 = tpu.memref_squeeze %dma_wait3A_92 : memref<1x1x128xi32, #tpu.memory_space<vmem>> -> memref<128xi32, #tpu.memory_space<vmem>>
      %dma_wait3A_94 = tpu.memref_slice %arg2[%add3A_38] : memref<819200xi32, #tpu.memory_space<hbm>> -> memref<128xi32, #tpu.memory_space<hbm>>
      tpu.wait_dma2 semaphore(%run_scoped3A_78 : memref<!tpu.dma_semaphore, #tpu.memory_space<semaphore_mem>>) src(%dma_wait3A_94 : memref<128xi32, #tpu.memory_space<hbm>>) dst(%dma_wait3A_93 : memref<128xi32, #tpu.memory_space<vmem>>)
      tpu.yield
    }) : () -> ()
    %add3A_41 = arith.constant 128 : i32
    %add3A_42 = arith.addi %add3A_36, %add3A_41 : i32
    %run_scoped3A_43 = arith.constant 0 : i32
    %run_scoped3A_44 = arith.constant 1 : i32
    "tpu.region"() ({
      %run_scoped3A_78 = tpu.sem_alloc : memref<!tpu.dma_semaphore, #tpu.memory_space<semaphore_mem>>
      %dma_start3A_79 = arith.constant 0 : i32
      %dma_start3A_80 = tpu.memref_slice %arg10[%run_scoped3A_43, %run_scoped3A_44, %dma_start3A_79] : memref<2x2x128xi32, #tpu.memory_space<vmem>> -> memref<1x1x128xi32, #tpu.memory_space<vmem>>
      %dma_start3A_81 = tpu.memref_squeeze %dma_start3A_80 : memref<1x1x128xi32, #tpu.memory_space<vmem>> -> memref<128xi32, #tpu.memory_space<vmem>>
      %dma_start3A_82 = tpu.memref_slice %arg2[%add3A_42] : memref<819200xi32, #tpu.memory_space<hbm>> -> memref<128xi32, #tpu.memory_space<hbm>>
      %dma_start3A_83 = arith.constant 0 : i32
      %dma_start3A_84 = tpu.memref_slice %arg10[%run_scoped3A_43, %run_scoped3A_44, %dma_start3A_83] : memref<2x2x128xi32, #tpu.memory_space<vmem>> -> memref<1x1x128xi32, #tpu.memory_space<vmem>>
      %dma_start3A_85 = tpu.memref_squeeze %dma_start3A_84 : memref<1x1x128xi32, #tpu.memory_space<vmem>> -> memref<128xi32, #tpu.memory_space<vmem>>
      %dma_start3A_86 = tpu.memref_slice %arg2[%add3A_42] : memref<819200xi32, #tpu.memory_space<hbm>> -> memref<128xi32, #tpu.memory_space<hbm>>
      tpu.enqueue_dma source(%dma_start3A_86 : memref<128xi32, #tpu.memory_space<hbm>>) target(%dma_start3A_85 : memref<128xi32, #tpu.memory_space<vmem>>) target_semaphore(%run_scoped3A_78 : memref<!tpu.dma_semaphore, #tpu.memory_space<semaphore_mem>>)
      %dma_wait3A_87 = arith.constant 0 : i32
      %dma_wait3A_88 = tpu.memref_slice %arg10[%run_scoped3A_43, %run_scoped3A_44, %dma_wait3A_87] : memref<2x2x128xi32, #tpu.memory_space<vmem>> -> memref<1x1x128xi32, #tpu.memory_space<vmem>>
      %dma_wait3A_89 = tpu.memref_squeeze %dma_wait3A_88 : memref<1x1x128xi32, #tpu.memory_space<vmem>> -> memref<128xi32, #tpu.memory_space<vmem>>
      %dma_wait3A_90 = tpu.memref_slice %arg2[%add3A_42] : memref<819200xi32, #tpu.memory_space<hbm>> -> memref<128xi32, #tpu.memory_space<hbm>>
      %dma_wait3A_91 = arith.constant 0 : i32
      %dma_wait3A_92 = tpu.memref_slice %arg10[%run_scoped3A_43, %run_scoped3A_44, %dma_wait3A_91] : memref<2x2x128xi32, #tpu.memory_space<vmem>> -> memref<1x1x128xi32, #tpu.memory_space<vmem>>
      %dma_wait3A_93 = tpu.memref_squeeze %dma_wait3A_92 : memref<1x1x128xi32, #tpu.memory_space<vmem>> -> memref<128xi32, #tpu.memory_space<vmem>>
      %dma_wait3A_94 = tpu.memref_slice %arg2[%add3A_42] : memref<819200xi32, #tpu.memory_space<hbm>> -> memref<128xi32, #tpu.memory_space<hbm>>
      tpu.wait_dma2 semaphore(%run_scoped3A_78 : memref<!tpu.dma_semaphore, #tpu.memory_space<semaphore_mem>>) src(%dma_wait3A_94 : memref<128xi32, #tpu.memory_space<hbm>>) dst(%dma_wait3A_93 : memref<128xi32, #tpu.memory_space<vmem>>)
      tpu.yield
    }) : () -> ()
    %dma_start3A = arith.constant 0 : i32
    %dma_start3A_45 = arith.constant 0 : i32
    %dma_start3A_46 = arith.constant 0 : i32
    %dma_start3A_47 = arith.constant 0 : i32
    %dma_start3A_48 = tpu.memref_slice %arg11[%dma_start3A_46, %dma_start3A_47] : memref<256x64xf32, #tpu.memory_space<vmem>> -> memref<128x64xf32, #tpu.memory_space<vmem>>
    %dma_start3A_49 = arith.constant 0 : i32
    %dma_start3A_50 = tpu.memref_slice %arg10[%dma_start3A, %dma_start3A_45, %dma_start3A_49] : memref<2x2x128xi32, #tpu.memory_space<vmem>> -> memref<1x1x128xi32, #tpu.memory_space<vmem>>
    %dma_start3A_51 = tpu.memref_squeeze %dma_start3A_50 : memref<1x1x128xi32, #tpu.memory_space<vmem>> -> memref<128xi32, #tpu.memory_space<vmem>>
    %dma_start3A_52 = arith.constant 0 : i32
    %dma_start3A_53 = arith.constant 0 : i32
    %dma_start3A_54 = tpu.memref_slice %arg3[%dma_start3A_52, %dma_start3A_53] : memref<1000000x64xf32, #tpu.memory_space<hbm>> -> memref<1000000x64xf32, #tpu.memory_space<hbm>>
    tpu.enqueue_indirect_dma source(%dma_start3A_54 : memref<1000000x64xf32, #tpu.memory_space<hbm>>) target(%dma_start3A_48 : memref<128x64xf32, #tpu.memory_space<vmem>>) offsets(%dma_start3A_51 : memref<128xi32, #tpu.memory_space<vmem>>) semaphore(%arg13 : memref<!tpu.dma_semaphore, #tpu.memory_space<semaphore_mem>>)
    %dma_start3A_55 = arith.constant 0 : i32
    %dma_start3A_56 = arith.constant 1 : i32
    %dma_start3A_57 = arith.constant 128 : i32
    %dma_start3A_58 = arith.constant 0 : i32
    %dma_start3A_59 = tpu.memref_slice %arg11[%dma_start3A_57, %dma_start3A_58] : memref<256x64xf32, #tpu.memory_space<vmem>> -> memref<128x64xf32, #tpu.memory_space<vmem>>
    %dma_start3A_60 = arith.constant 0 : i32
    %dma_start3A_61 = tpu.memref_slice %arg10[%dma_start3A_55, %dma_start3A_56, %dma_start3A_60] : memref<2x2x128xi32, #tpu.memory_space<vmem>> -> memref<1x1x128xi32, #tpu.memory_space<vmem>>
    %dma_start3A_62 = tpu.memref_squeeze %dma_start3A_61 : memref<1x1x128xi32, #tpu.memory_space<vmem>> -> memref<128xi32, #tpu.memory_space<vmem>>
    %dma_start3A_63 = arith.constant 0 : i32
    %dma_start3A_64 = arith.constant 0 : i32
    %dma_start3A_65 = tpu.memref_slice %arg3[%dma_start3A_63, %dma_start3A_64] : memref<1000000x64xf32, #tpu.memory_space<hbm>> -> memref<1000000x64xf32, #tpu.memory_space<hbm>>
    tpu.enqueue_indirect_dma source(%dma_start3A_65 : memref<1000000x64xf32, #tpu.memory_space<hbm>>) target(%dma_start3A_59 : memref<128x64xf32, #tpu.memory_space<vmem>>) offsets(%dma_start3A_62 : memref<128xi32, #tpu.memory_space<vmem>>) semaphore(%arg13 : memref<!tpu.dma_semaphore, #tpu.memory_space<semaphore_mem>>)
    %scan3A = arith.constant 0 : i32
    %scan3A_66 = arith.constant 0 : i32
    %scan3A_67 = arith.constant 50 : i32
    %scan3A_68 = arith.addi %scan3A_66, %scan3A_67 : i32
    %scan3A_69 = arith.constant 1 : i32
    scf.for %scan3A_78 = %scan3A_66 to %scan3A_68 step %scan3A_69  : i32 {
      %mul3A_79 = arith.constant 2 : i32
      %mul3A_80 = arith.muli %scan3A_78, %mul3A_79 : i32
      %add3A_81 = arith.constant 0 : i32
      %add3A_82 = arith.addi %mul3A_80, %add3A_81 : i32
      %add3A_83 = arith.constant 1 : i32
      %add3A_84 = arith.addi %add3A_82, %add3A_83 : i32
      %lt3A = arith.constant 100 : i32
      %lt3A_85 = arith.cmpi slt, %add3A_84, %lt3A : i32
      %convert_element_type3A = arith.extui %lt3A_85 : i1 to i32
      %cond3A = arith.constant 0 : i32
      %cond3A_86 = arith.cmpi ne, %convert_element_type3A, %cond3A : i32
      scf.if %cond3A_86 {
        %add3A_177 = arith.constant 1 : i32
        %add3A_178 = arith.addi %add3A_82, %add3A_177 : i32
        %mul3A_179 = arith.constant 256 : i32
        %mul3A_180 = arith.muli %add3A_178, %mul3A_179 : i32
        %add3A_181 = arith.addi %mul3A_2, %mul3A_180 : i32
        %add3A_182 = arith.constant 0 : i32
        %add3A_183 = arith.addi %add3A_181, %add3A_182 : i32
        %run_scoped3A_184 = arith.constant 1 : i32
        %run_scoped3A_185 = arith.constant 0 : i32
        "tpu.region"() ({
          %run_scoped3A_212 = tpu.sem_alloc : memref<!tpu.dma_semaphore, #tpu.memory_space<semaphore_mem>>
          %dma_start3A_213 = arith.constant 0 : i32
          %dma_start3A_214 = tpu.memref_slice %arg10[%run_scoped3A_184, %run_scoped3A_185, %dma_start3A_213] : memref<2x2x128xi32, #tpu.memory_space<vmem>> -> memref<1x1x128xi32, #tpu.memory_space<vmem>>
          %dma_start3A_215 = tpu.memref_squeeze %dma_start3A_214 : memref<1x1x128xi32, #tpu.memory_space<vmem>> -> memref<128xi32, #tpu.memory_space<vmem>>
          %dma_start3A_216 = tpu.memref_slice %arg2[%add3A_183] : memref<819200xi32, #tpu.memory_space<hbm>> -> memref<128xi32, #tpu.memory_space<hbm>>
          %dma_start3A_217 = arith.constant 0 : i32
          %dma_start3A_218 = tpu.memref_slice %arg10[%run_scoped3A_184, %run_scoped3A_185, %dma_start3A_217] : memref<2x2x128xi32, #tpu.memory_space<vmem>> -> memref<1x1x128xi32, #tpu.memory_space<vmem>>
          %dma_start3A_219 = tpu.memref_squeeze %dma_start3A_218 : memref<1x1x128xi32, #tpu.memory_space<vmem>> -> memref<128xi32, #tpu.memory_space<vmem>>
          %dma_start3A_220 = tpu.memref_slice %arg2[%add3A_183] : memref<819200xi32, #tpu.memory_space<hbm>> -> memref<128xi32, #tpu.memory_space<hbm>>
          tpu.enqueue_dma source(%dma_start3A_220 : memref<128xi32, #tpu.memory_space<hbm>>) target(%dma_start3A_219 : memref<128xi32, #tpu.memory_space<vmem>>) target_semaphore(%run_scoped3A_212 : memref<!tpu.dma_semaphore, #tpu.memory_space<semaphore_mem>>)
          %dma_wait3A_221 = arith.constant 0 : i32
          %dma_wait3A_222 = tpu.memref_slice %arg10[%run_scoped3A_184, %run_scoped3A_185, %dma_wait3A_221] : memref<2x2x128xi32, #tpu.memory_space<vmem>> -> memref<1x1x128xi32, #tpu.memory_space<vmem>>
          %dma_wait3A_223 = tpu.memref_squeeze %dma_wait3A_222 : memref<1x1x128xi32, #tpu.memory_space<vmem>> -> memref<128xi32, #tpu.memory_space<vmem>>
          %dma_wait3A_224 = tpu.memref_slice %arg2[%add3A_183] : memref<819200xi32, #tpu.memory_space<hbm>> -> memref<128xi32, #tpu.memory_space<hbm>>
          %dma_wait3A_225 = arith.constant 0 : i32
          %dma_wait3A_226 = tpu.memref_slice %arg10[%run_scoped3A_184, %run_scoped3A_185, %dma_wait3A_225] : memref<2x2x128xi32, #tpu.memory_space<vmem>> -> memref<1x1x128xi32, #tpu.memory_space<vmem>>
          %dma_wait3A_227 = tpu.memref_squeeze %dma_wait3A_226 : memref<1x1x128xi32, #tpu.memory_space<vmem>> -> memref<128xi32, #tpu.memory_space<vmem>>
          %dma_wait3A_228 = tpu.memref_slice %arg2[%add3A_183] : memref<819200xi32, #tpu.memory_space<hbm>> -> memref<128xi32, #tpu.memory_space<hbm>>
          tpu.wait_dma2 semaphore(%run_scoped3A_212 : memref<!tpu.dma_semaphore, #tpu.memory_space<semaphore_mem>>) src(%dma_wait3A_228 : memref<128xi32, #tpu.memory_space<hbm>>) dst(%dma_wait3A_227 : memref<128xi32, #tpu.memory_space<vmem>>)
          tpu.yield
        }) : () -> ()
        %add3A_186 = arith.constant 128 : i32
        %add3A_187 = arith.addi %add3A_181, %add3A_186 : i32
        %run_scoped3A_188 = arith.constant 1 : i32
        %run_scoped3A_189 = arith.constant 1 : i32
        "tpu.region"() ({
          %run_scoped3A_212 = tpu.sem_alloc : memref<!tpu.dma_semaphore, #tpu.memory_space<semaphore_mem>>
          %dma_start3A_213 = arith.constant 0 : i32
          %dma_start3A_214 = tpu.memref_slice %arg10[%run_scoped3A_188, %run_scoped3A_189, %dma_start3A_213] : memref<2x2x128xi32, #tpu.memory_space<vmem>> -> memref<1x1x128xi32, #tpu.memory_space<vmem>>
          %dma_start3A_215 = tpu.memref_squeeze %dma_start3A_214 : memref<1x1x128xi32, #tpu.memory_space<vmem>> -> memref<128xi32, #tpu.memory_space<vmem>>
          %dma_start3A_216 = tpu.memref_slice %arg2[%add3A_187] : memref<819200xi32, #tpu.memory_space<hbm>> -> memref<128xi32, #tpu.memory_space<hbm>>
          %dma_start3A_217 = arith.constant 0 : i32
          %dma_start3A_218 = tpu.memref_slice %arg10[%run_scoped3A_188, %run_scoped3A_189, %dma_start3A_217] : memref<2x2x128xi32, #tpu.memory_space<vmem>> -> memref<1x1x128xi32, #tpu.memory_space<vmem>>
          %dma_start3A_219 = tpu.memref_squeeze %dma_start3A_218 : memref<1x1x128xi32, #tpu.memory_space<vmem>> -> memref<128xi32, #tpu.memory_space<vmem>>
          %dma_start3A_220 = tpu.memref_slice %arg2[%add3A_187] : memref<819200xi32, #tpu.memory_space<hbm>> -> memref<128xi32, #tpu.memory_space<hbm>>
          tpu.enqueue_dma source(%dma_start3A_220 : memref<128xi32, #tpu.memory_space<hbm>>) target(%dma_start3A_219 : memref<128xi32, #tpu.memory_space<vmem>>) target_semaphore(%run_scoped3A_212 : memref<!tpu.dma_semaphore, #tpu.memory_space<semaphore_mem>>)
          %dma_wait3A_221 = arith.constant 0 : i32
          %dma_wait3A_222 = tpu.memref_slice %arg10[%run_scoped3A_188, %run_scoped3A_189, %dma_wait3A_221] : memref<2x2x128xi32, #tpu.memory_space<vmem>> -> memref<1x1x128xi32, #tpu.memory_space<vmem>>
          %dma_wait3A_223 = tpu.memref_squeeze %dma_wait3A_222 : memref<1x1x128xi32, #tpu.memory_space<vmem>> -> memref<128xi32, #tpu.memory_space<vmem>>
          %dma_wait3A_224 = tpu.memref_slice %arg2[%add3A_187] : memref<819200xi32, #tpu.memory_space<hbm>> -> memref<128xi32, #tpu.memory_space<hbm>>
          %dma_wait3A_225 = arith.constant 0 : i32
          %dma_wait3A_226 = tpu.memref_slice %arg10[%run_scoped3A_188, %run_scoped3A_189, %dma_wait3A_225] : memref<2x2x128xi32, #tpu.memory_space<vmem>> -> memref<1x1x128xi32, #tpu.memory_space<vmem>>
          %dma_wait3A_227 = tpu.memref_squeeze %dma_wait3A_226 : memref<1x1x128xi32, #tpu.memory_space<vmem>> -> memref<128xi32, #tpu.memory_space<vmem>>
          %dma_wait3A_228 = tpu.memref_slice %arg2[%add3A_187] : memref<819200xi32, #tpu.memory_space<hbm>> -> memref<128xi32, #tpu.memory_space<hbm>>
          tpu.wait_dma2 semaphore(%run_scoped3A_212 : memref<!tpu.dma_semaphore, #tpu.memory_space<semaphore_mem>>) src(%dma_wait3A_228 : memref<128xi32, #tpu.memory_space<hbm>>) dst(%dma_wait3A_227 : memref<128xi32, #tpu.memory_space<vmem>>)
          tpu.yield
        }) : () -> ()
        %dma_start3A_190 = arith.constant 1 : i32
        %dma_start3A_191 = arith.constant 0 : i32
        %dma_start3A_192 = arith.constant 0 : i32
        %dma_start3A_193 = arith.constant 0 : i32
        %dma_start3A_194 = tpu.memref_slice %arg12[%dma_start3A_192, %dma_start3A_193] : memref<256x64xf32, #tpu.memory_space<vmem>> -> memref<128x64xf32, #tpu.memory_space<vmem>>
        %dma_start3A_195 = arith.constant 0 : i32
        %dma_start3A_196 = tpu.memref_slice %arg10[%dma_start3A_190, %dma_start3A_191, %dma_start3A_195] : memref<2x2x128xi32, #tpu.memory_space<vmem>> -> memref<1x1x128xi32, #tpu.memory_space<vmem>>
        %dma_start3A_197 = tpu.memref_squeeze %dma_start3A_196 : memref<1x1x128xi32, #tpu.memory_space<vmem>> -> memref<128xi32, #tpu.memory_space<vmem>>
        %dma_start3A_198 = arith.constant 0 : i32
        %dma_start3A_199 = arith.constant 0 : i32
        %dma_start3A_200 = tpu.memref_slice %arg3[%dma_start3A_198, %dma_start3A_199] : memref<1000000x64xf32, #tpu.memory_space<hbm>> -> memref<1000000x64xf32, #tpu.memory_space<hbm>>
        tpu.enqueue_indirect_dma source(%dma_start3A_200 : memref<1000000x64xf32, #tpu.memory_space<hbm>>) target(%dma_start3A_194 : memref<128x64xf32, #tpu.memory_space<vmem>>) offsets(%dma_start3A_197 : memref<128xi32, #tpu.memory_space<vmem>>) semaphore(%arg14 : memref<!tpu.dma_semaphore, #tpu.memory_space<semaphore_mem>>)
        %dma_start3A_201 = arith.constant 1 : i32
        %dma_start3A_202 = arith.constant 1 : i32
        %dma_start3A_203 = arith.constant 128 : i32
        %dma_start3A_204 = arith.constant 0 : i32
        %dma_start3A_205 = tpu.memref_slice %arg12[%dma_start3A_203, %dma_start3A_204] : memref<256x64xf32, #tpu.memory_space<vmem>> -> memref<128x64xf32, #tpu.memory_space<vmem>>
        %dma_start3A_206 = arith.constant 0 : i32
        %dma_start3A_207 = tpu.memref_slice %arg10[%dma_start3A_201, %dma_start3A_202, %dma_start3A_206] : memref<2x2x128xi32, #tpu.memory_space<vmem>> -> memref<1x1x128xi32, #tpu.memory_space<vmem>>
        %dma_start3A_208 = tpu.memref_squeeze %dma_start3A_207 : memref<1x1x128xi32, #tpu.memory_space<vmem>> -> memref<128xi32, #tpu.memory_space<vmem>>
        %dma_start3A_209 = arith.constant 0 : i32
        %dma_start3A_210 = arith.constant 0 : i32
        %dma_start3A_211 = tpu.memref_slice %arg3[%dma_start3A_209, %dma_start3A_210] : memref<1000000x64xf32, #tpu.memory_space<hbm>> -> memref<1000000x64xf32, #tpu.memory_space<hbm>>
        tpu.enqueue_indirect_dma source(%dma_start3A_211 : memref<1000000x64xf32, #tpu.memory_space<hbm>>) target(%dma_start3A_205 : memref<128x64xf32, #tpu.memory_space<vmem>>) offsets(%dma_start3A_208 : memref<128xi32, #tpu.memory_space<vmem>>) semaphore(%arg14 : memref<!tpu.dma_semaphore, #tpu.memory_space<semaphore_mem>>)
      } else {
      }
      %mul3A_87 = arith.constant 256 : i32
      %mul3A_88 = arith.muli %add3A_82, %mul3A_87 : i32
      %add3A_89 = arith.addi %mul3A_2, %mul3A_88 : i32
      %dma_wait3A_90 = arith.constant 0 : i32
      %dma_wait3A_91 = arith.constant 0 : i32
      %dma_wait3A_92 = arith.constant 0 : i32
      %dma_wait3A_93 = arith.constant 0 : i32
      %dma_wait3A_94 = tpu.memref_slice %arg11[%dma_wait3A_92, %dma_wait3A_93] : memref<256x64xf32, #tpu.memory_space<vmem>> -> memref<128x64xf32, #tpu.memory_space<vmem>>
      %dma_wait3A_95 = arith.constant 0 : i32
      %dma_wait3A_96 = tpu.memref_slice %arg10[%dma_wait3A_90, %dma_wait3A_91, %dma_wait3A_95] : memref<2x2x128xi32, #tpu.memory_space<vmem>> -> memref<1x1x128xi32, #tpu.memory_space<vmem>>
      %dma_wait3A_97 = tpu.memref_squeeze %dma_wait3A_96 : memref<1x1x128xi32, #tpu.memory_space<vmem>> -> memref<128xi32, #tpu.memory_space<vmem>>
      %dma_wait3A_98 = arith.constant 0 : i32
      %dma_wait3A_99 = arith.constant 0 : i32
      %dma_wait3A_100 = tpu.memref_slice %arg3[%dma_wait3A_98, %dma_wait3A_99] : memref<1000000x64xf32, #tpu.memory_space<hbm>> -> memref<1000000x64xf32, #tpu.memory_space<hbm>>
      tpu.wait_indirect_dma semaphore(%arg13 : memref<!tpu.dma_semaphore, #tpu.memory_space<semaphore_mem>>) src(%dma_wait3A_100 : memref<1000000x64xf32, #tpu.memory_space<hbm>>) dst(%dma_wait3A_94 : memref<128x64xf32, #tpu.memory_space<vmem>>)
      %dma_wait3A_101 = arith.constant 0 : i32
      %dma_wait3A_102 = arith.constant 1 : i32
      %dma_wait3A_103 = arith.constant 128 : i32
      %dma_wait3A_104 = arith.constant 0 : i32
      %dma_wait3A_105 = tpu.memref_slice %arg11[%dma_wait3A_103, %dma_wait3A_104] : memref<256x64xf32, #tpu.memory_space<vmem>> -> memref<128x64xf32, #tpu.memory_space<vmem>>
      %dma_wait3A_106 = arith.constant 0 : i32
      %dma_wait3A_107 = tpu.memref_slice %arg10[%dma_wait3A_101, %dma_wait3A_102, %dma_wait3A_106] : memref<2x2x128xi32, #tpu.memory_space<vmem>> -> memref<1x1x128xi32, #tpu.memory_space<vmem>>
      %dma_wait3A_108 = tpu.memref_squeeze %dma_wait3A_107 : memref<1x1x128xi32, #tpu.memory_space<vmem>> -> memref<128xi32, #tpu.memory_space<vmem>>
      %dma_wait3A_109 = arith.constant 0 : i32
      %dma_wait3A_110 = arith.constant 0 : i32
      %dma_wait3A_111 = tpu.memref_slice %arg3[%dma_wait3A_109, %dma_wait3A_110] : memref<1000000x64xf32, #tpu.memory_space<hbm>> -> memref<1000000x64xf32, #tpu.memory_space<hbm>>
      tpu.wait_indirect_dma semaphore(%arg13 : memref<!tpu.dma_semaphore, #tpu.memory_space<semaphore_mem>>) src(%dma_wait3A_111 : memref<1000000x64xf32, #tpu.memory_space<hbm>>) dst(%dma_wait3A_105 : memref<128x64xf32, #tpu.memory_space<vmem>>)
      %ge3A = arith.constant 2 : i32
      %ge3A_112 = arith.cmpi sge, %add3A_82, %ge3A : i32
      %convert_element_type3A_113 = arith.extui %ge3A_112 : i1 to i32
      %cond3A_114 = arith.constant 0 : i32
      %cond3A_115 = arith.cmpi ne, %convert_element_type3A_113, %cond3A_114 : i32
      scf.if %cond3A_115 {
        %dma_wait3A_177 = arith.constant 0 : i32
        %dma_wait3A_178 = tpu.memref_slice %arg7[%mul3A_2, %dma_wait3A_177] : memref<819200x64xf32, #tpu.memory_space<hbm>> -> memref<256x64xf32, #tpu.memory_space<hbm>>
        %dma_wait3A_179 = arith.constant 0 : i32
        %dma_wait3A_180 = tpu.memref_slice %arg7[%mul3A_2, %dma_wait3A_179] : memref<819200x64xf32, #tpu.memory_space<hbm>> -> memref<256x64xf32, #tpu.memory_space<hbm>>
        tpu.wait_dma2 semaphore(%arg15 : memref<!tpu.dma_semaphore, #tpu.memory_space<semaphore_mem>>) src(%arg11 : memref<256x64xf32, #tpu.memory_space<vmem>>) dst(%dma_wait3A_180 : memref<256x64xf32, #tpu.memory_space<hbm>>)
      } else {
      }
      %mul3A_116 = arith.constant 256 : i32
      %mul3A_117 = arith.muli %add3A_82, %mul3A_116 : i32
      %rem3A = arith.constant 200 : i32
      %rem3A_118 = arith.remsi %mul3A_117, %rem3A : i32
      %parallel_loop3A = arith.constant 0 : i32
      %parallel_loop3A_119 = arith.constant 256 : i32
      %parallel_loop3A_120 = arith.constant 1 : i32
      scf.for %parallel_loop3A_177 = %parallel_loop3A to %parallel_loop3A_119 step %parallel_loop3A_120  : i32 {
        %parallel_loop3A_178 = arith.addi %rem3A_118, %parallel_loop3A_177 : i32
        %parallel_loop3A_179 = arith.constant 200 : i32
        %parallel_loop3A_180 = arith.remsi %parallel_loop3A_178, %parallel_loop3A_179 : i32
        %parallel_loop3A_181 = arith.index_cast %parallel_loop3A_177 : i32 to index
        %parallel_loop3A_182 = arith.constant 0 : index
        %parallel_loop3A_183 = tpu.vector_load %arg11[%parallel_loop3A_181, %parallel_loop3A_182] {strides = array<i32>} : memref<256x64xf32, #tpu.memory_space<vmem>>, vector<16xf32>,
        %parallel_loop3A_184 = arith.index_cast %parallel_loop3A_180 : i32 to index
        %parallel_loop3A_185 = arith.constant 0 : index
        %parallel_loop3A_186 = tpu.vector_load %arg8[%parallel_loop3A_184, %parallel_loop3A_185] {strides = array<i32>} : memref<200x64xf32, #tpu.memory_space<vmem>>, vector<16xf32>,
        %parallel_loop3A_187 = arith.addf %parallel_loop3A_183, %parallel_loop3A_186 : vector<16xf32>
        %parallel_loop3A_188 = arith.index_cast %parallel_loop3A_177 : i32 to index
        %parallel_loop3A_189 = arith.constant 16 : index
        %parallel_loop3A_190 = tpu.vector_load %arg11[%parallel_loop3A_188, %parallel_loop3A_189] {strides = array<i32>} : memref<256x64xf32, #tpu.memory_space<vmem>>, vector<16xf32>,
        %parallel_loop3A_191 = arith.index_cast %parallel_loop3A_180 : i32 to index
        %parallel_loop3A_192 = arith.constant 16 : index
        %parallel_loop3A_193 = tpu.vector_load %arg8[%parallel_loop3A_191, %parallel_loop3A_192] {strides = array<i32>} : memref<200x64xf32, #tpu.memory_space<vmem>>, vector<16xf32>,
        %parallel_loop3A_194 = arith.addf %parallel_loop3A_190, %parallel_loop3A_193 : vector<16xf32>
        %parallel_loop3A_195 = arith.index_cast %parallel_loop3A_177 : i32 to index
        %parallel_loop3A_196 = arith.constant 32 : index
        %parallel_loop3A_197 = tpu.vector_load %arg11[%parallel_loop3A_195, %parallel_loop3A_196] {strides = array<i32>} : memref<256x64xf32, #tpu.memory_space<vmem>>, vector<16xf32>,
        %parallel_loop3A_198 = arith.index_cast %parallel_loop3A_180 : i32 to index
        %parallel_loop3A_199 = arith.constant 32 : index
        %parallel_loop3A_200 = tpu.vector_load %arg8[%parallel_loop3A_198, %parallel_loop3A_199] {strides = array<i32>} : memref<200x64xf32, #tpu.memory_space<vmem>>, vector<16xf32>,
        %parallel_loop3A_201 = arith.addf %parallel_loop3A_197, %parallel_loop3A_200 : vector<16xf32>
        %parallel_loop3A_202 = arith.index_cast %parallel_loop3A_177 : i32 to index
        %parallel_loop3A_203 = arith.constant 48 : index
        %parallel_loop3A_204 = tpu.vector_load %arg11[%parallel_loop3A_202, %parallel_loop3A_203] {strides = array<i32>} : memref<256x64xf32, #tpu.memory_space<vmem>>, vector<16xf32>,
        %parallel_loop3A_205 = arith.index_cast %parallel_loop3A_180 : i32 to index
        %parallel_loop3A_206 = arith.constant 48 : index
        %parallel_loop3A_207 = tpu.vector_load %arg8[%parallel_loop3A_205, %parallel_loop3A_206] {strides = array<i32>} : memref<200x64xf32, #tpu.memory_space<vmem>>, vector<16xf32>,
        %parallel_loop3A_208 = arith.addf %parallel_loop3A_204, %parallel_loop3A_207 : vector<16xf32>
        %parallel_loop3A_209 = arith.addf %parallel_loop3A_187, %parallel_loop3A_194 : vector<16xf32>
        %parallel_loop3A_210 = arith.addf %parallel_loop3A_201, %parallel_loop3A_208 : vector<16xf32>
        %parallel_loop3A_211 = arith.addf %parallel_loop3A_209, %parallel_loop3A_210 : vector<16xf32>
        %parallel_loop3A_212 = arith.mulf %parallel_loop3A_187, %parallel_loop3A_187 : vector<16xf32>
        %parallel_loop3A_213 = arith.mulf %parallel_loop3A_194, %parallel_loop3A_194 : vector<16xf32>
        %parallel_loop3A_214 = arith.addf %parallel_loop3A_212, %parallel_loop3A_213 : vector<16xf32>
        %parallel_loop3A_215 = arith.mulf %parallel_loop3A_201, %parallel_loop3A_201 : vector<16xf32>
        %parallel_loop3A_216 = arith.mulf %parallel_loop3A_208, %parallel_loop3A_208 : vector<16xf32>
        %parallel_loop3A_217 = arith.addf %parallel_loop3A_215, %parallel_loop3A_216 : vector<16xf32>
        %parallel_loop3A_218 = arith.addf %parallel_loop3A_214, %parallel_loop3A_217 : vector<16xf32>
        %parallel_loop3A_219 = arith.constant true
        %parallel_loop3A_220 = vector.broadcast %parallel_loop3A_219 : i1 to vector<16xi1>
        %parallel_loop3A_221 = tpu.scan <sum>, %parallel_loop3A_211 masked %parallel_loop3A_220 : vector<16xf32>, vector<16xi1> -> vector<16xf32>
        %parallel_loop3A_222 = vector.extract %parallel_loop3A_221[15] : f32 from vector<16xf32>
        %parallel_loop3A_223 = arith.constant 1.562500e-02 : f32
        %parallel_loop3A_224 = arith.mulf %parallel_loop3A_222, %parallel_loop3A_223 : f32
        %parallel_loop3A_225 = arith.constant true
        %parallel_loop3A_226 = vector.broadcast %parallel_loop3A_225 : i1 to vector<16xi1>
        %parallel_loop3A_227 = tpu.scan <sum>, %parallel_loop3A_218 masked %parallel_loop3A_226 : vector<16xf32>, vector<16xi1> -> vector<16xf32>
        %parallel_loop3A_228 = vector.extract %parallel_loop3A_227[15] : f32 from vector<16xf32>
        %parallel_loop3A_229 = arith.constant 1.562500e-02 : f32
        %parallel_loop3A_230 = arith.mulf %parallel_loop3A_228, %parallel_loop3A_229 : f32
        %parallel_loop3A_231 = arith.mulf %parallel_loop3A_224, %parallel_loop3A_224 : f32
        %parallel_loop3A_232 = arith.subf %parallel_loop3A_230, %parallel_loop3A_231 : f32
        %parallel_loop3A_233 = arith.constant 9.99999974E-6 : f32
        %parallel_loop3A_234 = arith.addf %parallel_loop3A_232, %parallel_loop3A_233 : f32
        %parallel_loop3A_235 = arith.bitcast %parallel_loop3A_234 : f32 to i32
        %parallel_loop3A_236 = arith.constant 1 : i32
        %parallel_loop3A_237 = arith.shrsi %parallel_loop3A_235, %parallel_loop3A_236 : i32
        %parallel_loop3A_238 = arith.constant 1597463007 : i32
        %parallel_loop3A_239 = arith.subi %parallel_loop3A_238, %parallel_loop3A_237 : i32
        %parallel_loop3A_240 = arith.bitcast %parallel_loop3A_239 : i32 to f32
        %parallel_loop3A_241 = arith.constant 5.000000e-01 : f32
        %parallel_loop3A_242 = arith.mulf %parallel_loop3A_241, %parallel_loop3A_234 : f32
        %parallel_loop3A_243 = arith.mulf %parallel_loop3A_242, %parallel_loop3A_240 : f32
        %parallel_loop3A_244 = arith.mulf %parallel_loop3A_243, %parallel_loop3A_240 : f32
        %parallel_loop3A_245 = arith.constant 1.500000e+00 : f32
        %parallel_loop3A_246 = arith.subf %parallel_loop3A_245, %parallel_loop3A_244 : f32
        %parallel_loop3A_247 = arith.mulf %parallel_loop3A_240, %parallel_loop3A_246 : f32
        %parallel_loop3A_248 = arith.constant 5.000000e-01 : f32
        %parallel_loop3A_249 = arith.mulf %parallel_loop3A_248, %parallel_loop3A_234 : f32
        %parallel_loop3A_250 = arith.mulf %parallel_loop3A_249, %parallel_loop3A_247 : f32
        %parallel_loop3A_251 = arith.mulf %parallel_loop3A_250, %parallel_loop3A_247 : f32
        %parallel_loop3A_252 = arith.constant 1.500000e+00 : f32
        %parallel_loop3A_253 = arith.subf %parallel_loop3A_252, %parallel_loop3A_251 : f32
        %parallel_loop3A_254 = arith.mulf %parallel_loop3A_247, %parallel_loop3A_253 : f32
        %parallel_loop3A_255 = arith.constant 5.000000e-01 : f32
        %parallel_loop3A_256 = arith.mulf %parallel_loop3A_255, %parallel_loop3A_234 : f32
        %parallel_loop3A_257 = arith.mulf %parallel_loop3A_256, %parallel_loop3A_254 : f32
        %parallel_loop3A_258 = arith.mulf %parallel_loop3A_257, %parallel_loop3A_254 : f32
        %parallel_loop3A_259 = arith.constant 1.500000e+00 : f32
        %parallel_loop3A_260 = arith.subf %parallel_loop3A_259, %parallel_loop3A_258 : f32
        %parallel_loop3A_261 = arith.mulf %parallel_loop3A_254, %parallel_loop3A_260 : f32
        %parallel_loop3A_262 = vector.broadcast %parallel_loop3A_261 : f32 to vector<16xf32>
        %parallel_loop3A_263 = arith.mulf %get3A_6, %parallel_loop3A_262 : vector<16xf32>
        %parallel_loop3A_264 = vector.broadcast %parallel_loop3A_224 : f32 to vector<16xf32>
        %parallel_loop3A_265 = arith.subf %parallel_loop3A_187, %parallel_loop3A_264 : vector<16xf32>
        %parallel_loop3A_266 = arith.mulf %parallel_loop3A_265, %parallel_loop3A_263 : vector<16xf32>
        %parallel_loop3A_267 = arith.addf %parallel_loop3A_266, %get3A_22 : vector<16xf32>
        %parallel_loop3A_268 = arith.index_cast %parallel_loop3A_177 : i32 to index
        %parallel_loop3A_269 = arith.constant 0 : index
        %parallel_loop3A_270 = tpu.vector_load %arg11[%parallel_loop3A_268, %parallel_loop3A_269] {strides = array<i32>} : memref<256x64xf32, #tpu.memory_space<vmem>>, vector<16xf32>,
        tpu.vector_store %arg11[%parallel_loop3A_268, %parallel_loop3A_269], %parallel_loop3A_267 {strides = array<i32>} : memref<256x64xf32, #tpu.memory_space<vmem>>, vector<16xf32>,
        %parallel_loop3A_271 = vector.broadcast %parallel_loop3A_261 : f32 to vector<16xf32>
        %parallel_loop3A_272 = arith.mulf %get3A_10, %parallel_loop3A_271 : vector<16xf32>
        %parallel_loop3A_273 = vector.broadcast %parallel_loop3A_224 : f32 to vector<16xf32>
        %parallel_loop3A_274 = arith.subf %parallel_loop3A_194, %parallel_loop3A_273 : vector<16xf32>
        %parallel_loop3A_275 = arith.mulf %parallel_loop3A_274, %parallel_loop3A_272 : vector<16xf32>
        %parallel_loop3A_276 = arith.addf %parallel_loop3A_275, %get3A_26 : vector<16xf32>
        %parallel_loop3A_277 = arith.index_cast %parallel_loop3A_177 : i32 to index
        %parallel_loop3A_278 = arith.constant 16 : index
        %parallel_loop3A_279 = tpu.vector_load %arg11[%parallel_loop3A_277, %parallel_loop3A_278] {strides = array<i32>} : memref<256x64xf32, #tpu.memory_space<vmem>>, vector<16xf32>,
        tpu.vector_store %arg11[%parallel_loop3A_277, %parallel_loop3A_278], %parallel_loop3A_276 {strides = array<i32>} : memref<256x64xf32, #tpu.memory_space<vmem>>, vector<16xf32>,
        %parallel_loop3A_280 = vector.broadcast %parallel_loop3A_261 : f32 to vector<16xf32>
        %parallel_loop3A_281 = arith.mulf %get3A_14, %parallel_loop3A_280 : vector<16xf32>
        %parallel_loop3A_282 = vector.broadcast %parallel_loop3A_224 : f32 to vector<16xf32>
        %parallel_loop3A_283 = arith.subf %parallel_loop3A_201, %parallel_loop3A_282 : vector<16xf32>
        %parallel_loop3A_284 = arith.mulf %parallel_loop3A_283, %parallel_loop3A_281 : vector<16xf32>
        %parallel_loop3A_285 = arith.addf %parallel_loop3A_284, %get3A_30 : vector<16xf32>
        %parallel_loop3A_286 = arith.index_cast %parallel_loop3A_177 : i32 to index
        %parallel_loop3A_287 = arith.constant 32 : index
        %parallel_loop3A_288 = tpu.vector_load %arg11[%parallel_loop3A_286, %parallel_loop3A_287] {strides = array<i32>} : memref<256x64xf32, #tpu.memory_space<vmem>>, vector<16xf32>,
        tpu.vector_store %arg11[%parallel_loop3A_286, %parallel_loop3A_287], %parallel_loop3A_285 {strides = array<i32>} : memref<256x64xf32, #tpu.memory_space<vmem>>, vector<16xf32>,
        %parallel_loop3A_289 = vector.broadcast %parallel_loop3A_261 : f32 to vector<16xf32>
        %parallel_loop3A_290 = arith.mulf %get3A_18, %parallel_loop3A_289 : vector<16xf32>
        %parallel_loop3A_291 = vector.broadcast %parallel_loop3A_224 : f32 to vector<16xf32>
        %parallel_loop3A_292 = arith.subf %parallel_loop3A_208, %parallel_loop3A_291 : vector<16xf32>
        %parallel_loop3A_293 = arith.mulf %parallel_loop3A_292, %parallel_loop3A_290 : vector<16xf32>
        %parallel_loop3A_294 = arith.addf %parallel_loop3A_293, %get3A_34 : vector<16xf32>
        %parallel_loop3A_295 = arith.index_cast %parallel_loop3A_177 : i32 to index
        %parallel_loop3A_296 = arith.constant 48 : index
        %parallel_loop3A_297 = tpu.vector_load %arg11[%parallel_loop3A_295, %parallel_loop3A_296] {strides = array<i32>} : memref<256x64xf32, #tpu.memory_space<vmem>>, vector<16xf32>,
        tpu.vector_store %arg11[%parallel_loop3A_295, %parallel_loop3A_296], %parallel_loop3A_294 {strides = array<i32>} : memref<256x64xf32, #tpu.memory_space<vmem>>, vector<16xf32>,
      } {sc.loop_unroll_factor = 8 : i64, sc.parallel_access}
      %dma_start3A_121 = arith.constant 0 : i32
      %dma_start3A_122 = tpu.memref_slice %arg7[%add3A_89, %dma_start3A_121] : memref<819200x64xf32, #tpu.memory_space<hbm>> -> memref<256x64xf32, #tpu.memory_space<hbm>>
      %dma_start3A_123 = arith.constant 0 : i32
      %dma_start3A_124 = tpu.memref_slice %arg7[%add3A_89, %dma_start3A_123] : memref<819200x64xf32, #tpu.memory_space<hbm>> -> memref<256x64xf32, #tpu.memory_space<hbm>>
      tpu.enqueue_dma source(%arg11 : memref<256x64xf32, #tpu.memory_space<vmem>>) target(%dma_start3A_124 : memref<256x64xf32, #tpu.memory_space<hbm>>) target_semaphore(%arg15 : memref<!tpu.dma_semaphore, #tpu.memory_space<semaphore_mem>>)
      %mul3A_125 = arith.constant 2 : i32
      %mul3A_126 = arith.muli %scan3A_78, %mul3A_125 : i32
      %add3A_127 = arith.constant 1 : i32
      %add3A_128 = arith.addi %mul3A_126, %add3A_127 : i32
      %add3A_129 = arith.constant 1 : i32
      %add3A_130 = arith.addi %add3A_128, %add3A_129 : i32
      %lt3A_131 = arith.constant 100 : i32
      %lt3A_132 = arith.cmpi slt, %add3A_130, %lt3A_131 : i32
      %convert_element_type3A_133 = arith.extui %lt3A_132 : i1 to i32
      %cond3A_134 = arith.constant 0 : i32
      %cond3A_135 = arith.cmpi ne, %convert_element_type3A_133, %cond3A_134 : i32
      scf.if %cond3A_135 {
        %add3A_177 = arith.constant 1 : i32
        %add3A_178 = arith.addi %add3A_128, %add3A_177 : i32
        %mul3A_179 = arith.constant 256 : i32
        %mul3A_180 = arith.muli %add3A_178, %mul3A_179 : i32
        %add3A_181 = arith.addi %mul3A_2, %mul3A_180 : i32
        %add3A_182 = arith.constant 0 : i32
        %add3A_183 = arith.addi %add3A_181, %add3A_182 : i32
        %run_scoped3A_184 = arith.constant 0 : i32
        %run_scoped3A_185 = arith.constant 0 : i32
        "tpu.region"() ({
          %run_scoped3A_212 = tpu.sem_alloc : memref<!tpu.dma_semaphore, #tpu.memory_space<semaphore_mem>>
          %dma_start3A_213 = arith.constant 0 : i32
          %dma_start3A_214 = tpu.memref_slice %arg10[%run_scoped3A_184, %run_scoped3A_185, %dma_start3A_213] : memref<2x2x128xi32, #tpu.memory_space<vmem>> -> memref<1x1x128xi32, #tpu.memory_space<vmem>>
          %dma_start3A_215 = tpu.memref_squeeze %dma_start3A_214 : memref<1x1x128xi32, #tpu.memory_space<vmem>> -> memref<128xi32, #tpu.memory_space<vmem>>
          %dma_start3A_216 = tpu.memref_slice %arg2[%add3A_183] : memref<819200xi32, #tpu.memory_space<hbm>> -> memref<128xi32, #tpu.memory_space<hbm>>
          %dma_start3A_217 = arith.constant 0 : i32
          %dma_start3A_218 = tpu.memref_slice %arg10[%run_scoped3A_184, %run_scoped3A_185, %dma_start3A_217] : memref<2x2x128xi32, #tpu.memory_space<vmem>> -> memref<1x1x128xi32, #tpu.memory_space<vmem>>
          %dma_start3A_219 = tpu.memref_squeeze %dma_start3A_218 : memref<1x1x128xi32, #tpu.memory_space<vmem>> -> memref<128xi32, #tpu.memory_space<vmem>>
          %dma_start3A_220 = tpu.memref_slice %arg2[%add3A_183] : memref<819200xi32, #tpu.memory_space<hbm>> -> memref<128xi32, #tpu.memory_space<hbm>>
          tpu.enqueue_dma source(%dma_start3A_220 : memref<128xi32, #tpu.memory_space<hbm>>) target(%dma_start3A_219 : memref<128xi32, #tpu.memory_space<vmem>>) target_semaphore(%run_scoped3A_212 : memref<!tpu.dma_semaphore, #tpu.memory_space<semaphore_mem>>)
          %dma_wait3A_221 = arith.constant 0 : i32
          %dma_wait3A_222 = tpu.memref_slice %arg10[%run_scoped3A_184, %run_scoped3A_185, %dma_wait3A_221] : memref<2x2x128xi32, #tpu.memory_space<vmem>> -> memref<1x1x128xi32, #tpu.memory_space<vmem>>
          %dma_wait3A_223 = tpu.memref_squeeze %dma_wait3A_222 : memref<1x1x128xi32, #tpu.memory_space<vmem>> -> memref<128xi32, #tpu.memory_space<vmem>>
          %dma_wait3A_224 = tpu.memref_slice %arg2[%add3A_183] : memref<819200xi32, #tpu.memory_space<hbm>> -> memref<128xi32, #tpu.memory_space<hbm>>
          %dma_wait3A_225 = arith.constant 0 : i32
          %dma_wait3A_226 = tpu.memref_slice %arg10[%run_scoped3A_184, %run_scoped3A_185, %dma_wait3A_225] : memref<2x2x128xi32, #tpu.memory_space<vmem>> -> memref<1x1x128xi32, #tpu.memory_space<vmem>>
          %dma_wait3A_227 = tpu.memref_squeeze %dma_wait3A_226 : memref<1x1x128xi32, #tpu.memory_space<vmem>> -> memref<128xi32, #tpu.memory_space<vmem>>
          %dma_wait3A_228 = tpu.memref_slice %arg2[%add3A_183] : memref<819200xi32, #tpu.memory_space<hbm>> -> memref<128xi32, #tpu.memory_space<hbm>>
          tpu.wait_dma2 semaphore(%run_scoped3A_212 : memref<!tpu.dma_semaphore, #tpu.memory_space<semaphore_mem>>) src(%dma_wait3A_228 : memref<128xi32, #tpu.memory_space<hbm>>) dst(%dma_wait3A_227 : memref<128xi32, #tpu.memory_space<vmem>>)
          tpu.yield
        }) : () -> ()
        %add3A_186 = arith.constant 128 : i32
        %add3A_187 = arith.addi %add3A_181, %add3A_186 : i32
        %run_scoped3A_188 = arith.constant 0 : i32
        %run_scoped3A_189 = arith.constant 1 : i32
        "tpu.region"() ({
          %run_scoped3A_212 = tpu.sem_alloc : memref<!tpu.dma_semaphore, #tpu.memory_space<semaphore_mem>>
          %dma_start3A_213 = arith.constant 0 : i32
          %dma_start3A_214 = tpu.memref_slice %arg10[%run_scoped3A_188, %run_scoped3A_189, %dma_start3A_213] : memref<2x2x128xi32, #tpu.memory_space<vmem>> -> memref<1x1x128xi32, #tpu.memory_space<vmem>>
          %dma_start3A_215 = tpu.memref_squeeze %dma_start3A_214 : memref<1x1x128xi32, #tpu.memory_space<vmem>> -> memref<128xi32, #tpu.memory_space<vmem>>
          %dma_start3A_216 = tpu.memref_slice %arg2[%add3A_187] : memref<819200xi32, #tpu.memory_space<hbm>> -> memref<128xi32, #tpu.memory_space<hbm>>
          %dma_start3A_217 = arith.constant 0 : i32
          %dma_start3A_218 = tpu.memref_slice %arg10[%run_scoped3A_188, %run_scoped3A_189, %dma_start3A_217] : memref<2x2x128xi32, #tpu.memory_space<vmem>> -> memref<1x1x128xi32, #tpu.memory_space<vmem>>
          %dma_start3A_219 = tpu.memref_squeeze %dma_start3A_218 : memref<1x1x128xi32, #tpu.memory_space<vmem>> -> memref<128xi32, #tpu.memory_space<vmem>>
          %dma_start3A_220 = tpu.memref_slice %arg2[%add3A_187] : memref<819200xi32, #tpu.memory_space<hbm>> -> memref<128xi32, #tpu.memory_space<hbm>>
          tpu.enqueue_dma source(%dma_start3A_220 : memref<128xi32, #tpu.memory_space<hbm>>) target(%dma_start3A_219 : memref<128xi32, #tpu.memory_space<vmem>>) target_semaphore(%run_scoped3A_212 : memref<!tpu.dma_semaphore, #tpu.memory_space<semaphore_mem>>)
          %dma_wait3A_221 = arith.constant 0 : i32
          %dma_wait3A_222 = tpu.memref_slice %arg10[%run_scoped3A_188, %run_scoped3A_189, %dma_wait3A_221] : memref<2x2x128xi32, #tpu.memory_space<vmem>> -> memref<1x1x128xi32, #tpu.memory_space<vmem>>
          %dma_wait3A_223 = tpu.memref_squeeze %dma_wait3A_222 : memref<1x1x128xi32, #tpu.memory_space<vmem>> -> memref<128xi32, #tpu.memory_space<vmem>>
          %dma_wait3A_224 = tpu.memref_slice %arg2[%add3A_187] : memref<819200xi32, #tpu.memory_space<hbm>> -> memref<128xi32, #tpu.memory_space<hbm>>
          %dma_wait3A_225 = arith.constant 0 : i32
          %dma_wait3A_226 = tpu.memref_slice %arg10[%run_scoped3A_188, %run_scoped3A_189, %dma_wait3A_225] : memref<2x2x128xi32, #tpu.memory_space<vmem>> -> memref<1x1x128xi32, #tpu.memory_space<vmem>>
          %dma_wait3A_227 = tpu.memref_squeeze %dma_wait3A_226 : memref<1x1x128xi32, #tpu.memory_space<vmem>> -> memref<128xi32, #tpu.memory_space<vmem>>
          %dma_wait3A_228 = tpu.memref_slice %arg2[%add3A_187] : memref<819200xi32, #tpu.memory_space<hbm>> -> memref<128xi32, #tpu.memory_space<hbm>>
          tpu.wait_dma2 semaphore(%run_scoped3A_212 : memref<!tpu.dma_semaphore, #tpu.memory_space<semaphore_mem>>) src(%dma_wait3A_228 : memref<128xi32, #tpu.memory_space<hbm>>) dst(%dma_wait3A_227 : memref<128xi32, #tpu.memory_space<vmem>>)
          tpu.yield
        }) : () -> ()
        %dma_start3A_190 = arith.constant 0 : i32
        %dma_start3A_191 = arith.constant 0 : i32
        %dma_start3A_192 = arith.constant 0 : i32
        %dma_start3A_193 = arith.constant 0 : i32
        %dma_start3A_194 = tpu.memref_slice %arg11[%dma_start3A_192, %dma_start3A_193] : memref<256x64xf32, #tpu.memory_space<vmem>> -> memref<128x64xf32, #tpu.memory_space<vmem>>
        %dma_start3A_195 = arith.constant 0 : i32
        %dma_start3A_196 = tpu.memref_slice %arg10[%dma_start3A_190, %dma_start3A_191, %dma_start3A_195] : memref<2x2x128xi32, #tpu.memory_space<vmem>> -> memref<1x1x128xi32, #tpu.memory_space<vmem>>
        %dma_start3A_197 = tpu.memref_squeeze %dma_start3A_196 : memref<1x1x128xi32, #tpu.memory_space<vmem>> -> memref<128xi32, #tpu.memory_space<vmem>>
        %dma_start3A_198 = arith.constant 0 : i32
        %dma_start3A_199 = arith.constant 0 : i32
        %dma_start3A_200 = tpu.memref_slice %arg3[%dma_start3A_198, %dma_start3A_199] : memref<1000000x64xf32, #tpu.memory_space<hbm>> -> memref<1000000x64xf32, #tpu.memory_space<hbm>>
        tpu.enqueue_indirect_dma source(%dma_start3A_200 : memref<1000000x64xf32, #tpu.memory_space<hbm>>) target(%dma_start3A_194 : memref<128x64xf32, #tpu.memory_space<vmem>>) offsets(%dma_start3A_197 : memref<128xi32, #tpu.memory_space<vmem>>) semaphore(%arg13 : memref<!tpu.dma_semaphore, #tpu.memory_space<semaphore_mem>>)
        %dma_start3A_201 = arith.constant 0 : i32
        %dma_start3A_202 = arith.constant 1 : i32
        %dma_start3A_203 = arith.constant 128 : i32
        %dma_start3A_204 = arith.constant 0 : i32
        %dma_start3A_205 = tpu.memref_slice %arg11[%dma_start3A_203, %dma_start3A_204] : memref<256x64xf32, #tpu.memory_space<vmem>> -> memref<128x64xf32, #tpu.memory_space<vmem>>
        %dma_start3A_206 = arith.constant 0 : i32
        %dma_start3A_207 = tpu.memref_slice %arg10[%dma_start3A_201, %dma_start3A_202, %dma_start3A_206] : memref<2x2x128xi32, #tpu.memory_space<vmem>> -> memref<1x1x128xi32, #tpu.memory_space<vmem>>
        %dma_start3A_208 = tpu.memref_squeeze %dma_start3A_207 : memref<1x1x128xi32, #tpu.memory_space<vmem>> -> memref<128xi32, #tpu.memory_space<vmem>>
        %dma_start3A_209 = arith.constant 0 : i32
        %dma_start3A_210 = arith.constant 0 : i32
        %dma_start3A_211 = tpu.memref_slice %arg3[%dma_start3A_209, %dma_start3A_210] : memref<1000000x64xf32, #tpu.memory_space<hbm>> -> memref<1000000x64xf32, #tpu.memory_space<hbm>>
        tpu.enqueue_indirect_dma source(%dma_start3A_211 : memref<1000000x64xf32, #tpu.memory_space<hbm>>) target(%dma_start3A_205 : memref<128x64xf32, #tpu.memory_space<vmem>>) offsets(%dma_start3A_208 : memref<128xi32, #tpu.memory_space<vmem>>) semaphore(%arg13 : memref<!tpu.dma_semaphore, #tpu.memory_space<semaphore_mem>>)
      } else {
      }
      %mul3A_136 = arith.constant 256 : i32
      %mul3A_137 = arith.muli %add3A_128, %mul3A_136 : i32
      %add3A_138 = arith.addi %mul3A_2, %mul3A_137 : i32
      %dma_wait3A_139 = arith.constant 1 : i32
      %dma_wait3A_140 = arith.constant 0 : i32
      %dma_wait3A_141 = arith.constant 0 : i32
      %dma_wait3A_142 = arith.constant 0 : i32
      %dma_wait3A_143 = tpu.memref_slice %arg12[%dma_wait3A_141, %dma_wait3A_142] : memref<256x64xf32, #tpu.memory_space<vmem>> -> memref<128x64xf32, #tpu.memory_space<vmem>>
      %dma_wait3A_144 = arith.constant 0 : i32
      %dma_wait3A_145 = tpu.memref_slice %arg10[%dma_wait3A_139, %dma_wait3A_140, %dma_wait3A_144] : memref<2x2x128xi32, #tpu.memory_space<vmem>> -> memref<1x1x128xi32, #tpu.memory_space<vmem>>
      %dma_wait3A_146 = tpu.memref_squeeze %dma_wait3A_145 : memref<1x1x128xi32, #tpu.memory_space<vmem>> -> memref<128xi32, #tpu.memory_space<vmem>>
      %dma_wait3A_147 = arith.constant 0 : i32
      %dma_wait3A_148 = arith.constant 0 : i32
      %dma_wait3A_149 = tpu.memref_slice %arg3[%dma_wait3A_147, %dma_wait3A_148] : memref<1000000x64xf32, #tpu.memory_space<hbm>> -> memref<1000000x64xf32, #tpu.memory_space<hbm>>
      tpu.wait_indirect_dma semaphore(%arg14 : memref<!tpu.dma_semaphore, #tpu.memory_space<semaphore_mem>>) src(%dma_wait3A_149 : memref<1000000x64xf32, #tpu.memory_space<hbm>>) dst(%dma_wait3A_143 : memref<128x64xf32, #tpu.memory_space<vmem>>)
      %dma_wait3A_150 = arith.constant 1 : i32
      %dma_wait3A_151 = arith.constant 1 : i32
      %dma_wait3A_152 = arith.constant 128 : i32
      %dma_wait3A_153 = arith.constant 0 : i32
      %dma_wait3A_154 = tpu.memref_slice %arg12[%dma_wait3A_152, %dma_wait3A_153] : memref<256x64xf32, #tpu.memory_space<vmem>> -> memref<128x64xf32, #tpu.memory_space<vmem>>
      %dma_wait3A_155 = arith.constant 0 : i32
      %dma_wait3A_156 = tpu.memref_slice %arg10[%dma_wait3A_150, %dma_wait3A_151, %dma_wait3A_155] : memref<2x2x128xi32, #tpu.memory_space<vmem>> -> memref<1x1x128xi32, #tpu.memory_space<vmem>>
      %dma_wait3A_157 = tpu.memref_squeeze %dma_wait3A_156 : memref<1x1x128xi32, #tpu.memory_space<vmem>> -> memref<128xi32, #tpu.memory_space<vmem>>
      %dma_wait3A_158 = arith.constant 0 : i32
      %dma_wait3A_159 = arith.constant 0 : i32
      %dma_wait3A_160 = tpu.memref_slice %arg3[%dma_wait3A_158, %dma_wait3A_159] : memref<1000000x64xf32, #tpu.memory_space<hbm>> -> memref<1000000x64xf32, #tpu.memory_space<hbm>>
      tpu.wait_indirect_dma semaphore(%arg14 : memref<!tpu.dma_semaphore, #tpu.memory_space<semaphore_mem>>) src(%dma_wait3A_160 : memref<1000000x64xf32, #tpu.memory_space<hbm>>) dst(%dma_wait3A_154 : memref<128x64xf32, #tpu.memory_space<vmem>>)
      %ge3A_161 = arith.constant 2 : i32
      %ge3A_162 = arith.cmpi sge, %add3A_128, %ge3A_161 : i32
      %convert_element_type3A_163 = arith.extui %ge3A_162 : i1 to i32
      %cond3A_164 = arith.constant 0 : i32
      %cond3A_165 = arith.cmpi ne, %convert_element_type3A_163, %cond3A_164 : i32
      scf.if %cond3A_165 {
        %dma_wait3A_177 = arith.constant 0 : i32
        %dma_wait3A_178 = tpu.memref_slice %arg7[%mul3A_2, %dma_wait3A_177] : memref<819200x64xf32, #tpu.memory_space<hbm>> -> memref<256x64xf32, #tpu.memory_space<hbm>>
        %dma_wait3A_179 = arith.constant 0 : i32
        %dma_wait3A_180 = tpu.memref_slice %arg7[%mul3A_2, %dma_wait3A_179] : memref<819200x64xf32, #tpu.memory_space<hbm>> -> memref<256x64xf32, #tpu.memory_space<hbm>>
        tpu.wait_dma2 semaphore(%arg16 : memref<!tpu.dma_semaphore, #tpu.memory_space<semaphore_mem>>) src(%arg12 : memref<256x64xf32, #tpu.memory_space<vmem>>) dst(%dma_wait3A_180 : memref<256x64xf32, #tpu.memory_space<hbm>>)
      } else {
      }
      %mul3A_166 = arith.constant 256 : i32
      %mul3A_167 = arith.muli %add3A_128, %mul3A_166 : i32
      %rem3A_168 = arith.constant 200 : i32
      %rem3A_169 = arith.remsi %mul3A_167, %rem3A_168 : i32
      %parallel_loop3A_170 = arith.constant 0 : i32
      %parallel_loop3A_171 = arith.constant 256 : i32
      %parallel_loop3A_172 = arith.constant 1 : i32
      scf.for %parallel_loop3A_177 = %parallel_loop3A_170 to %parallel_loop3A_171 step %parallel_loop3A_172  : i32 {
        %parallel_loop3A_178 = arith.addi %rem3A_169, %parallel_loop3A_177 : i32
        %parallel_loop3A_179 = arith.constant 200 : i32
        %parallel_loop3A_180 = arith.remsi %parallel_loop3A_178, %parallel_loop3A_179 : i32
        %parallel_loop3A_181 = arith.index_cast %parallel_loop3A_177 : i32 to index
        %parallel_loop3A_182 = arith.constant 0 : index
        %parallel_loop3A_183 = tpu.vector_load %arg12[%parallel_loop3A_181, %parallel_loop3A_182] {strides = array<i32>} : memref<256x64xf32, #tpu.memory_space<vmem>>, vector<16xf32>,
        %parallel_loop3A_184 = arith.index_cast %parallel_loop3A_180 : i32 to index
        %parallel_loop3A_185 = arith.constant 0 : index
        %parallel_loop3A_186 = tpu.vector_load %arg8[%parallel_loop3A_184, %parallel_loop3A_185] {strides = array<i32>} : memref<200x64xf32, #tpu.memory_space<vmem>>, vector<16xf32>,
        %parallel_loop3A_187 = arith.addf %parallel_loop3A_183, %parallel_loop3A_186 : vector<16xf32>
        %parallel_loop3A_188 = arith.index_cast %parallel_loop3A_177 : i32 to index
        %parallel_loop3A_189 = arith.constant 16 : index
        %parallel_loop3A_190 = tpu.vector_load %arg12[%parallel_loop3A_188, %parallel_loop3A_189] {strides = array<i32>} : memref<256x64xf32, #tpu.memory_space<vmem>>, vector<16xf32>,
        %parallel_loop3A_191 = arith.index_cast %parallel_loop3A_180 : i32 to index
        %parallel_loop3A_192 = arith.constant 16 : index
        %parallel_loop3A_193 = tpu.vector_load %arg8[%parallel_loop3A_191, %parallel_loop3A_192] {strides = array<i32>} : memref<200x64xf32, #tpu.memory_space<vmem>>, vector<16xf32>,
        %parallel_loop3A_194 = arith.addf %parallel_loop3A_190, %parallel_loop3A_193 : vector<16xf32>
        %parallel_loop3A_195 = arith.index_cast %parallel_loop3A_177 : i32 to index
        %parallel_loop3A_196 = arith.constant 32 : index
        %parallel_loop3A_197 = tpu.vector_load %arg12[%parallel_loop3A_195, %parallel_loop3A_196] {strides = array<i32>} : memref<256x64xf32, #tpu.memory_space<vmem>>, vector<16xf32>,
        %parallel_loop3A_198 = arith.index_cast %parallel_loop3A_180 : i32 to index
        %parallel_loop3A_199 = arith.constant 32 : index
        %parallel_loop3A_200 = tpu.vector_load %arg8[%parallel_loop3A_198, %parallel_loop3A_199] {strides = array<i32>} : memref<200x64xf32, #tpu.memory_space<vmem>>, vector<16xf32>,
        %parallel_loop3A_201 = arith.addf %parallel_loop3A_197, %parallel_loop3A_200 : vector<16xf32>
        %parallel_loop3A_202 = arith.index_cast %parallel_loop3A_177 : i32 to index
        %parallel_loop3A_203 = arith.constant 48 : index
        %parallel_loop3A_204 = tpu.vector_load %arg12[%parallel_loop3A_202, %parallel_loop3A_203] {strides = array<i32>} : memref<256x64xf32, #tpu.memory_space<vmem>>, vector<16xf32>,
        %parallel_loop3A_205 = arith.index_cast %parallel_loop3A_180 : i32 to index
        %parallel_loop3A_206 = arith.constant 48 : index
        %parallel_loop3A_207 = tpu.vector_load %arg8[%parallel_loop3A_205, %parallel_loop3A_206] {strides = array<i32>} : memref<200x64xf32, #tpu.memory_space<vmem>>, vector<16xf32>,
        %parallel_loop3A_208 = arith.addf %parallel_loop3A_204, %parallel_loop3A_207 : vector<16xf32>
        %parallel_loop3A_209 = arith.addf %parallel_loop3A_187, %parallel_loop3A_194 : vector<16xf32>
        %parallel_loop3A_210 = arith.addf %parallel_loop3A_201, %parallel_loop3A_208 : vector<16xf32>
        %parallel_loop3A_211 = arith.addf %parallel_loop3A_209, %parallel_loop3A_210 : vector<16xf32>
        %parallel_loop3A_212 = arith.mulf %parallel_loop3A_187, %parallel_loop3A_187 : vector<16xf32>
        %parallel_loop3A_213 = arith.mulf %parallel_loop3A_194, %parallel_loop3A_194 : vector<16xf32>
        %parallel_loop3A_214 = arith.addf %parallel_loop3A_212, %parallel_loop3A_213 : vector<16xf32>
        %parallel_loop3A_215 = arith.mulf %parallel_loop3A_201, %parallel_loop3A_201 : vector<16xf32>
        %parallel_loop3A_216 = arith.mulf %parallel_loop3A_208, %parallel_loop3A_208 : vector<16xf32>
        %parallel_loop3A_217 = arith.addf %parallel_loop3A_215, %parallel_loop3A_216 : vector<16xf32>
        %parallel_loop3A_218 = arith.addf %parallel_loop3A_214, %parallel_loop3A_217 : vector<16xf32>
        %parallel_loop3A_219 = arith.constant true
        %parallel_loop3A_220 = vector.broadcast %parallel_loop3A_219 : i1 to vector<16xi1>
        %parallel_loop3A_221 = tpu.scan <sum>, %parallel_loop3A_211 masked %parallel_loop3A_220 : vector<16xf32>, vector<16xi1> -> vector<16xf32>
        %parallel_loop3A_222 = vector.extract %parallel_loop3A_221[15] : f32 from vector<16xf32>
        %parallel_loop3A_223 = arith.constant 1.562500e-02 : f32
        %parallel_loop3A_224 = arith.mulf %parallel_loop3A_222, %parallel_loop3A_223 : f32
        %parallel_loop3A_225 = arith.constant true
        %parallel_loop3A_226 = vector.broadcast %parallel_loop3A_225 : i1 to vector<16xi1>
        %parallel_loop3A_227 = tpu.scan <sum>, %parallel_loop3A_218 masked %parallel_loop3A_226 : vector<16xf32>, vector<16xi1> -> vector<16xf32>
        %parallel_loop3A_228 = vector.extract %parallel_loop3A_227[15] : f32 from vector<16xf32>
        %parallel_loop3A_229 = arith.constant 1.562500e-02 : f32
        %parallel_loop3A_230 = arith.mulf %parallel_loop3A_228, %parallel_loop3A_229 : f32
        %parallel_loop3A_231 = arith.mulf %parallel_loop3A_224, %parallel_loop3A_224 : f32
        %parallel_loop3A_232 = arith.subf %parallel_loop3A_230, %parallel_loop3A_231 : f32
        %parallel_loop3A_233 = arith.constant 9.99999974E-6 : f32
        %parallel_loop3A_234 = arith.addf %parallel_loop3A_232, %parallel_loop3A_233 : f32
        %parallel_loop3A_235 = arith.bitcast %parallel_loop3A_234 : f32 to i32
        %parallel_loop3A_236 = arith.constant 1 : i32
        %parallel_loop3A_237 = arith.shrsi %parallel_loop3A_235, %parallel_loop3A_236 : i32
        %parallel_loop3A_238 = arith.constant 1597463007 : i32
        %parallel_loop3A_239 = arith.subi %parallel_loop3A_238, %parallel_loop3A_237 : i32
        %parallel_loop3A_240 = arith.bitcast %parallel_loop3A_239 : i32 to f32
        %parallel_loop3A_241 = arith.constant 5.000000e-01 : f32
        %parallel_loop3A_242 = arith.mulf %parallel_loop3A_241, %parallel_loop3A_234 : f32
        %parallel_loop3A_243 = arith.mulf %parallel_loop3A_242, %parallel_loop3A_240 : f32
        %parallel_loop3A_244 = arith.mulf %parallel_loop3A_243, %parallel_loop3A_240 : f32
        %parallel_loop3A_245 = arith.constant 1.500000e+00 : f32
        %parallel_loop3A_246 = arith.subf %parallel_loop3A_245, %parallel_loop3A_244 : f32
        %parallel_loop3A_247 = arith.mulf %parallel_loop3A_240, %parallel_loop3A_246 : f32
        %parallel_loop3A_248 = arith.constant 5.000000e-01 : f32
        %parallel_loop3A_249 = arith.mulf %parallel_loop3A_248, %parallel_loop3A_234 : f32
        %parallel_loop3A_250 = arith.mulf %parallel_loop3A_249, %parallel_loop3A_247 : f32
        %parallel_loop3A_251 = arith.mulf %parallel_loop3A_250, %parallel_loop3A_247 : f32
        %parallel_loop3A_252 = arith.constant 1.500000e+00 : f32
        %parallel_loop3A_253 = arith.subf %parallel_loop3A_252, %parallel_loop3A_251 : f32
        %parallel_loop3A_254 = arith.mulf %parallel_loop3A_247, %parallel_loop3A_253 : f32
        %parallel_loop3A_255 = arith.constant 5.000000e-01 : f32
        %parallel_loop3A_256 = arith.mulf %parallel_loop3A_255, %parallel_loop3A_234 : f32
        %parallel_loop3A_257 = arith.mulf %parallel_loop3A_256, %parallel_loop3A_254 : f32
        %parallel_loop3A_258 = arith.mulf %parallel_loop3A_257, %parallel_loop3A_254 : f32
        %parallel_loop3A_259 = arith.constant 1.500000e+00 : f32
        %parallel_loop3A_260 = arith.subf %parallel_loop3A_259, %parallel_loop3A_258 : f32
        %parallel_loop3A_261 = arith.mulf %parallel_loop3A_254, %parallel_loop3A_260 : f32
        %parallel_loop3A_262 = vector.broadcast %parallel_loop3A_261 : f32 to vector<16xf32>
        %parallel_loop3A_263 = arith.mulf %get3A_6, %parallel_loop3A_262 : vector<16xf32>
        %parallel_loop3A_264 = vector.broadcast %parallel_loop3A_224 : f32 to vector<16xf32>
        %parallel_loop3A_265 = arith.subf %parallel_loop3A_187, %parallel_loop3A_264 : vector<16xf32>
        %parallel_loop3A_266 = arith.mulf %parallel_loop3A_265, %parallel_loop3A_263 : vector<16xf32>
        %parallel_loop3A_267 = arith.addf %parallel_loop3A_266, %get3A_22 : vector<16xf32>
        %parallel_loop3A_268 = arith.index_cast %parallel_loop3A_177 : i32 to index
        %parallel_loop3A_269 = arith.constant 0 : index
        %parallel_loop3A_270 = tpu.vector_load %arg12[%parallel_loop3A_268, %parallel_loop3A_269] {strides = array<i32>} : memref<256x64xf32, #tpu.memory_space<vmem>>, vector<16xf32>,
        tpu.vector_store %arg12[%parallel_loop3A_268, %parallel_loop3A_269], %parallel_loop3A_267 {strides = array<i32>} : memref<256x64xf32, #tpu.memory_space<vmem>>, vector<16xf32>,
        %parallel_loop3A_271 = vector.broadcast %parallel_loop3A_261 : f32 to vector<16xf32>
        %parallel_loop3A_272 = arith.mulf %get3A_10, %parallel_loop3A_271 : vector<16xf32>
        %parallel_loop3A_273 = vector.broadcast %parallel_loop3A_224 : f32 to vector<16xf32>
        %parallel_loop3A_274 = arith.subf %parallel_loop3A_194, %parallel_loop3A_273 : vector<16xf32>
        %parallel_loop3A_275 = arith.mulf %parallel_loop3A_274, %parallel_loop3A_272 : vector<16xf32>
        %parallel_loop3A_276 = arith.addf %parallel_loop3A_275, %get3A_26 : vector<16xf32>
        %parallel_loop3A_277 = arith.index_cast %parallel_loop3A_177 : i32 to index
        %parallel_loop3A_278 = arith.constant 16 : index
        %parallel_loop3A_279 = tpu.vector_load %arg12[%parallel_loop3A_277, %parallel_loop3A_278] {strides = array<i32>} : memref<256x64xf32, #tpu.memory_space<vmem>>, vector<16xf32>,
        tpu.vector_store %arg12[%parallel_loop3A_277, %parallel_loop3A_278], %parallel_loop3A_276 {strides = array<i32>} : memref<256x64xf32, #tpu.memory_space<vmem>>, vector<16xf32>,
        %parallel_loop3A_280 = vector.broadcast %parallel_loop3A_261 : f32 to vector<16xf32>
        %parallel_loop3A_281 = arith.mulf %get3A_14, %parallel_loop3A_280 : vector<16xf32>
        %parallel_loop3A_282 = vector.broadcast %parallel_loop3A_224 : f32 to vector<16xf32>
        %parallel_loop3A_283 = arith.subf %parallel_loop3A_201, %parallel_loop3A_282 : vector<16xf32>
        %parallel_loop3A_284 = arith.mulf %parallel_loop3A_283, %parallel_loop3A_281 : vector<16xf32>
        %parallel_loop3A_285 = arith.addf %parallel_loop3A_284, %get3A_30 : vector<16xf32>
        %parallel_loop3A_286 = arith.index_cast %parallel_loop3A_177 : i32 to index
        %parallel_loop3A_287 = arith.constant 32 : index
        %parallel_loop3A_288 = tpu.vector_load %arg12[%parallel_loop3A_286, %parallel_loop3A_287] {strides = array<i32>} : memref<256x64xf32, #tpu.memory_space<vmem>>, vector<16xf32>,
        tpu.vector_store %arg12[%parallel_loop3A_286, %parallel_loop3A_287], %parallel_loop3A_285 {strides = array<i32>} : memref<256x64xf32, #tpu.memory_space<vmem>>, vector<16xf32>,
        %parallel_loop3A_289 = vector.broadcast %parallel_loop3A_261 : f32 to vector<16xf32>
        %parallel_loop3A_290 = arith.mulf %get3A_18, %parallel_loop3A_289 : vector<16xf32>
        %parallel_loop3A_291 = vector.broadcast %parallel_loop3A_224 : f32 to vector<16xf32>
        %parallel_loop3A_292 = arith.subf %parallel_loop3A_208, %parallel_loop3A_291 : vector<16xf32>
        %parallel_loop3A_293 = arith.mulf %parallel_loop3A_292, %parallel_loop3A_290 : vector<16xf32>
        %parallel_loop3A_294 = arith.addf %parallel_loop3A_293, %get3A_34 : vector<16xf32>
        %parallel_loop3A_295 = arith.index_cast %parallel_loop3A_177 : i32 to index
        %parallel_loop3A_296 = arith.constant 48 : index
        %parallel_loop3A_297 = tpu.vector_load %arg12[%parallel_loop3A_295, %parallel_loop3A_296] {strides = array<i32>} : memref<256x64xf32, #tpu.memory_space<vmem>>, vector<16xf32>,
        tpu.vector_store %arg12[%parallel_loop3A_295, %parallel_loop3A_296], %parallel_loop3A_294 {strides = array<i32>} : memref<256x64xf32, #tpu.memory_space<vmem>>, vector<16xf32>,
      } {sc.loop_unroll_factor = 8 : i64, sc.parallel_access}
      %dma_start3A_173 = arith.constant 0 : i32
      %dma_start3A_174 = tpu.memref_slice %arg7[%add3A_138, %dma_start3A_173] : memref<819200x64xf32, #tpu.memory_space<hbm>> -> memref<256x64xf32, #tpu.memory_space<hbm>>
      %dma_start3A_175 = arith.constant 0 : i32
      %dma_start3A_176 = tpu.memref_slice %arg7[%add3A_138, %dma_start3A_175] : memref<819200x64xf32, #tpu.memory_space<hbm>> -> memref<256x64xf32, #tpu.memory_space<hbm>>
      tpu.enqueue_dma source(%arg12 : memref<256x64xf32, #tpu.memory_space<vmem>>) target(%dma_start3A_176 : memref<256x64xf32, #tpu.memory_space<hbm>>) target_semaphore(%arg16 : memref<!tpu.dma_semaphore, #tpu.memory_space<semaphore_mem>>)
    }
    %scan3A_70 = arith.constant 50 : i32
    %dma_wait3A = arith.constant 0 : i32
    %dma_wait3A_71 = tpu.memref_slice %arg7[%mul3A_2, %dma_wait3A] : memref<819200x64xf32, #tpu.memory_space<hbm>> -> memref<256x64xf32, #tpu.memory_space<hbm>>
    %dma_wait3A_72 = arith.constant 0 : i32
    %dma_wait3A_73 = tpu.memref_slice %arg7[%mul3A_2, %dma_wait3A_72] : memref<819200x64xf32, #tpu.memory_space<hbm>> -> memref<256x64xf32, #tpu.memory_space<hbm>>
    tpu.wait_dma2 semaphore(%arg15 : memref<!tpu.dma_semaphore, #tpu.memory_space<semaphore_mem>>) src(%arg11 : memref<256x64xf32, #tpu.memory_space<vmem>>) dst(%dma_wait3A_73 : memref<256x64xf32, #tpu.memory_space<hbm>>)
    %dma_wait3A_74 = arith.constant 0 : i32
    %dma_wait3A_75 = tpu.memref_slice %arg7[%mul3A_2, %dma_wait3A_74] : memref<819200x64xf32, #tpu.memory_space<hbm>> -> memref<256x64xf32, #tpu.memory_space<hbm>>
    %dma_wait3A_76 = arith.constant 0 : i32
    %dma_wait3A_77 = tpu.memref_slice %arg7[%mul3A_2, %dma_wait3A_76] : memref<819200x64xf32, #tpu.memory_space<hbm>> -> memref<256x64xf32, #tpu.memory_space<hbm>>
    tpu.wait_dma2 semaphore(%arg16 : memref<!tpu.dma_semaphore, #tpu.memory_space<semaphore_mem>>) src(%arg12 : memref<256x64xf32, #tpu.memory_space<vmem>>) dst(%dma_wait3A_77 : memref<256x64xf32, #tpu.memory_space<hbm>>)
    return
  }
}

</mosaic_0001>

<sc_bundles>
// kernel: kernel.3.cloned.1.call-start
scs
__scs_entry_jumppad:
0x0: {  	(pc) =	sbr.rel $0x88, $3  }
0x1: {  	(tag) =	ssettag $0x0;
	lr =	simm.s32 $0x1  }
0x2: {  	[smem:$0x3F9C] =	sst lr;
	_ =	strace $0xD0000000  }
0x3: {  	_ = 	snop  }
0x4: {  	_ = 	snop  }
0x5: {  	_ = 	snop  }
0x6: {  	_ = 	snop  }
0x7: {  	_ = 	snop  }
__scs_overlays_trampoline_lowered:
0x8: {  	[smem:$0x3FAB] =	sst s0  }
0x9: {  	[smem:$0x3FAC] =	sst s1  }
0xa: {  	[smem:$0x3FAD] =	sst s2  }
0xb: {  	[smem:$0x3FAE] =	sst s3  }
0xc: {  	[smem:$0x3FAF] =	sst s4  }
0xd: {  	[smem:$0x3FB0] =	sst s5  }
0xe: {  	[smem:$0x3FB1] =	sst s6  }
0xf: {  	[smem:$0x3FB2] =	sst s7  }
0x10: {  	[smem:$0x3FB3] =	sst s8  }
0x11: {  	[smem:$0x3FB4] =	sst s9;
	s0 =	simm.s32 @!p0 $0x0  }
0x12: {  	s1 =	sld [smem:$0x3F9A];
	s0 =	simm.s32 @p0 $0x1  }
0x13: {  	[smem:$0x3FB5] =	sst s0;
	s0 =	simm.s32 @!p1 $0x0  }
0x14: {  	s2 =	sld [smem:$0x3F99];
	s0 =	simm.s32 @p1 $0x1  }
0x15: {  	[smem:$0x3FB6] =	sst s0;
	s0 =	simm.s32 @!p2 $0x0  }
0x16: {  	s3 =	sld [smem:$0x3FDB];
	s0 =	simm.s32 @p2 $0x1  }
0x17: {  	s4 =	simm.s32 $0x1BF5;
	[smem:$0x3FB8] =	sst s0  }
0x18: {  	s0 =	sld [smem:$0x3F9B];
	_ =	swait.ge [sflag:s4], $0x0  }
0x19: {  	s7 =	sld [smem:$0x3F9C]  }
0x1a: {  	s8 =	sadd.s32 $0xFFFFE003, lr  }
0x1b: {  	s9 =	sadd.s32 $0xFFFFFEF7, lr;
	s5 =	simm.s32 $0xFFFFFFFF;
	p2 =	slt.u32 s8, $0xFFFFF086  }
0x1c: {  	p1 =	slt.u32 s9, $0xF7A;
	s5 =	simm.s32 @!p2 $0x0  }
0x1d: {  	s5 =	simm.s32 @p1 $0x1;
	p0 =	seq.s32 s7, s2  }
0x1e: {  	s7 =	smul.u32 @!p0 $0xF7A, s2;
	p2 =	seq.s32 @!p0 s5, $0x0  }
0x1f: {  	s9 =	smul.u32 $0xF7A, s1;
	s8 =	simm.s32 @!p0 $0x1BF5;
	p2 =	por !p2, p0  }
0x20: {  	[sflag:s8] =	ssyncset.s32 @!p0 $0xFFFFF086;
	s6 =	sadd.s32 @!p0 s3, s7;
	s7 =	simm.s32 @!p0 $0x108  }
0x21: {  	s3 =	sadd.s32 s3, s9;
	s6 =	sadd.s32 @!p0 $0x88, s6;
	s7 =	simm.s32 @p2 $0x1082  }
0x22: {  	[simem:s7], [sflag:s8] =	dma.local @!p0 [hbm:s6], $0xF7A  }
0x23: {  	s9 =	sor.u32 $0xD0000000, s2;
	s6 =	simm.s32 $0x108;
	_ =	swait.ge @!p0 [sflag:s8], $0x0  }
0x24: {  	s3 =	sadd.s32 $0x88, s3;
	s6 =	simm.s32 @!p1 $0x1082;
	[sflag:s4] =	ssyncset.s32 $0xFFFFF086  }
0x25: {  	[simem:s6], [sflag:s4] =	dma.local [hbm:s3], $0xF7A  }
0x26: {  	[smem:$0x3F9C] =	sst s1;
	(tag) =	ssettag s2;
	_ =	strace s9  }
0x27: {  	s1 =	sld [smem:$0x3FAC]  }
0x28: {  	s2 =	sld [smem:$0x3FAD]  }
0x29: {  	s4 =	sld [smem:$0x3FAF]  }
0x2a: {  	p0 =	seq.s32 s5, $0x0;
	s5 =	sld [smem:$0x3FB0]  }
0x2b: {  	s6 =	sld [smem:$0x3FB1]  }
0x2c: {  	s7 =	sld [smem:$0x3FB2]  }
0x2d: {  	s3 =	simm.s32 $0x108;
	s8 =	sld [smem:$0x3FB3]  }
0x2e: {  	s3 =	simm.s32 @!p0 $0x1082;
	s9 =	sld [smem:$0x3FB4]  }
0x2f: {  	lr =	sadd.s32 s0, s3;
	s0 =	sld [smem:$0x3FAB]  }
0x30: {  	s3 =	sld [smem:$0x3FAE]  }
0x31: {  	[smem:$0x3FB7] =	sst s10  }
0x32: {  	s10 =	sld [smem:$0x3FB5];
	_ =	sdelay $0x3  }
0x33: {  	p0 =	seq.s32 s10, $0x1;
	s10 =	sld [smem:$0x3FB7];
	_ =	sdelay $0x3  }
0x34: {  	[smem:$0x3FB7] =	sst s10  }
0x35: {  	s10 =	sld [smem:$0x3FB6];
	_ =	sdelay $0x3  }
0x36: {  	p1 =	seq.s32 s10, $0x1;
	s10 =	sld [smem:$0x3FB7];
	_ =	sdelay $0x3  }
0x37: {  	[smem:$0x3FB7] =	sst s10  }
0x38: {  	s10 =	sld [smem:$0x3FB8]  }
0x39: {  	_ = 	snop;
	(pc) =	sbr.ind lr, $3  }
0x3a: {  	_ = 	snop  }
0x3b: {  	_ = 	snop  }
0x3c: {  	p2 =	seq.s32 s10, $0x1;
	s10 =	sld [smem:$0x3FB7]  }
0x3d: {  	_ =	shalt  }
0x3e: {  	_ =	shalt  }
0x3f: {  	_ =	shalt  }
0x40: {  	_ =	shalt  }
0x41: {  	_ =	shalt  }
0x42: {  	_ =	shalt  }
0x43: {  	_ =	shalt  }
0x44: {  	_ =	shalt  }
0x45: {  	_ =	shalt  }
0x46: {  	_ =	shalt  }
0x47: {  	_ =	shalt  }
0x48: {  	_ =	shalt  }
0x49: {  	_ =	shalt  }
0x4a: {  	_ =	shalt  }
0x4b: {  	_ =	shalt  }
0x4c: {  	_ =	shalt  }
0x4d: {  	_ =	shalt  }
0x4e: {  	_ =	shalt  }
0x4f: {  	_ =	shalt  }
0x50: {  	_ =	shalt  }
0x51: {  	_ =	shalt  }
0x52: {  	_ =	shalt  }
0x53: {  	_ =	shalt  }
0x54: {  	_ =	shalt  }
0x55: {  	_ =	shalt  }
0x56: {  	_ =	shalt  }
0x57: {  	_ =	shalt  }
0x58: {  	_ =	shalt  }
0x59: {  	_ =	shalt  }
0x5a: {  	_ =	shalt  }
0x5b: {  	_ =	shalt  }
0x5c: {  	_ =	shalt  }
0x5d: {  	_ =	shalt  }
0x5e: {  	_ =	shalt  }
0x5f: {  	_ =	shalt  }
0x60: {  	_ =	shalt  }
0x61: {  	_ =	shalt  }
0x62: {  	_ =	shalt  }
0x63: {  	_ =	shalt  }
0x64: {  	_ =	shalt  }
0x65: {  	_ =	shalt  }
0x66: {  	_ =	shalt  }
0x67: {  	_ =	shalt  }
0x68: {  	_ =	shalt  }
0x69: {  	_ =	shalt  }
0x6a: {  	_ =	shalt  }
0x6b: {  	_ =	shalt  }
0x6c: {  	_ =	shalt  }
0x6d: {  	_ =	shalt  }
0x6e: {  	_ =	shalt  }
0x6f: {  	_ =	shalt  }
0x70: {  	_ =	shalt  }
0x71: {  	_ =	shalt  }
0x72: {  	_ =	shalt  }
0x73: {  	_ =	shalt  }
0x74: {  	_ =	shalt  }
0x75: {  	_ =	shalt  }
0x76: {  	_ =	shalt  }
0x77: {  	_ =	shalt  }
0x78: {  	_ =	shalt  }
0x79: {  	_ =	shalt  }
0x7a: {  	_ =	shalt  }
0x7b: {  	_ =	shalt  }
0x7c: {  	_ =	shalt  }
0x7d: {  	_ =	shalt  }
0x7e: {  	_ =	shalt  }
0x7f: {  	_ =	shalt  }
0x80: {  	_ =	shalt  }
0x81: {  	_ =	shalt  }
0x82: {  	_ =	shalt  }
0x83: {  	_ =	shalt  }
0x84: {  	_ =	shalt  }
0x85: {  	_ =	shalt  }
0x86: {  	_ =	shalt  }
0x87: {  	_ =	shalt  }
.Lfunc_end0:
.L_simem_size_0:
called_computation.1_lowered:
.L_overlay_start_0:
0x88: {  	s2 =	sld [smem:$0x3FD9]  }
0x89: {  	s3 =	sld [smem:$0x3FFE];
	_ =	sdelay $0x1  }
0x8a: {  	s1 =	srdreg.scid  }
0x8b: {  	s0 =	sand.u32 $0x1, s1  }
0x8c: {  	s17 =	sshll.u32 s0, $0xA;
	s2 =	sadd.s32 s3, s2  }
0x8d: {  	s2 =	sadd.s32 s2, s17  }
0x8e: {  	[smem:$0x3FC3] =	sst s2  }
0x8f: {  	_ = 	snop  }
0x90: {  	s2 =	sld [smem:$0x3FC6]  }
0x91: {  	s18 =	sld [smem:$0x3FC5]  }
0x92: {  	s4 =	sld [smem:$0x3FD0];
	(tm) =	ssettm $0x1  }
0x93: {  	s5 =	sld [smem:$0x3FFB];
	_ =	sdelay $0x3  }
0x94: {  	_ =	strace s5  }
0x95: {  	s5 =	sld [smem:$0x3FFC];
	_ =	sdelay $0x3  }
0x96: {  	_ =	strace s5  }
0x97: {  	s5 =	sld [smem:$0x3FFD];
	_ =	sdelay $0x3  }
0x98: {  	_ =	strace s5  }
0x99: {  	_ =	strace $0x8FFFFFFF  }
0x9a: {  	s19 =	sld [smem:$0x3FDB];
	_ =	sdelay $0x1  }
0x9b: {  	s6 =	simm.s32 $_scs_section_size  }
0x9c: {  	s7 =	simm.s32 $_size__tile_overlayer_lowered;
	s8 =	simm.s32 $_tile_overlayer_lowered  }
0x9d: {  	s22 =	simm.s32 $0x1BFF;
	s21 =	sshll.u32 s8, $0x1;
	s5 =	sadd.s32 s6, s19  }
0x9e: {  	s9 =	simm.s32 $0x0;
	s20 =	sshll.u32 s7, $0x1;
	s7 =	sadd.s32 s21, s5  }
0x9f: {  	[timem:s9], [sflag:s22] =	dma.local [hbm:s7], s20  }
0xa0: {  	_ =	swait.ge [sflag:s22], s20  }
0xa1: {  	s6 =	ssub.s32 $0x0, s20;
	[sflag:s22] =	ssyncset.done $0x0  }
0xa2: {  	[sflag:s22] =	ssyncadd.s32 s6;
	_ =	sdelay $0x1  }
0xa3: {  	s23 =	simm.s32 $0x1B8B  }
0xa4: {  	_ =	swait.ge [sflag:s23], $0x1  }
0xa5: {  	[sflag:s23] =	ssyncset.done $0x0  }
0xa6: {  	s25 =	simm.s32 $0x1B8E;
	s24 =	sld [smem:$0x3FFE];
	[sflag:s23] =	ssyncadd.s32 $0xFFFFFFFF  }
0xa7: {  	s26 =	simm.s32 $execute0_lowered;
	[smem:$0x3FD2] =	sst s25  }
0xa8: {  	s7 =	sshll.u32 s26, $0x1;
	_ =	strace $0x80000046;
	[dreg:$0x1] =	wrdreg $0xFFFFFFFF  }
0xa9: {  	s28 =	simm.s32 $_size_execute0_lowered;
	s5 =	sadd.s32 s5, s7;
	[dreg:$0x0] =	wrdreg $0x0  }
0xaa: {  	s7 =	sshll.u32 s28, $0x1;
	[dreg:$0x2] =	wrdreg s5  }
0xab: {  	[dreg:$0x3] =	wrdreg s7  }
0xac: {  	[dreg:$0x4] =	wrdreg $0xC0  }
0xad: {  	_ =	task [dreg:s9], $0x5FFFF  }
0xae: {  	[dreg:$0x1] =	wrdreg $0xFFFFFFFF  }
0xaf: {  	[dreg:$0x0] =	wrdreg $0x60  }
0xb0: {  	[dreg:$0x2] =	wrdreg s24  }
0xb1: {  	[dreg:$0x3] =	wrdreg s2  }
0xb2: {  	[dreg:$0x4] =	wrdreg s18  }
0xb3: {  	[dreg:$0x5] =	wrdreg s4  }
0xb4: {  	[dreg:$0x6] =	wrdreg $0x9  }
0xb5: {  	_ =	task.clear_ibuf [dreg:s9], $0x7FFFF;
	_ =	strace $0x90000046  }
0xb6: {  	s29 =	simm.s32 $0x9;
	_ =	strace $0x80000048  }
0xb7: {  	_ =	swait.ge [sflag:s29], $0x1  }
0xb8: {  	[sflag:s29] =	ssyncadd.s32 $0xFFFFFFFF  }
0xb9: {  	_ =	strace $0x90000048  }
0xba: {  	_ =	sfence  }
0xbb: {  	s30 =	sld [smem:$0x0];
	_ =	sdelay $0x2  }
0xbc: {  	s31 =	sshll.u32 s1, $0xD;
	s1 =	sshrl.u32 s1, $0x2  }
0xbd: {  	s3 =	sand.u32 $0x4000, s31;
	s1 =	sadd.s32 s1, s30  }
0xbe: {  	s0 =	sor.u32 s3, s0;
	s1 =	sshll.u32 s1, $0x11  }
0xbf: {  	s0 =	sor.u32 s1, s0  }
0xc0: {  	s0 =	sadd.s32 $0x8F2B, s0  }
0xc1: {  	[sflag:s0] =	ssyncadd.remote.s32 $0x1  }
0xc2: {  	_ =	sfence.sel $0xFFFF  }
0xc3: {  	[dreg:$0x0] =	wrdreg $0xFFFFFFFF;
	(pc) =	sbr.abs _section_cstart, $3  }
0xc4: {  	[dreg:$0x1] =	wrdreg $0xFFFFFFFF  }
0xc5: {  	_ =	task.clear_ibuf [dreg:s9], $0x2FFFF;
	_ =	strace $0x9FFFFFFF  }
0xc6: {  	(tm) =	ssettm $0x7FFFFFFF  }
0xc7: {  	_ =	shalt  }
tec
execute0_lowered:
.L_overlay_start_1:
0x0: {  	(tag) =	ssettag $0x1  }
0x1: {  	s0 =	rddreg [dreg:$0x0]  }
0x2: {  	s23 =	rddreg [dreg:$0x3];
	s24 =	simm.s32 $0x0;
	s1 =	srdreg.scid  }
0x3: {  	s2 =	stileid.u32;
	[smem:$0x7FF] =	sst s24;
	s1 =	sand.u32 $0x1, s1  }
0x4: {  	s2 =	sshll.u32 s2, $0x1;
	s25 =	sadd.s32 $0xC00, s0;
	s19 =	sadd.s32 $0x19C00, s0  }
0x5: {  	s26 =	sadd.s32 $0xF43000, s0;
	_ =	strace $0x80000047;
	[dreg:$0x13] =	wrdreg s19  }
0x6: {  	s28 =	sadd.s32 $0xC10, s0;
	s2 =	sor.u32 s1, s2;
	[dreg:$0x10] =	wrdreg s25  }
0x7: {  	s1 =	ssub.s32 $0x2, s1;
	[dreg:$0x12] =	wrdreg s26;
	s3 =	smul.u32 $0x6400, s2  }
0x8: {  	[dreg:$0x14] =	wrdreg s28;
	s20 =	sshrl.u32 s1, $0x1  }
0x9: {  	s1 =	ssub.s32 s1, s20;
	[dreg:$0x11] =	wrdreg s3;
	s30 =	sor.u32 $0x200, s3  }
0xa: {  	s21 =	sshrl.u32 s3, $0x3;
	s31 =	smax.u32 s1, $0x1;
	[dreg:$0x17] =	wrdreg s30  }
0xb: {  	s22 =	sadd.s32 s25, s21;
	[dreg:$0x18] =	wrdreg s31  }
0xc: {  	s29 =	sadd.s32 s21, s28;
	[dreg:$0x15] =	wrdreg s22  }
0xd: {  	s4 =	simm.s32 $0x7480;
	s2 =	simm.s32 $0x0;
	[dreg:$0x16] =	wrdreg s29  }
.LBB2_1:
0xe: {  	[dreg:$0x19] =	wrdreg s2  }
0xf: {  	s0 =	rddreg [dreg:$0x13];
	s1 =	simm.s32 $0x5  }
0x10: {  	[tilespmem:s24], [sflag:$0x5] =	stream.linear.gather [hbm4b:s0+s24], $0x3200, $0x38;
	[tilespmem:$0xB480] =	vst v63  }
0x11: {  	_ =	swait.ge [sflag:s1], $0x3200  }
0x12: {  	[sflag:s1] =	ssyncset.done $0x0  }
0x13: {  	[sflag:s1] =	ssyncadd.s32 $0xFFFFCE00  }
0x14: {  	s16 =	simm.s32 $0x3200;
	s15 =	rddreg [dreg:$0x1]  }
0x15: {  	[tilespmem:s16], [sflag:$0x5] =	stream.linear.gather [hbm4b:s15+s24], $0x40, $0x38;
	[tilespmem:$0xB480] =	vst v63  }
0x16: {  	_ =	swait.ge [sflag:s1], $0x40  }
0x17: {  	[sflag:s1] =	ssyncset.done $0x0  }
0x18: {  	[sflag:s1] =	ssyncadd.s32 $0xFFFFFFC0  }
0x19: {  	s18 =	simm.s32 $0x3240;
	s17 =	rddreg [dreg:$0x2]  }
0x1a: {  	[tilespmem:s18], [sflag:$0x5] =	stream.linear.gather [hbm4b:s17+s24], $0x40, $0x38;
	[tilespmem:$0xB480] =	vst v63  }
0x1b: {  	_ =	swait.ge [sflag:s1], $0x40  }
0x1c: {  	[sflag:s1] =	ssyncset.done $0x0  }
0x1d: {  	[sflag:s1] =	ssyncadd.s32 $0xFFFFFFC0  }
0x1e: {  	v55 =	vld [tilespmem:$0x3200]  }
0x1f: {  	v56 =	vld [tilespmem:$0x3210]  }
0x20: {  	v58 =	vld [tilespmem:$0x3220]  }
0x21: {  	v59 =	vld [tilespmem:$0x3230]  }
0x22: {  	v61 =	vld [tilespmem:$0x3240]  }
0x23: {  	v62 =	vld [tilespmem:$0x3250]  }
0x24: {  	s20 =	simm.s32 $0x3280;
	s19 =	rddreg [dreg:$0x15];
	v51 =	vld [tilespmem:$0x3260]  }
0x25: {  	v52 =	vld [tilespmem:$0x3270];
	[tilespmem:s20], [sflag:$0x5] =	stream.linear.gather [hbm4b:s19+s24], $0x80, $0x38  }
0x26: {  	_ =	swait.ge [sflag:s1], $0x80  }
0x27: {  	[sflag:s1] =	ssyncset.done $0x0  }
0x28: {  	s3 =	simm.s32 $0x3300;
	s21 =	rddreg [dreg:$0x16];
	[sflag:s1] =	ssyncadd.s32 $0xFFFFFF80  }
0x29: {  	[tilespmem:s3], [sflag:$0x5] =	stream.linear.gather [hbm4b:s21+s24], $0x80, $0x38;
	[tilespmem:$0xB480] =	vst v63  }
0x2a: {  	_ =	swait.ge [sflag:s1], $0x80  }
0x2b: {  	[tilespmem:$0x1FF80] =	vst v61  }
0x2c: {  	[tilespmem:$0x1FF90] =	vst v62  }
0x2d: {  	[tilespmem:$0x1FFA0] =	vst v51  }
0x2e: {  	[tilespmem:$0x1FFB0] =	vst v52  }
0x2f: {  	[tilespmem:$0x1FFC0] =	vst v56  }
0x30: {  	s22 =	simm.s32 $0x80;
	[sflag:s1] =	ssyncset.done $0x0;
	[tilespmem:$0x1FFD0] =	vst v55  }
0x31: {  	s30 =	simm.s32 $0x3480;
	s31 =	simm.s32 $0x5480;
	[tilespmem:$0x1FFE0] =	vst v59;
	[sflag:s1] =	ssyncadd.s32 $0xFFFFFF80  }
0x32: {  	[tilespmem:s30], [sflag:$0x1] =	stream.indirect.gather [hbm4b:s26+s22], $0x40, s20, s22, $0xb8;
	[tilespmem:$0xB480] =	vst v63  }
0x33: {  	s2 =	simm.s32 $0x0;
	s29 =	simm.s32 $0x0;
	s0 =	simm.s32 $0x100;
	[tilespmem:$0x1FFF0] =	vst v58  }
0x34: {  	[tilespmem:s31], [sflag:$0x1] =	stream.indirect.gather [hbm4b:s26+s22], $0x40, s3, s22, $0xb8;
	[tilespmem:$0xB480] =	vst v63  }
.LBB2_2:
0x35: {  	s16 =	smulhi.u32 $0x51EB851F, s0  }
0x36: {  	s9 =	sshll.u32 s29, $0x9;
	s1 =	rddreg [dreg:$0x11]  }
0x37: {  	[dreg:$0x1a] =	wrdreg s0;
	s11 =	sadd.s32 s1, s9;
	s0 =	sshrl.u32 s16, $0x6  }
0x38: {  	[dreg:$0x1b] =	wrdreg s2;
	s1 =	sadd.s32 $0x100, s11;
	s0 =	smul.u32 $0xC8, s0  }
0x39: {  	[dreg:$0x1d] =	wrdreg s1;
	s1 =	sshrl.u32 s1, $0x3  }
0x3a: {  	s3 =	simm.s32 $0x3380;
	s17 =	sadd.s32 s25, s1;
	s0 =	ssub.s32 s2, s0  }
0x3b: {  	[tilespmem:s3], [sflag:$0x5] =	stream.linear.gather [hbm4b:s17+s24], $0x80, $0x38;
	[tilespmem:$0xB480] =	vst v63  }
0x3c: {  	s18 =	simm.s32 $0x5;
	[dreg:$0x5] =	wrdreg s0  }
0x3d: {  	_ =	swait.ge [sflag:s18], $0x80  }
0x3e: {  	[sflag:s18] =	ssyncset.done $0x0  }
0x3f: {  	s20 =	simm.s32 $0x3400;
	s19 =	sadd.s32 s1, s28;
	[sflag:s18] =	ssyncadd.s32 $0xFFFFFF80  }
0x40: {  	[tilespmem:s20], [sflag:$0x5] =	stream.linear.gather [hbm4b:s19+s24], $0x80, $0x38;
	[tilespmem:$0xB480] =	vst v63  }
0x41: {  	_ =	swait.ge [sflag:s18], $0x80  }
0x42: {  	[sflag:s18] =	ssyncset.done $0x0  }
0x43: {  	s21 =	simm.s32 $0x80;
	[sflag:s18] =	ssyncadd.s32 $0xFFFFFF80  }
0x44: {  	[tilespmem:s4], [sflag:$0x2] =	stream.indirect.gather [hbm4b:s26+s21], $0x40, s3, s21, $0xb8;
	[tilespmem:$0xB480] =	vst v63  }
0x45: {  	s22 =	simm.s32 $0x9480;
	s30 =	simm.s32 $0x1  }
0x46: {  	[tilespmem:s22], [sflag:$0x2] =	stream.indirect.gather [hbm4b:s26+s21], $0x40, s20, s21, $0xb8;
	[tilespmem:$0xB480] =	vst v63  }
0x47: {  	s31 =	sand.u32 $0xFFF8, s9;
	_ =	swait.ge [sflag:s30], $0x2000  }
0x48: {  	s0 =	sshrl.u32 s31, $0x3;
	[sflag:s30] =	ssyncset.done $0x0  }
0x49: {  	s0 =	smul.u32 $0x147B, s0;
	[sflag:s30] =	ssyncadd.s32 $0xFFFFE000  }
0x4a: {  	_ =	swait.ge [sflag:s30], $0x2000  }
0x4b: {  	p0 =	seq.s32 s29, $0x0;
	s0 =	sshrl.u32 s0, $0x11;
	[sflag:s30] =	ssyncset.done $0x0  }
0x4c: {  	s1 =	simm.s32 @!p0 $0x3;
	s0 =	smul.u32 $0xC8, s0;
	[sflag:s30] =	ssyncadd.s32 $0xFFFFE000  }
0x4d: {  	_ =	swait.ge @!p0 [sflag:s1], $0x4000  }
0x4e: {  	s12 =	simm.s32 $0x3580;
	s0 =	ssub.s32 s9, s0;
	[sflag:s1] =	ssyncset.done @!p0 $0x0  }
0x4f: {  	s17 =	simm.s32 $0x0;
	[dreg:$0xf] =	wrdreg s0;
	[sflag:s1] =	ssyncadd.s32 @!p0 $0xFFFFC000  }
.LBB2_3:
0x50: {  	s0 =	rddreg [dreg:$0xf]  }
0x51: {  	s7 =	sadd.s32 s17, s0  }
0x52: {  	s0 =	sand.u32 $0xFFF8, s7  }
0x53: {  	s0 =	sshrl.u32 s0, $0x3  }
0x54: {  	s0 =	smul.u32 $0x147B, s0;
	_ =	sdelay $0x1  }
0x55: {  	s0 =	sshrl.u32 s0, $0x11  }
0x56: {  	s0 =	smul.u32 $0xC8, s0  }
0x57: {  	v0 =	vld [tilespmem:s12+$0xFFFFFF00]  }
0x58: {  	v2 =	vld [tilespmem:s12+$0xFFFFFF10];
	s0 =	ssub.s32 s7, s0  }
0x59: {  	v4 =	vld [tilespmem:s12+$0xFFFFFF20];
	s0 =	sand.u32 $0xFFFF, s0  }
0x5a: {  	v6 =	vld [tilespmem:s12+$0xFFFFFF30];
	s0 =	sshll.u32 s0, $0x6  }
0x5b: {  	v1 =	vld [tilespmem:s0+$0x0]  }
0x5c: {  	v3 =	vld [tilespmem:s0+$0x10]  }
0x5d: {  	v5 =	vld [tilespmem:s0+$0x20]  }
0x5e: {  	v7 =	vld [tilespmem:s0+$0x30];
	_ =	sdelay $0x1  }
0x5f: {  	s8 =	sadd.s32 $0x1, s7  }
0x60: {  	s1 =	sand.u32 $0xFFF8, s8  }
0x61: {  	s1 =	sshrl.u32 s1, $0x3;
	v11 =	vadd.f32 v1, v0;
	v10 =	vadd.f32 v3, v2  }
0x62: {  	s1 =	smul.u32 $0x147B, s1;
	v8 =	vadd.f32 v5, v4;
	v9 =	vadd.f32 v7, v6  }
0x63: {  	s10 =	sadd.s32 $0x2, s7;
	v0 =	vmul.f32 v11, v11;
	v22 =	vmul.f32 v10, v10  }
0x64: {  	v28 =	vld [tilespmem:s12+$0xFFFFFF40];
	s2 =	sand.u32 $0xFFF8, s10;
	s1 =	sshrl.u32 s1, $0x11;
	v23 =	vmul.f32 v8, v8;
	v24 =	vmul.f32 v9, v9  }
0x65: {  	v30 =	vld [tilespmem:s12+$0xFFFFFF50];
	s2 =	sshrl.u32 s2, $0x3;
	s1 =	smul.u32 $0xC8, s1;
	v25 =	vadd.f32 v10, v11;
	v5 =	vadd.f32 v9, v8  }
0x66: {  	v32 =	vld [tilespmem:s12+$0xFFFFFF60];
	s2 =	smul.u32 $0x147B, s2;
	v0 =	vadd.f32 v22, v0;
	v26 =	vadd.f32 v24, v23  }
0x67: {  	v34 =	vld [tilespmem:s12+$0xFFFFFF70];
	s0 =	ssub.s32 s8, s1;
	v27 =	vadd.f32 v5, v25  }
0x68: {  	v13 =	vld [tilespmem:s12+$0xFFFFFF80];
	s2 =	sshrl.u32 s2, $0x11;
	s0 =	sand.u32 $0xFFFF, s0;
	v0 =	vadd.f32 v26, v0  }
0x69: {  	v19 =	vld [tilespmem:s12+$0xFFFFFF90];
	s2 =	smul.u32 $0xC8, s2;
	s0 =	sshll.u32 s0, $0x6;
	(xrf2) =	vadd.scan.msk.f32 $0xffff, v27  }
0x6a: {  	v29 =	vld [tilespmem:s0+$0x0];
	(xrf2) =	vadd.scan.msk.f32 $0xffff, v0  }
0x6b: {  	s1 =	ssub.s32 s10, s2;
	v31 =	vld [tilespmem:s0+$0x10]  }
0x6c: {  	s13 =	sand.u32 $0xFFFF, s1;
	v33 =	vld [tilespmem:s0+$0x20]  }
0x6d: {  	v12 =	vld [tilespmem:s0+$0x30];
	s0 =	sshll.u32 s13, $0x6  }
0x6e: {  	v38 =	vld [tilespmem:s0+$0x10]  }
0x6f: {  	v39 =	vld [tilespmem:s12+$0xFFFFFFA0]  }
0x70: {  	v42 =	vld [tilespmem:s12+$0xFFFFFFB0]  }
0x71: {  	v21 =	vld [tilespmem:s0+$0x30];
	v17 =	vadd.f32 v29, v28;
	v16 =	vadd.f32 v31, v30  }
0x72: {  	v37 =	vld [tilespmem:s0+$0x0];
	v14 =	vadd.f32 v33, v32;
	v15 =	vadd.f32 v12, v34  }
0x73: {  	v41 =	vld [tilespmem:s0+$0x20];
	v19 =	vadd.f32 v38, v19;
	v40 =	vmul.f32 v17, v17;
	v18 =	vadd.f32 v16, v17;
	v35, _, _ =	vpop (xrf2)  }
0x74: {  	v3 =	vmul.f32 v16, v16;
	v20 =	vadd.f32 v15, v14;
	(v2sf) =	vpush v35, $0xF;
	v36, _, _ =	vpop (xrf2)  }
0x75: {  	v5 =	vmul.f32 v14, v14;
	v6 =	vmul.f32 v15, v15;
	(v2sf) =	vpush v36, $0xF  }
0x76: {  	v12 =	vadd.f32 v21, v42;
	v44 =	vadd.f32 v20, v18  }
0x77: {  	v2 =	vadd.f32 v3, v40;
	v43 =	vadd.f32 v6, v5  }
0x78: {  	s14 =	sadd.s32 $0x3, s7;
	v18 =	vadd.f32 v37, v13;
	v13 =	vadd.f32 v41, v39;
	(xrf2) =	vadd.scan.msk.f32 $0xffff, v44  }
0x79: {  	s15 =	sand.u32 $0xFFF8, s14;
	v2 =	vadd.f32 v43, v2  }
0x7a: {  	s0 =	sshrl.u32 s15, $0x3;
	v49 =	vadd.f32 v19, v18;
	v50 =	vadd.f32 v12, v13  }
0x7b: {  	s3 =	smul.u32 $0x147B, s0;
	(xrf2) =	vadd.scan.msk.f32 $0xffff, v2  }
0x7c: {  	v54 =	vadd.f32 v50, v49  }
0x7d: {  	s3 =	sshrl.u32 s3, $0x11;
	v46 =	vmul.f32 v19, v19;
	v48 =	vmul.f32 v12, v12  }
0x7e: {  	s3 =	smul.u32 $0xC8, s3;
	v45 =	vmul.f32 v18, v18;
	v47 =	vmul.f32 v13, v13;
	(xrf2) =	vadd.scan.msk.f32 $0xffff, v54  }
0x7f: {  	v57 =	vld [tilespmem:s12+$0xFFFFFFC0]  }
0x80: {  	v28 =	vld [tilespmem:s12+$0xFFFFFFF0];
	s1 =	ssub.s32 s14, s3;
	v0 =	vadd.f32 v46, v45;
	v53 =	vadd.f32 v48, v47  }
0x81: {  	v24 =	vld [tilespmem:s12+$0xFFFFFFD0];
	s1 =	sand.u32 $0xFFFF, s1  }
0x82: {  	v26 =	vld [tilespmem:s12+$0xFFFFFFE0];
	s1 =	sshll.u32 s1, $0x6;
	v0 =	vadd.f32 v53, v0;
	v60, _, _ =	vpop (xrf2)  }
0x83: {  	v63 =	vld [tilespmem:s1+$0x0];
	s16 =	spop (v2sf);
	(v2sf) =	vpush v60, $0xF  }
0x84: {  	v25 =	vld [tilespmem:s1+$0x10];
	(xrf2) =	vadd.scan.msk.f32 $0xffff, v0;
	s0 =	smul.f32 $1.562500000e-02, s16;
	s18 =	spop (v2sf)  }
0x85: {  	v27 =	vld [tilespmem:s1+$0x20];
	v23, _, _ =	vpop (xrf2);
	s2 =	smul.f32 $1.562500000e-02, s18  }
0x86: {  	v30 =	vld [tilespmem:s1+$0x30];
	(v2sf) =	vpush v23, $0xF;
	s4 =	smul.f32 s0, s0  }
0x87: {  	s19 =	sadd.s32 $0x4, s7  }
0x88: {  	s20 =	sand.u32 $0xFFF8, s19;
	v29, _, _ =	vpop (xrf2);
	s2 =	ssub.f32 s2, s4  }
0x89: {  	(v2sf) =	vpush v29, $0xF;
	s4 =	sshrl.u32 s20, $0x3  }
0x8a: {  	v22 =	vadd.f32 v25, v24;
	v21 =	vadd.f32 v27, v26;
	s4 =	smul.u32 $0x147B, s4;
	s2 =	sadd.f32 $9.999999740e-06, s2  }
0x8b: {  	v20 =	vadd.f32 v30, v28;
	v23 =	vadd.f32 v63, v57  }
0x8c: {  	s4 =	sshrl.u32 s4, $0x11;
	s5 =	smul.f32 $5.000000000e-01, s2  }
0x8d: {  	s31 =	sadd.s32 $0x5, s7;
	v25 =	vadd.f32 v20, v21;
	v24 =	vadd.f32 v22, v23;
	s2 =	sshra.s32 s2, $0x1;
	s21 =	smul.u32 $0xC8, s4  }
0x8e: {  	v32 =	vld [tilespmem:s12+$0x0];
	s14 =	sand.u32 $0xFFF8, s31;
	v31, _, _ =	vpop (xrf2);
	s2 =	ssub.s32 $0x5F3759DF, s2  }
0x8f: {  	v34 =	vld [tilespmem:s12+$0x10];
	(v2sf) =	vpush v31, $0xF;
	v38 =	vadd.f32 v25, v24;
	s4 =	sshrl.u32 s14, $0x3;
	s6 =	smul.f32 s2, s5;
	s1 =	ssub.s32 s19, s21  }
0x90: {  	v39 =	vld [tilespmem:s12+$0x30];
	s10 =	smul.u32 $0x147B, s4;
	s1 =	sand.u32 $0xFFFF, s1  }
0x91: {  	v26 =	vld [tilespmem:s12+$0x20];
	v3 =	vmul.f32 v22, v22;
	v5 =	vmul.f32 v21, v21;
	(xrf2) =	vadd.scan.msk.f32 $0xffff, v38;
	s22 =	smul.f32 s2, s6;
	s1 =	sshll.u32 s1, $0x6  }
0x92: {  	v6 =	vmul.f32 v20, v20;
	v2 =	vmul.f32 v23, v23;
	v33 =	vld [tilespmem:s1+$0x0];
	s8 =	spop (v2sf)  }
0x93: {  	s18 =	sshrl.u32 s10, $0x11;
	v35 =	vld [tilespmem:s1+$0x10];
	s30 =	ssub.f32 $1.500000000e+00, s22;
	s4 =	smul.f32 $1.562500000e-02, s8  }
0x94: {  	v36 =	vadd.f32 v6, v5;
	v2 =	vadd.f32 v3, v2;
	v37 =	vld [tilespmem:s1+$0x20];
	s8 =	smul.u32 $0xC8, s18  }
0x95: {  	v40 =	vld [tilespmem:s1+$0x30];
	s2 =	smul.f32 s2, s30;
	s15 =	spop (v2sf)  }
0x96: {  	v2 =	vadd.f32 v36, v2;
	s16 =	smul.f32 $1.562500000e-02, s15  }
0x97: {  	s14 =	sadd.s32 $0x6, s7;
	s13 =	smul.f32 s4, s4  }
0x98: {  	(xrf2) =	vadd.scan.msk.f32 $0xffff, v2;
	s19 =	ssub.s32 s31, s8;
	s20 =	spop (v2sf);
	s3 =	smul.f32 s2, s5  }
0x99: {  	s31 =	sand.u32 $0xFFF8, s14;
	v0 =	vadd.f32 v33, v32;
	v24 =	vadd.f32 v35, v34;
	s1 =	ssub.f32 s16, s13;
	s13 =	smul.f32 $1.562500000e-02, s20  }
0x9a: {  	v26 =	vadd.f32 v37, v26;
	v25 =	vadd.f32 v40, v39;
	s6 =	sshrl.u32 s31, $0x3;
	s3 =	smul.f32 s3, s2  }
0x9b: {  	v50, _, _ =	vpop (xrf2);
	s6 =	smul.u32 $0x147B, s6;
	v1 =	vmul.f32 v0, v0;
	v41 =	vmul.f32 v24, v24;
	s1 =	sadd.f32 $9.999999740e-06, s1  }
0x9c: {  	v42 =	vld [tilespmem:s12+$0x40];
	(v2sf) =	vpush v50, $0xF;
	v43 =	vmul.f32 v26, v26;
	v44 =	vmul.f32 v25, v25;
	s22 =	smul.f32 s13, s13;
	s3 =	ssub.f32 $1.500000000e+00, s3  }
0x9d: {  	v49 =	vld [tilespmem:s12+$0x60];
	v7 =	vadd.f32 v24, v0;
	v27 =	vadd.f32 v25, v26;
	s30 =	sshra.s32 s1, $0x1;
	s1 =	smul.f32 $5.000000000e-01, s1  }
0x9e: {  	v28 =	vld [tilespmem:s12+$0x50];
	s21 =	spop (v2sf);
	v1 =	vadd.f32 v41, v1;
	v46 =	vadd.f32 v44, v43;
	s10 =	smul.f32 s3, s2;
	s2 =	sand.u32 $0xFFFF, s19  }
0x9f: {  	v57 =	vld [tilespmem:s12+$0x70];
	v48 =	vadd.f32 v27, v7;
	s3 =	smul.f32 $1.562500000e-02, s21;
	s8 =	ssub.s32 $0x5F3759DF, s30;
	s2 =	sshll.u32 s2, $0x6  }
0xa0: {  	v1 =	vadd.f32 v46, v1;
	s15 =	smul.f32 s8, s1;
	v45 =	vld [tilespmem:s2+$0x0]  }
0xa1: {  	(xrf2) =	vadd.scan.msk.f32 $0xffff, v48;
	v47 =	vld [tilespmem:s2+$0x10];
	s3 =	ssub.f32 s3, s22  }
0xa2: {  	v54, _, _ =	vpop (xrf2);
	s6 =	sshrl.u32 s6, $0x11;
	v53 =	vld [tilespmem:s2+$0x20];
	(xrf2) =	vadd.scan.msk.f32 $0xffff, v1;
	s15 =	smul.f32 s8, s15  }
0xa3: {  	(v2sf) =	vpush v54, $0xF;
	s6 =	smul.u32 $0xC8, s6;
	v60 =	vld [tilespmem:s2+$0x30];
	s3 =	sadd.f32 $9.999999740e-06, s3  }
0xa4: {  	s7 =	sadd.s32 $0x7, s7;
	s5 =	smul.f32 s10, s5;
	s15 =	ssub.f32 $1.500000000e+00, s15  }
0xa5: {  	s18 =	sand.u32 $0xFFF8, s7;
	s2 =	smul.f32 $5.000000000e-01, s3;
	s3 =	sshra.s32 s3, $0x1  }
0xa6: {  	s6 =	ssub.s32 s14, s6;
	s3 =	ssub.s32 $0x5F3759DF, s3;
	s8 =	smul.f32 s8, s15  }
0xa7: {  	s6 =	sand.u32 $0xFFFF, s6;
	v30 =	vadd.f32 v45, v42;
	v29 =	vadd.f32 v47, v28;
	s15 =	sshrl.u32 s18, $0x3;
	s16 =	smul.f32 s3, s2  }
0xa8: {  	v37 =	vld [tilespmem:s12+$0x80];
	s6 =	sshll.u32 s6, $0x6;
	v28 =	vadd.f32 v53, v49;
	v27 =	vadd.f32 v60, v57;
	s15 =	smul.u32 $0x147B, s15  }
0xa9: {  	v39 =	vld [tilespmem:s6+$0x0];
	v63 =	vmul.f32 v30, v30;
	v36 =	vmul.f32 v29, v29;
	s19 =	smul.f32 s8, s1  }
0xaa: {  	v42 =	vld [tilespmem:s6+$0x10];
	v38 =	vmul.f32 v28, v28;
	v5 =	vmul.f32 v27, v27;
	v40 =	vadd.f32 v29, v30;
	s16 =	smul.f32 s3, s16;
	s20 =	sshrl.u32 s15, $0x11  }
0xab: {  	v45 =	vld [tilespmem:s6+$0x20];
	v31 =	vadd.f32 v27, v28;
	v33, _, _ =	vpop (xrf2);
	s15 =	spop (v2sf);
	v1 =	vadd.f32 v36, v63;
	s22 =	smul.u32 $0xC8, s20  }
0xac: {  	v47 =	vld [tilespmem:s6+$0x30];
	v41 =	vadd.f32 v5, v38;
	(v2sf) =	vpush v33, $0xF;
	s6 =	smul.f32 $1.562500000e-02, s15;
	s14 =	ssub.f32 $1.500000000e+00, s16;
	v43, _, _ =	vpop (xrf2)  }
0xad: {  	v32 =	vld [tilespmem:s12+$0x90];
	v7 =	vadd.f32 v31, v40;
	s16 =	smul.f32 s19, s8;
	(v2sf) =	vpush v43, $0xF  }
0xae: {  	v44 =	vld [tilespmem:s12+$0xA0];
	s14 =	smul.f32 s3, s14  }
0xaf: {  	v46 =	vld [tilespmem:s12+$0xB0];
	v1 =	vadd.f32 v41, v1;
	(xrf2) =	vadd.scan.msk.f32 $0xffff, v7;
	s19 =	smul.f32 s6, s6;
	s21 =	ssub.f32 $1.500000000e+00, s16  }
0xb0: {  	s18 =	smul.f32 s14, s2  }
0xb1: {  	v54 =	vld [tilespmem:s12+$0xE0];
	(xrf2) =	vadd.scan.msk.f32 $0xffff, v1;
	s3 =	smul.f32 s21, s8  }
0xb2: {  	v48 =	vld [tilespmem:s12+$0xC0];
	v34 =	vadd.f32 v39, v37;
	s30 =	ssub.s32 s7, s22;
	s31 =	smul.f32 s18, s14;
	s18 =	spop (v2sf)  }
0xb3: {  	v49 =	vld [tilespmem:s12+$0xD0];
	v33 =	vadd.f32 v42, v32;
	v32 =	vadd.f32 v45, v44;
	s16 =	sand.u32 $0xFFFF, s30;
	s8 =	smul.f32 $1.562500000e-02, s18  }
0xb4: {  	s5 =	smul.f32 s5, s10;
	v53 =	vmul.f32 v34, v34;
	v40 =	vld [tilespmem:s12+$0xF0];
	v31 =	vadd.f32 v47, v46;
	s15 =	sshll.u32 s16, $0x6;
	s7 =	ssub.f32 $1.500000000e+00, s31  }
0xb5: {  	v4 =	vmul.f32 v33, v33;
	v57 =	vmul.f32 v32, v32;
	v35 =	vld [tilespmem:s15+$0x0];
	s1 =	smul.f32 s3, s1;
	s8 =	ssub.f32 s8, s19  }
0xb6: {  	v36 =	vmul.f32 v31, v31;
	v38 =	vadd.f32 v33, v34;
	v39 =	vadd.f32 v31, v32;
	v50 =	vld [tilespmem:s15+$0x10];
	s7 =	smul.f32 s7, s14  }
0xb7: {  	v37 =	vld [tilespmem:s15+$0x20];
	v2 =	vadd.f32 v4, v53;
	s1 =	smul.f32 s1, s3;
	s8 =	sadd.f32 $9.999999740e-06, s8  }
0xb8: {  	v60 =	vadd.f32 v36, v57;
	v63 =	vld [tilespmem:s15+$0x30];
	v38 =	vadd.f32 v39, v38;
	s14 =	smul.f32 s7, s2  }
0xb9: {  	v41, _, _ =	vpop (xrf2);
	s20 =	sshra.s32 s8, $0x1;
	s2 =	smul.f32 $5.000000000e-01, s8  }
0xba: {  	v2 =	vadd.f32 v60, v2;
	(xrf2) =	vadd.scan.msk.f32 $0xffff, v38;
	(v2sf) =	vpush v41, $0xF;
	s21 =	smul.f32 s14, s7;
	s15 =	ssub.s32 $0x5F3759DF, s20  }
0xbb: {  	v39 =	vadd.f32 v35, v48;
	v38 =	vadd.f32 v50, v49;
	v42, _, _ =	vpop (xrf2);
	s30 =	spop (v2sf);
	s22 =	smul.f32 s15, s2  }
0xbc: {  	v37 =	vadd.f32 v37, v54;
	(xrf2) =	vadd.scan.msk.f32 $0xffff, v2;
	(v2sf) =	vpush v42, $0xF;
	s14 =	smul.f32 $1.562500000e-02, s30;
	s31 =	spop (v2sf)  }
0xbd: {  	s5 =	ssub.f32 $1.500000000e+00, s5;
	v36 =	vadd.f32 v63, v40;
	v43 =	vmul.f32 v39, v39;
	s18 =	smul.f32 $1.562500000e-02, s31  }
0xbe: {  	s1 =	ssub.f32 $1.500000000e+00, s1;
	v44 =	vmul.f32 v38, v38;
	v45 =	vmul.f32 v37, v37;
	s19 =	smul.f32 s14, s14  }
0xbf: {  	v46 =	vmul.f32 v36, v36;
	v47 =	vadd.f32 v38, v39;
	v6 =	vadd.f32 v36, v37;
	s20 =	ssub.f32 $1.500000000e+00, s21;
	s16 =	smul.f32 s15, s22  }
0xc0: {  	s10 =	smul.f32 s5, s10;
	v1 =	vadd.f32 v44, v43;
	s18 =	ssub.f32 s18, s19  }
0xc1: {  	s8 =	smul.f32 s1, s3;
	v48 =	vadd.f32 v46, v45;
	v49 =	vadd.f32 v6, v47;
	s19 =	ssub.f32 $1.500000000e+00, s16  }
0xc2: {  	s1 =	smul.f32 s20, s7;
	s5 =	sadd.f32 $9.999999740e-06, s18  }
0xc3: {  	v1 =	vadd.f32 v48, v1;
	(xrf2) =	vadd.scan.msk.f32 $0xffff, v49;
	s3 =	smul.f32 s15, s19  }
0xc4: {  	v50, _, _ =	vpop (xrf2);
	s21 =	sshra.s32 s5, $0x1;
	s15 =	smul.f32 $5.000000000e-01, s5  }
0xc5: {  	(xrf2) =	vadd.scan.msk.f32 $0xffff, v1;
	(v2sf) =	vpush v50, $0xF;
	s22 =	smul.f32 s3, s2;
	s7 =	ssub.s32 $0x5F3759DF, s21  }
0xc6: {  	v53, _, _ =	vpop (xrf2);
	s30 =	smul.f32 s7, s15  }
0xc7: {  	(v2sf) =	vpush v53, $0xF;
	s31 =	smul.f32 s22, s3  }
0xc8: {  	s16 =	smul.f32 s7, s30  }
0xc9: {  	s19 =	spop (v2sf);
	s18 =	ssub.f32 $1.500000000e+00, s31  }
0xca: {  	s5 =	smul.f32 $1.562500000e-02, s19  }
0xcb: {  	s20 =	spop (v2sf);
	s3 =	smul.f32 s18, s3  }
0xcc: {  	s16 =	ssub.f32 $1.500000000e+00, s16;
	s19 =	smul.f32 $1.562500000e-02, s20  }
0xcd: {  	v54, _, _ =	vpop (xrf2);
	s21 =	smul.f32 s5, s5  }
0xce: {  	(v2sf) =	vpush v54, $0xF;
	s7 =	smul.f32 s7, s16  }
0xcf: {  	v57, _, _ =	vpop (xrf2);
	s31 =	smul.f32 s3, s2  }
0xd0: {  	(v2sf) =	vpush v57, $0xF;
	s22 =	ssub.f32 s19, s21;
	s30 =	smul.f32 s7, s15  }
0xd1: {  	s19 =	smul.f32 s31, s3  }
0xd2: {  	s20 =	sadd.f32 $9.999999740e-06, s22  }
0xd3: {  	s21 =	smul.f32 s30, s7;
	s19 =	ssub.f32 $1.500000000e+00, s19  }
0xd4: {  	s31 =	spop (v2sf);
	s22 =	sshra.s32 s20, $0x1;
	s2 =	smul.f32 $5.000000000e-01, s20  }
0xd5: {  	s16 =	ssub.f32 $1.500000000e+00, s21;
	s18 =	ssub.s32 $0x5F3759DF, s22;
	s19 =	smul.f32 s19, s3  }
0xd6: {  	s21 =	spop (v2sf);
	s30 =	smul.f32 s18, s2  }
0xd7: {  	s21 =	smul.f32 $1.562500000e-02, s21  }
0xd8: {  	s16 =	smul.f32 s16, s7  }
0xd9: {  	s7 =	smul.f32 $1.562500000e-02, s31  }
0xda: {  	s20 =	smul.f32 s18, s30  }
0xdb: {  	v63 =	vmov s0;
	s22 =	smul.f32 s7, s7  }
0xdc: {  	v3 =	vmul.f32 s10, v58;
	v60 =	vmul.f32 s10, v56;
	v10 =	vsub.f32 v10, v63;
	s15 =	smul.f32 s16, s15  }
0xdd: {  	v4 =	vmul.f32 s10, v59;
	v11 =	vsub.f32 v11, v63;
	v8 =	vsub.f32 v8, v63;
	s20 =	ssub.f32 $1.500000000e+00, s20;
	s30 =	spop (v2sf)  }
0xde: {  	v2 =	vmul.f32 v60, v10;
	v43 =	vmov s13;
	v6 =	vsub.f32 v9, v63;
	s22 =	ssub.f32 s21, s22;
	s0 =	smul.f32 $1.562500000e-02, s30  }
0xdf: {  	v3 =	vmul.f32 v3, v8;
	v18 =	vsub.f32 v18, v43;
	v40 =	vsub.f32 v19, v43;
	s18 =	smul.f32 s18, s20;
	s31 =	spop (v2sf)  }
0xe0: {  	v13 =	vsub.f32 v13, v43;
	v2 =	vadd.f32 v2, v62;
	v4 =	vmul.f32 v4, v6;
	s20 =	sadd.f32 $9.999999740e-06, s22;
	s22 =	smul.f32 $1.562500000e-02, s31  }
0xe1: {  	v12 =	vsub.f32 v12, v43;
	v3 =	vadd.f32 v3, v51;
	v1 =	vmul.f32 s10, v55;
	s30 =	smul.f32 s0, s0  }
0xe2: {  	v5 =	vmul.f32 s8, v55;
	v7 =	vmul.f32 s8, v56;
	v4 =	vadd.f32 v4, v52;
	s3 =	smul.f32 $5.000000000e-01, s20;
	s20 =	sshra.s32 s20, $0x1  }
0xe3: {  	v1 =	vmul.f32 v1, v11;
	v42 =	vmul.f32 s1, v55;
	v54 =	vmov s4;
	s21 =	smul.f32 s18, s2;
	s4 =	ssub.s32 $0x5F3759DF, s20  }
0xe4: {  	v11 =	vmov s6;
	v44 =	vmul.f32 s1, v56;
	v45 =	vmul.f32 s1, v58;
	s31 =	smul.f32 s4, s3  }
0xe5: {  	v46 =	vmul.f32 s1, v59;
	v23 =	vsub.f32 v23, v11;
	v53 =	vmul.f32 s8, v58;
	s13 =	smul.f32 s21, s18  }
0xe6: {  	v21 =	vsub.f32 v21, v11;
	v10 =	vmul.f32 v44, v40;
	v57 =	vmul.f32 s8, v59;
	s8 =	ssub.f32 s22, s30;
	s1 =	smul.f32 s4, s31  }
0xe7: {  	v43 =	vsub.f32 v20, v11;
	v1 =	vadd.f32 v1, v61;
	s10 =	ssub.f32 $1.500000000e+00, s13  }
0xe8: {  	v10 =	vadd.f32 v10, v62;
	v47 =	vmul.f32 s19, v55;
	v48 =	vmul.f32 s19, v56;
	s15 =	smul.f32 s15, s16;
	s1 =	ssub.f32 $1.500000000e+00, s1  }
0xe9: {  	v60 =	vsub.f32 v17, v54;
	v49 =	vmul.f32 s19, v58;
	v50 =	vmul.f32 s19, v59;
	s19 =	sadd.f32 $9.999999740e-06, s8;
	s10 =	smul.f32 s10, s18  }
0xea: {  	v63 =	vsub.f32 v16, v54;
	v16 =	vsub.f32 v14, v54;
	s4 =	smul.f32 s4, s1  }
0xeb: {  	v17 =	vsub.f32 v15, v54;
	v14 =	vmov s14;
	v5 =	vmul.f32 v5, v60;
	s20 =	sshra.s32 s19, $0x1;
	s1 =	smul.f32 $5.000000000e-01, s19  }
0xec: {  	v0 =	vsub.f32 v0, v14;
	v6 =	vmul.f32 v7, v63;
	v8 =	vmul.f32 v53, v16;
	s6 =	ssub.s32 $0x5F3759DF, s20;
	s2 =	smul.f32 s10, s2  }
0xed: {  	v7 =	vmul.f32 v42, v18;
	v19 =	vmov s5;
	v63 =	vsub.f32 v22, v11;
	s21 =	smul.f32 s6, s1  }
0xee: {  	v60 =	vmul.f32 v46, v12;
	v16 =	vsub.f32 v28, v19;
	v5 =	vadd.f32 v5, v61;
	s2 =	smul.f32 s2, s10  }
0xef: {  	[tilespmem:s12+$0xFFFFFF10] =	vst v2;
	v9 =	vmul.f32 v57, v17;
	v6 =	vadd.f32 v6, v62;
	v8 =	vadd.f32 v8, v51;
	s15 =	ssub.f32 $1.500000000e+00, s15;
	s8 =	smul.f32 s6, s21  }
0xf0: {  	[tilespmem:s12+$0xFFFFFF00] =	vst v1;
	v7 =	vadd.f32 v7, v61;
	v1 =	vadd.f32 v60, v52;
	s22 =	smul.f32 s4, s3  }
0xf1: {  	[tilespmem:s12+$0xFFFFFF20] =	vst v3;
	v60 =	vsub.f32 v30, v19;
	v41 =	vadd.f32 v9, v52;
	v35 =	vmul.f32 v47, v23;
	s13 =	smul.f32 s15, s16;
	s8 =	ssub.f32 $1.500000000e+00, s8  }
0xf2: {  	[tilespmem:s12+$0xFFFFFF30] =	vst v4;
	v40 =	vmul.f32 v48, v63;
	v42 =	vmul.f32 v49, v21;
	v48 =	vsub.f32 v24, v14;
	s2 =	ssub.f32 $1.500000000e+00, s2;
	s5 =	smul.f32 s22, s4  }
0xf3: {  	[tilespmem:s12+$0xFFFFFF40] =	vst v5;
	v5 =	vmul.f32 v50, v43;
	v49 =	vsub.f32 v26, v14;
	v50 =	vsub.f32 v25, v14;
	s6 =	smul.f32 s6, s8  }
0xf4: {  	v13 =	vmul.f32 v45, v13;
	[tilespmem:s12+$0xFFFFFF90] =	vst v10;
	v63 =	vsub.f32 v29, v19;
	v2 =	vadd.f32 v35, v61;
	s2 =	smul.f32 s2, s10;
	s5 =	ssub.f32 $1.500000000e+00, s5  }
0xf5: {  	[tilespmem:s12+$0xFFFFFF50] =	vst v6;
	v3 =	vadd.f32 v40, v62;
	v53 =	vmul.f32 s13, v55;
	v54 =	vmul.f32 s13, v56;
	s30 =	smul.f32 s6, s1  }
0xf6: {  	[tilespmem:s12+$0xFFFFFF60] =	vst v8;
	v9 =	vadd.f32 v42, v51;
	v44 =	vmul.f32 s2, v55;
	v45 =	vmul.f32 s2, v56;
	s4 =	smul.f32 s5, s4  }
0xf7: {  	[tilespmem:s12+$0xFFFFFF80] =	vst v7;
	v5 =	vadd.f32 v5, v52;
	v46 =	vmul.f32 s2, v58;
	v47 =	vmul.f32 s2, v59;
	s2 =	smul.f32 s30, s6  }
0xf8: {  	[tilespmem:s12+$0xFFFFFFB0] =	vst v1;
	v40 =	vmov s0;
	v57 =	vmul.f32 s13, v58;
	v18 =	vmul.f32 s13, v59;
	s3 =	smul.f32 s4, s3  }
0xf9: {  	[tilespmem:s12+$0xFFFFFF70] =	vst v41;
	v43 =	vsub.f32 v39, v40;
	v0 =	vmul.f32 v53, v0;
	v53 =	vmul.f32 v54, v48;
	s2 =	ssub.f32 $1.500000000e+00, s2  }
0xfa: {  	[tilespmem:s12+$0xFFFFFFC0] =	vst v2;
	v54 =	vadd.f32 v13, v51;
	v57 =	vmul.f32 v57, v49;
	v4 =	vmul.f32 v18, v50;
	s3 =	smul.f32 s3, s4  }
0xfb: {  	[tilespmem:s12+$0xFFFFFFD0] =	vst v3;
	v18 =	vsub.f32 v27, v19;
	v19 =	vmov s7;
	v49 =	vsub.f32 v37, v40;
	s2 =	smul.f32 s2, s6  }
0xfc: {  	[tilespmem:s12+$0xFFFFFFE0] =	vst v9;
	v50 =	vsub.f32 v36, v40;
	v22 =	vsub.f32 v34, v19;
	s3 =	ssub.f32 $1.500000000e+00, s3  }
0xfd: {  	[tilespmem:s12+$0xFFFFFFF0] =	vst v5;
	v28 =	vsub.f32 v33, v19;
	v0 =	vadd.f32 v0, v61;
	s1 =	smul.f32 s2, s1  }
0xfe: {  	v33 =	vsub.f32 v32, v19;
	[tilespmem:s12+$0xFFFFFFA0] =	vst v54;
	v17 =	vadd.f32 v53, v62;
	s3 =	smul.f32 s3, s4  }
0xff: {  	v35 =	vsub.f32 v31, v19;
	v24 =	vadd.f32 v57, v51;
	[tilespmem:s12+$0x0] =	vst v0;
	v14 =	vmul.f32 v44, v60;
	s1 =	smul.f32 s1, s2  }
0x100: {  	v4 =	vadd.f32 v4, v52;
	[tilespmem:s12+$0x10] =	vst v17;
	v15 =	vmul.f32 v45, v63;
	v6 =	vmul.f32 v46, v16  }
0x101: {  	[tilespmem:s12+$0x20] =	vst v24;
	v23 =	vmul.f32 v47, v18;
	v1 =	vadd.f32 v14, v61;
	v21 =	vmul.f32 s3, v55;
	s1 =	ssub.f32 $1.500000000e+00, s1  }
0x102: {  	[tilespmem:s12+$0x30] =	vst v4;
	v45 =	vsub.f32 v38, v40;
	v2 =	vadd.f32 v15, v62;
	v27 =	vmul.f32 s3, v56  }
0x103: {  	v26 =	vadd.f32 v6, v51;
	[tilespmem:s12+$0x40] =	vst v1;
	v30 =	vmul.f32 s3, v58;
	v25 =	vmul.f32 v21, v22;
	s1 =	smul.f32 s1, s2  }
0x104: {  	v5 =	vadd.f32 v23, v52;
	[tilespmem:s12+$0x50] =	vst v2;
	v34 =	vmul.f32 s3, v59;
	v29 =	vmul.f32 v27, v28  }
0x105: {  	[tilespmem:s12+$0x60] =	vst v26;
	v41 =	vmul.f32 v30, v33;
	v0 =	vadd.f32 v25, v61;
	v42 =	vmul.f32 s1, v55  }
0x106: {  	[tilespmem:s12+$0x70] =	vst v5;
	v1 =	vmul.f32 v34, v35;
	v4 =	vadd.f32 v29, v62;
	v44 =	vmul.f32 s1, v56  }
0x107: {  	v2 =	vadd.f32 v41, v51;
	[tilespmem:s12+$0x80] =	vst v0;
	v48 =	vmul.f32 s1, v58;
	v46 =	vmul.f32 v42, v43  }
0x108: {  	v1 =	vadd.f32 v1, v52;
	[tilespmem:s12+$0x90] =	vst v4;
	v53 =	vmul.f32 s1, v59;
	v47 =	vmul.f32 v44, v45  }
0x109: {  	p1 =	slt.u32 s17, $0xF8;
	[tilespmem:s12+$0xA0] =	vst v2;
	v3 =	vmul.f32 v48, v49;
	v54 =	vadd.f32 v46, v61  }
.Ltmp0:
0x10a: {  	[tilespmem:s12+$0xB0] =	vst v1;
	v57 =	vmul.f32 v53, v50;
	v0 =	vadd.f32 v47, v62;
	(pc) =	sbr.rel @p1 .LBB2_3-.Ltmp0, $4  }
0x10b: {  	v60 =	vadd.f32 v3, v51;
	[tilespmem:s12+$0xC0] =	vst v54  }
0x10c: {  	v63 =	vadd.f32 v57, v52;
	[tilespmem:s12+$0xD0] =	vst v0  }
0x10d: {  	s31 =	sadd.s32 $0x8, s17;
	[tilespmem:s12+$0xE0] =	vst v60  }
0x10e: {  	s17 =	smov.u32 s31;
	[tilespmem:s12+$0xF0] =	vst v63;
	s12 =	sadd.s32 $0x200, s12  }
0x10f: {  	s0 =	sshll.u32 s11, $0x3  }
0x110: {  	s1 =	simm.s32 $0x3480;
	s0 =	sadd.s32 s23, s0  }
0x111: {  	[hbm4b:s0+s24] =	stream.linear.scatter [tilespmem:s1], [sflag:$0x3], $0x4000, $0x38;
	[tilespmem:$0xB480] =	vst v63  }
0x112: {  	p1 =	seq.s32 s29, $0x31;
	s0 =	rddreg [dreg:$0x17]  }
0x113: {  	s0 =	sadd.s32 @!p1 s9, s0  }
0x114: {  	s0 =	sshrl.u32 @!p1 s0, $0x3  }
0x115: {  	s2 =	simm.s32 @!p1 $0x0;
	s3 =	simm.s32 @!p1 $0x3280;
	s1 =	sadd.s32 @!p1 s25, s0  }
0x116: {  	[tilespmem:s3], [sflag:$0x5] =	stream.linear.gather @!p1 [hbm4b:s1+s2], $0x80, $0x38;
	[tilespmem:$0xB480] =	vst v63  }
0x117: {  	[dreg:$0x1c] =	wrdreg s29;
	s1 =	simm.s32 @!p1 $0x5  }
0x118: {  	_ =	swait.ge @!p1 [sflag:s1], $0x80  }
0x119: {  	[sflag:s1] =	ssyncset.done @!p1 $0x0  }
0x11a: {  	s4 =	simm.s32 @!p1 $0x3300;
	s0 =	sadd.s32 @!p1 s0, s28;
	[sflag:s1] =	ssyncadd.s32 @!p1 $0xFFFFFF80  }
0x11b: {  	[tilespmem:s4], [sflag:$0x5] =	stream.linear.gather @!p1 [hbm4b:s0+s2], $0x80, $0x38;
	[tilespmem:$0xB480] =	vst v63  }
0x11c: {  	_ =	swait.ge @!p1 [sflag:s1], $0x80  }
0x11d: {  	[sflag:s1] =	ssyncset.done @!p1 $0x0  }
0x11e: {  	s0 =	simm.s32 @!p1 $0x80;
	[sflag:s1] =	ssyncadd.s32 @!p1 $0xFFFFFF80;
	s1 =	simm.s32 @!p1 $0x3480  }
0x11f: {  	[tilespmem:s1], [sflag:$0x1] =	stream.indirect.gather @!p1 [hbm4b:s26+s0], $0x40, s3, s0, $0xb8;
	[tilespmem:$0xB480] =	vst v63  }
0x120: {  	s10 =	simm.s32 $0x2;
	s1 =	simm.s32 @!p1 $0x5480  }
0x121: {  	[tilespmem:s1], [sflag:$0x1] =	stream.indirect.gather @!p1 [hbm4b:s26+s0], $0x40, s4, s0, $0xb8;
	[tilespmem:$0xB480] =	vst v63  }
0x122: {  	_ =	swait.ge [sflag:s10], $0x2000  }
0x123: {  	[sflag:s10] =	ssyncset.done $0x0  }
0x124: {  	[sflag:s10] =	ssyncadd.s32 $0xFFFFE000  }
0x125: {  	_ =	swait.ge [sflag:s10], $0x2000  }
0x126: {  	[sflag:s10] =	ssyncset.done $0x0  }
0x127: {  	s1 =	simm.s32 @!p0 $0x4;
	[sflag:s10] =	ssyncadd.s32 $0xFFFFE000  }
0x128: {  	_ =	swait.ge @!p0 [sflag:s1], $0x4000  }
0x129: {  	[sflag:s1] =	ssyncset.done @!p0 $0x0  }
0x12a: {  	s17 =	simm.s32 $0x7580;
	[sflag:s1] =	ssyncadd.s32 @!p0 $0xFFFFC000  }
0x12b: {  	v0 =	vld [tilespmem:s17+$0xC0]  }
0x12c: {  	v2 =	vld [tilespmem:s17+$0xD0]  }
0x12d: {  	v3 =	vld [tilespmem:s17+$0xE0]  }
0x12e: {  	v4 =	vld [tilespmem:s17+$0xF0]  }
0x12f: {  	v9 =	vld [tilespmem:s17+$0xFFFFFF00]  }
0x130: {  	v10 =	vld [tilespmem:s17+$0xFFFFFF10]  }
0x131: {  	v11 =	vld [tilespmem:s17+$0xFFFFFF20]  }
0x132: {  	v16 =	vld [tilespmem:s17+$0xFFFFFF30]  }
0x133: {  	s11 =	rddreg [dreg:$0x5];
	v19 =	vld [tilespmem:s17+$0xFFFFFF40]  }
0x134: {  	s0 =	sadd.s32 $0xFFFFFFF8, s11;
	v20 =	vld [tilespmem:s17+$0xFFFFFF50]  }
0x135: {  	s12 =	sadd.s32 $0x10F, s0;
	v21 =	vld [tilespmem:s17+$0xFFFFFF60]  }
0x136: {  	v22 =	vld [tilespmem:s17+$0xFFFFFF70];
	s13 =	sand.u32 $0xFFF8, s12  }
0x137: {  	v1 =	vld [tilespmem:s17+$0xFFFFFF80];
	s3 =	sshrl.u32 s13, $0x3  }
0x138: {  	v23 =	vld [tilespmem:s17+$0xFFFFFF90];
	s3 =	smul.u32 $0x147B, s3  }
0x139: {  	v24 =	vld [tilespmem:s17+$0xFFFFFFA0]  }
0x13a: {  	s18 =	sadd.s32 $0x109, s0;
	v37 =	vld [tilespmem:s17+$0xFFFFFFF0];
	s3 =	sshrl.u32 s3, $0x11  }
0x13b: {  	s15 =	sadd.s32 $0x108, s0;
	v38 =	vld [tilespmem:s17+$0x0];
	s19 =	sand.u32 $0xFFF8, s18;
	s14 =	smul.u32 $0xC8, s3  }
0x13c: {  	v53 =	vld [tilespmem:s17+$0x20];
	s16 =	sand.u32 $0xFFF8, s15;
	s4 =	sshrl.u32 s19, $0x3  }
0x13d: {  	v47 =	vld [tilespmem:s17+$0x60];
	s2 =	sshrl.u32 s16, $0x3;
	s4 =	smul.u32 $0x147B, s4;
	s1 =	ssub.s32 s12, s14  }
0x13e: {  	v48 =	vld [tilespmem:s17+$0x70];
	s2 =	smul.u32 $0x147B, s2;
	s1 =	sand.u32 $0xFFFF, s1  }
0x13f: {  	v60 =	vld [tilespmem:s17+$0x80];
	s4 =	sshrl.u32 s4, $0x11;
	s1 =	sshll.u32 s1, $0x6  }
0x140: {  	s2 =	sshrl.u32 s2, $0x11;
	s4 =	smul.u32 $0xC8, s4;
	v5 =	vld [tilespmem:s1+$0x0]  }
0x141: {  	s2 =	smul.u32 $0xC8, s2;
	v6 =	vld [tilespmem:s1+$0x10]  }
0x142: {  	s5 =	sadd.s32 $0x10A, s0;
	s3 =	ssub.s32 s18, s4;
	v7 =	vld [tilespmem:s1+$0x20]  }
0x143: {  	s20 =	sand.u32 $0xFFF8, s5;
	s3 =	sand.u32 $0xFFFF, s3;
	v8 =	vld [tilespmem:s1+$0x30];
	s1 =	ssub.s32 s15, s2  }
0x144: {  	v61 =	vld [tilespmem:s17+$0xA0];
	s3 =	sshll.u32 s3, $0x6;
	s2 =	sshrl.u32 s20, $0x3;
	s1 =	sand.u32 $0xFFFF, s1  }
0x145: {  	v27 =	vld [tilespmem:s3+$0x0];
	s2 =	smul.u32 $0x147B, s2;
	s1 =	sshll.u32 s1, $0x6  }
0x146: {  	s6 =	sadd.s32 $0x10B, s0;
	v17 =	vld [tilespmem:s1+$0x0]  }
0x147: {  	s21 =	sand.u32 $0xFFF8, s6;
	v18 =	vld [tilespmem:s1+$0x10];
	s2 =	sshrl.u32 s2, $0x11  }
0x148: {  	s4 =	sshrl.u32 s21, $0x3;
	v25 =	vld [tilespmem:s1+$0x20];
	s2 =	smul.u32 $0xC8, s2;
	v13 =	vadd.f32 v5, v0;
	v12 =	vadd.f32 v6, v2  }
0x149: {  	s22 =	smul.u32 $0x147B, s4;
	v26 =	vld [tilespmem:s1+$0x30];
	v14 =	vadd.f32 v7, v3;
	v15 =	vadd.f32 v8, v4  }
0x14a: {  	v2 =	vld [tilespmem:s3+$0x10];
	s2 =	ssub.s32 s5, s2;
	v0 =	vmul.f32 v13, v13;
	v4 =	vmul.f32 v12, v12  }
0x14b: {  	s23 =	sadd.s32 $0x10C, s0;
	s1 =	sshrl.u32 s22, $0x11;
	v3 =	vld [tilespmem:s3+$0x20];
	s2 =	sand.u32 $0xFFFF, s2;
	v6 =	vmul.f32 v14, v14;
	v7 =	vmul.f32 v15, v15  }
0x14c: {  	s24 =	sand.u32 $0xFFF8, s23;
	s1 =	smul.u32 $0xC8, s1;
	v5 =	vld [tilespmem:s3+$0x30];
	v28 =	vadd.f32 v12, v13;
	v29 =	vadd.f32 v15, v14;
	s2 =	sshll.u32 s2, $0x6  }
0x14d: {  	s5 =	sshrl.u32 s24, $0x3;
	v8 =	vld [tilespmem:s2+$0x0];
	v0 =	vadd.f32 v4, v0;
	v4 =	vadd.f32 v7, v6  }
0x14e: {  	s1 =	ssub.s32 s6, s1;
	s25 =	smul.u32 $0x147B, s5;
	v17 =	vadd.f32 v17, v9;
	v32 =	vld [tilespmem:s2+$0x10];
	v7 =	vadd.f32 v29, v28  }
0x14f: {  	s1 =	sand.u32 $0xFFFF, s1;
	v39 =	vadd.f32 v18, v10;
	v6 =	vld [tilespmem:s2+$0x20];
	v0 =	vadd.f32 v4, v0  }
0x150: {  	s1 =	sshll.u32 s1, $0x6;
	v18 =	vadd.f32 v25, v11;
	s3 =	sshrl.u32 s25, $0x11;
	v34 =	vld [tilespmem:s2+$0x30];
	v28 =	vadd.f32 v27, v19;
	(xrf2) =	vadd.scan.msk.f32 $0xffff, v7  }
0x151: {  	v35 =	vld [tilespmem:s1+$0x20];
	s3 =	smul.u32 $0xC8, s3;
	v27 =	vadd.f32 v2, v20;
	v29 =	vadd.f32 v3, v21;
	(xrf2) =	vadd.scan.msk.f32 $0xffff, v0  }
0x152: {  	s26 =	sadd.s32 $0x10D, s0;
	v9 =	vld [tilespmem:s1+$0x30];
	v30 =	vadd.f32 v5, v22;
	v5 =	vmul.f32 v17, v17;
	v0 =	vadd.f32 v26, v16  }
0x153: {  	s0 =	sadd.s32 $0x10E, s0;
	s28 =	sand.u32 $0xFFF8, s26;
	v11 =	vadd.f32 v39, v17;
	v20 =	vmul.f32 v39, v39;
	v4 =	vld [tilespmem:s1+$0x0];
	s3 =	ssub.s32 s23, s3;
	v21 =	vadd.f32 v27, v28  }
0x154: {  	s30 =	sand.u32 $0xFFF8, s0;
	s6 =	sshrl.u32 s28, $0x3;
	v7 =	vld [tilespmem:s1+$0x10];
	v22 =	vadd.f32 v30, v29;
	s3 =	sand.u32 $0xFFFF, s3;
	v26 =	vmul.f32 v18, v18;
	v16 =	vadd.f32 v0, v18  }
0x155: {  	s4 =	sshrl.u32 s30, $0x3;
	s29 =	smul.u32 $0x147B, s6;
	s3 =	sshll.u32 s3, $0x6;
	v33 =	vadd.f32 v32, v23;
	v32 =	vadd.f32 v6, v24;
	v24 =	vld [tilespmem:s17+$0xFFFFFFE0];
	v31 =	vmul.f32 v0, v0  }
0x156: {  	s6 =	smul.u32 $0x147B, s4;
	v5 =	vadd.f32 v20, v5;
	v10 =	vld [tilespmem:s3+$0x0];
	v11 =	vadd.f32 v16, v11  }
0x157: {  	s2 =	sshrl.u32 s29, $0x11;
	v20 =	vadd.f32 v31, v26;
	v31 =	vadd.f32 v8, v1;
	v1 =	vld [tilespmem:s17+$0xFFFFFFC0]  }
0x158: {  	s2 =	smul.u32 $0xC8, s2;
	s1 =	sshrl.u32 s6, $0x11;
	v51 =	vadd.f32 v22, v21;
	v2 =	vld [tilespmem:s3+$0x10]  }
0x159: {  	s1 =	smul.u32 $0xC8, s1;
	v3 =	vld [tilespmem:s3+$0x20];
	v23 =	vmul.f32 v33, v33;
	(xrf2) =	vadd.scan.msk.f32 $0xffff, v11;
	v6 =	vmul.f32 v31, v31  }
0x15a: {  	s2 =	ssub.s32 s26, s2;
	v5 =	vadd.f32 v20, v5;
	v20 =	vld [tilespmem:s17+$0xFFFFFFB0];
	(xrf2) =	vadd.scan.msk.f32 $0xffff, v51;
	v21, _, _ =	vpop (xrf2)  }
0x15b: {  	s2 =	sand.u32 $0xFFFF, s2;
	s0 =	ssub.s32 s0, s1;
	v22 =	vmul.f32 v30, v30;
	v63 =	vld [tilespmem:s3+$0x30];
	v6 =	vadd.f32 v23, v6;
	(v2sf) =	vpush v21, $0xF;
	v21, _, _ =	vpop (xrf2)  }
0x15c: {  	s2 =	sshll.u32 s2, $0x6;
	s0 =	sand.u32 $0xFFFF, s0;
	v8 =	vmul.f32 v29, v29;
	v23 =	vadd.f32 v4, v1;
	v4 =	vld [tilespmem:s17+$0x30];
	(v2sf) =	vpush v21, $0xF  }
0x15d: {  	v52 =	vmul.f32 v28, v28;
	v25 =	vld [tilespmem:s2+$0x0];
	s0 =	sshll.u32 s0, $0x6;
	(xrf2) =	vadd.scan.msk.f32 $0xffff, v5  }
0x15e: {  	v42 =	vld [tilespmem:s0+$0x0];
	v36 =	vadd.f32 v33, v31;
	v8 =	vadd.f32 v22, v8;
	v21 =	vmul.f32 v27, v27  }
0x15f: {  	v22 =	vadd.f32 v35, v24;
	v44 =	vadd.f32 v34, v20;
	v20 =	vld [tilespmem:s17+$0x10]  }
0x160: {  	v26 =	vld [tilespmem:s17+$0xFFFFFFD0];
	v24 =	vadd.f32 v10, v38;
	v16 =	vadd.f32 v21, v52  }
0x161: {  	v11 =	vld [tilespmem:s2+$0x30];
	v1 =	vadd.f32 v44, v32;
	v38 =	vadd.f32 v63, v4  }
0x162: {  	v40 =	vld [tilespmem:s2+$0x10];
	v8 =	vadd.f32 v8, v16;
	v16 =	vadd.f32 v9, v37  }
0x163: {  	v43 =	vld [tilespmem:s0+$0x10];
	v1 =	vadd.f32 v1, v36;
	v37 =	vadd.f32 v3, v53;
	v21, _, _ =	vpop (xrf2)  }
0x164: {  	v9 =	vld [tilespmem:s17+$0x50];
	v36 =	vadd.f32 v2, v20;
	(v2sf) =	vpush v21, $0xF;
	v21, _, _ =	vpop (xrf2)  }
0x165: {  	(v2sf) =	vpush v21, $0xF;
	v21 =	vadd.f32 v7, v26;
	v7 =	vld [tilespmem:s17+$0x40]  }
0x166: {  	v57 =	vmul.f32 v44, v44;
	v3 =	vld [tilespmem:s17+$0x90];
	v20 =	vadd.f32 v11, v48;
	v11 =	vadd.f32 v42, v60  }
0x167: {  	v45 =	vld [tilespmem:s0+$0x20];
	v10 =	vadd.f32 v16, v22;
	v54, _, _ =	vpop (xrf2);
	v26 =	vmul.f32 v32, v32;
	v4 =	vadd.f32 v36, v24  }
0x168: {  	v41 =	vld [tilespmem:s2+$0x20];
	(xrf2) =	vadd.scan.msk.f32 $0xffff, v8;
	(v2sf) =	vpush v54, $0xF;
	v46 =	vadd.f32 v21, v23  }
0x169: {  	v5 =	vld [tilespmem:s0+$0x30];
	v62 =	vmul.f32 v23, v23;
	(xrf2) =	vadd.scan.msk.f32 $0xffff, v1;
	v2 =	vadd.f32 v57, v26;
	v34 =	vadd.f32 v40, v9  }
0x16a: {  	v52 =	vmul.f32 v22, v22;
	v9 =	vadd.f32 v38, v37;
	v26 =	vadd.f32 v25, v7;
	v7 =	vld [tilespmem:s17+$0xB0];
	s7 =	spop (v2sf)  }
0x16b: {  	v60 =	vmul.f32 v24, v24;
	v57 =	vadd.f32 v43, v3;
	v10 =	vadd.f32 v10, v46;
	s13 =	smul.f32 $1.562500000e-02, s7;
	s8 =	spop (v2sf)  }
0x16c: {  	v8 =	vadd.f32 v45, v61;
	v51 =	vmul.f32 v20, v20;
	v54 =	vmul.f32 v16, v16;
	s0 =	smul.f32 $1.562500000e-02, s8  }
0x16d: {  	v63 =	vmul.f32 v21, v21;
	v3 =	vadd.f32 v9, v4;
	v61 =	vadd.f32 v57, v11;
	(xrf2) =	vadd.scan.msk.f32 $0xffff, v10;
	s9 =	smul.f32 s13, s13  }
0x16e: {  	v4 =	vmul.f32 v36, v36;
	v2 =	vadd.f32 v2, v6;
	v25 =	vadd.f32 v41, v47  }
0x16f: {  	v49 =	vmul.f32 v34, v34;
	v41 =	vadd.f32 v54, v52;
	v9 =	vadd.f32 v5, v7;
	s0 =	ssub.f32 s0, s9  }
0x170: {  	v53 =	vadd.f32 v34, v26;
	v1 =	vadd.f32 v20, v25;
	(xrf2) =	vadd.scan.msk.f32 $0xffff, v3;
	v3 =	vmul.f32 v38, v38  }
0x171: {  	v5 =	vmul.f32 v37, v37;
	v7 =	vadd.f32 v63, v62;
	v62 =	vadd.f32 v9, v8;
	s0 =	sadd.f32 $9.999999740e-06, s0  }
0x172: {  	v52 =	vmul.f32 v57, v57;
	v50 =	vmul.f32 v25, v25;
	v1 =	vadd.f32 v1, v53;
	v6, _, _ =	vpop (xrf2)  }
0x173: {  	v3 =	vadd.f32 v3, v5;
	v5 =	vmul.f32 v8, v8;
	s12 =	spop (v2sf);
	v19 =	vadd.f32 v62, v61;
	v61, _, _ =	vpop (xrf2);
	s10 =	sshra.s32 s0, $0x1;
	s0 =	smul.f32 $5.000000000e-01, s0  }
0x174: {  	v4 =	vadd.f32 v4, v60;
	v63 =	vmul.f32 v26, v26;
	(xrf2) =	vadd.scan.msk.f32 $0xffff, v1;
	s6 =	smul.f32 $1.562500000e-02, s12;
	(v2sf) =	vpush v61, $0xF;
	s1 =	ssub.s32 $0x5F3759DF, s10  }
0x175: {  	v60 =	vadd.f32 v51, v50;
	v1 =	vmul.f32 v11, v11;
	v53 =	vmul.f32 v9, v9;
	s11 =	smul.f32 s1, s0  }
0x176: {  	v54 =	vadd.f32 v49, v63;
	v7 =	vadd.f32 v41, v7;
	s14 =	spop (v2sf);
	(xrf2) =	vadd.scan.msk.f32 $0xffff, v19;
	s15 =	smul.f32 s6, s6  }
0x177: {  	v1 =	vadd.f32 v52, v1;
	s16 =	spop (v2sf);
	(xrf2) =	vadd.scan.msk.f32 $0xffff, v2;
	v2 =	vadd.f32 v53, v5;
	v5, _, _ =	vpop (xrf2);
	s2 =	smul.f32 s1, s11  }
0x178: {  	v3 =	vadd.f32 v3, v4;
	s5 =	smul.f32 $1.562500000e-02, s16;
	(v2sf) =	vpush v5, $0xF  }
0x179: {  	v4 =	vadd.f32 v60, v54;
	(xrf2) =	vadd.scan.msk.f32 $0xffff, v7;
	s2 =	ssub.f32 $1.500000000e+00, s2  }
0x17a: {  	s18 =	ssub.f32 s5, s15;
	v1 =	vadd.f32 v2, v1;
	(xrf2) =	vadd.scan.msk.f32 $0xffff, v3  }
0x17b: {  	v5, _, _ =	vpop (xrf2);
	(v2sf) =	vpush v6, $0xF;
	(xrf2) =	vadd.scan.msk.f32 $0xffff, v4;
	s1 =	smul.f32 s1, s2  }
0x17c: {  	s25 =	smul.f32 $1.562500000e-02, s14;
	(v2sf) =	vpush v5, $0xF;
	(xrf2) =	vadd.scan.msk.f32 $0xffff, v1;
	s2 =	sadd.f32 $9.999999740e-06, s18  }
0x17d: {  	s19 =	smul.f32 s1, s0  }
0x17e: {  	v2, _, _ =	vpop (xrf2);
	s20 =	sshra.s32 s2, $0x1;
	s12 =	smul.f32 $5.000000000e-01, s2  }
0x17f: {  	(v2sf) =	vpush v2, $0xF;
	s22 =	ssub.s32 $0x5F3759DF, s20;
	s4 =	smul.f32 s19, s1  }
0x180: {  	s5 =	smul.f32 s22, s12  }
0x181: {  	s3 =	smul.f32 s25, s25;
	v1, _, _ =	vpop (xrf2);
	s21 =	ssub.f32 $1.500000000e+00, s4  }
0x182: {  	(v2sf) =	vpush v1, $0xF;
	v1, _, _ =	vpop (xrf2);
	s23 =	smul.f32 s22, s5  }
0x183: {  	(v2sf) =	vpush v1, $0xF;
	v1, _, _ =	vpop (xrf2);
	s24 =	spop (v2sf);
	s1 =	smul.f32 s21, s1  }
0x184: {  	(v2sf) =	vpush v1, $0xF;
	v1, _, _ =	vpop (xrf2);
	s2 =	ssub.f32 $1.500000000e+00, s23;
	s30 =	smul.f32 $1.562500000e-02, s24  }
0x185: {  	(v2sf) =	vpush v1, $0xF;
	v1, _, _ =	vpop (xrf2);
	s0 =	smul.f32 s1, s0  }
0x186: {  	(v2sf) =	vpush v1, $0xF;
	v1, _, _ =	vpop (xrf2);
	s2 =	smul.f32 s22, s2  }
0x187: {  	s26 =	spop (v2sf);
	(v2sf) =	vpush v1, $0xF;
	s29 =	smul.f32 s30, s30  }
0x188: {  	s24 =	smul.f32 $1.562500000e-02, s26  }
0x189: {  	s0 =	smul.f32 s0, s1  }
0x18a: {  	s7 =	spop (v2sf);
	s4 =	smul.f32 s2, s12  }
0x18b: {  	s28 =	spop (v2sf);
	s7 =	smul.f32 $1.562500000e-02, s7  }
0x18c: {  	s22 =	rddreg [dreg:$0x5];
	s23 =	smul.f32 $1.562500000e-02, s28  }
0x18d: {  	s0 =	ssub.f32 $1.500000000e+00, s0;
	s4 =	smul.f32 s4, s2  }
0x18e: {  	s3 =	ssub.f32 s7, s3;
	s15 =	spop (v2sf)  }
0x18f: {  	s19 =	smul.f32 $1.562500000e-02, s15;
	s4 =	ssub.f32 $1.500000000e+00, s4  }
0x190: {  	s0 =	smul.f32 s0, s1;
	s3 =	sadd.f32 $9.999999740e-06, s3  }
0x191: {  	s9 =	smul.f32 s4, s2;
	s16 =	spop (v2sf)  }
0x192: {  	s18 =	sshra.s32 s3, $0x1;
	s4 =	smul.f32 $5.000000000e-01, s3;
	s20 =	spop (v2sf)  }
0x193: {  	s7 =	ssub.s32 $0x5F3759DF, s18;
	s11 =	smul.f32 $1.562500000e-02, s16;
	s8 =	spop (v2sf)  }
0x194: {  	s10 =	sadd.s32 $0x0, s22;
	s3 =	smul.f32 s7, s4;
	s14 =	spop (v2sf)  }
0x195: {  	s15 =	sadd.s32 $0x10F, s10;
	s21 =	smul.f32 $1.562500000e-02, s20;
	s26 =	spop (v2sf)  }
0x196: {  	s18 =	sand.u32 $0xFFF8, s15;
	s3 =	smul.f32 s7, s3;
	s16 =	spop (v2sf)  }
0x197: {  	s28 =	sshrl.u32 s18, $0x3;
	s5 =	ssub.f32 s21, s29;
	s1 =	smul.f32 $1.562500000e-02, s16  }
0x198: {  	s20 =	sadd.s32 $0x108, s10;
	s29 =	ssub.f32 $1.500000000e+00, s3;
	s16 =	smul.u32 $0x147B, s28  }
0x199: {  	s18 =	sand.u32 $0xFFF8, s20;
	s2 =	smul.f32 $1.562500000e-02, s26;
	s26 =	sadd.s32 $0x109, s10  }
0x19a: {  	s3 =	sadd.s32 $0x10A, s10;
	s21 =	smul.f32 s7, s29;
	s16 =	sshrl.u32 s16, $0x11  }
0x19b: {  	s22 =	sand.u32 $0xFFF8, s26;
	s7 =	sshrl.u32 s18, $0x3;
	s16 =	smul.u32 $0xC8, s16  }
0x19c: {  	s18 =	sshrl.u32 s22, $0x3;
	s22 =	sand.u32 $0xFFF8, s3;
	s7 =	smul.u32 $0x147B, s7  }
0x19d: {  	s8 =	smul.f32 $1.562500000e-02, s8;
	s22 =	sshrl.u32 s22, $0x3;
	s15 =	ssub.s32 s15, s16  }
0x19e: {  	s28 =	sshrl.u32 s7, $0x11;
	s16 =	smul.u32 $0x147B, s22;
	s15 =	sand.u32 $0xFFFF, s15  }
0x19f: {  	[tilespmem:$0x1FDB0] =	vst v11;
	s22 =	smul.u32 $0xC8, s28;
	s15 =	sshll.u32 s15, $0x6  }
0x1a0: {  	s14 =	smul.f32 $1.562500000e-02, s14;
	v1 =	vld [tilespmem:s15+$0x0]  }
0x1a1: {  	s5 =	sadd.f32 $9.999999740e-06, s5;
	s29 =	smul.f32 s24, s24;
	s20 =	ssub.s32 s20, s22;
	v3 =	vld [tilespmem:s15+$0x10]  }
0x1a2: {  	s18 =	smul.u32 $0x147B, s18;
	v6 =	vld [tilespmem:s15+$0x20];
	s20 =	sand.u32 $0xFFFF, s20  }
0x1a3: {  	s7 =	smul.f32 $5.000000000e-01, s5;
	s5 =	sshra.s32 s5, $0x1;
	v7 =	vld [tilespmem:s15+$0x30];
	s20 =	sshll.u32 s20, $0x6  }
0x1a4: {  	s8 =	ssub.f32 s8, s29;
	s29 =	smul.f32 s23, s23;
	s5 =	ssub.s32 $0x5F3759DF, s5;
	v5 =	vld [tilespmem:s20+$0x0]  }
0x1a5: {  	s18 =	sshrl.u32 s18, $0x11;
	s22 =	smul.f32 s5, s7;
	v35 =	vld [tilespmem:s20+$0x10]  }
0x1a6: {  	s18 =	smul.u32 $0xC8, s18;
	v2 =	vld [tilespmem:s20+$0x20]  }
0x1a7: {  	s15 =	smul.f32 s5, s22;
	s22 =	simm.s32 $0x7780;
	v4 =	vld [tilespmem:s20+$0x30]  }
0x1a8: {  	v62 =	vld [tilespmem:s22+$0xC0]  }
0x1a9: {  	s14 =	ssub.f32 s14, s29;
	s29 =	smul.f32 s19, s19;
	s20 =	ssub.s32 s26, s18;
	v63 =	vld [tilespmem:s22+$0xD0]  }
0x1aa: {  	s8 =	sadd.f32 $9.999999740e-06, s8;
	v19 =	vld [tilespmem:s22+$0xE0];
	s20 =	sand.u32 $0xFFFF, s20  }
0x1ab: {  	s2 =	ssub.f32 s2, s29;
	v54 =	vld [tilespmem:s22+$0xF0];
	s29 =	sshll.u32 s20, $0x6  }
0x1ac: {  	v50 =	vmov s6;
	s28 =	sadd.f32 $9.999999740e-06, s14;
	s14 =	smul.f32 $5.000000000e-01, s8;
	s16 =	sshrl.u32 s16, $0x11;
	v47 =	vld [tilespmem:s29+$0x0]  }
0x1ad: {  	v10 =	vsub.f32 v17, v50;
	s8 =	sshra.s32 s8, $0x1;
	s16 =	smul.u32 $0xC8, s16;
	v48 =	vld [tilespmem:s29+$0x10]  }
0x1ae: {  	s8 =	ssub.s32 $0x5F3759DF, s8;
	v49 =	vld [tilespmem:s29+$0x20]  }
0x1af: {  	s31 =	smul.f32 s8, s14;
	s3 =	ssub.s32 s3, s16;
	v51 =	vld [tilespmem:s29+$0x30];
	[tilespmem:$0x1FE60] =	vst v10;
	v10 =	vsub.f32 v39, v50  }
0x1b0: {  	s18 =	smul.f32 $5.000000000e-01, s28;
	s26 =	sshra.s32 s28, $0x1;
	s3 =	sand.u32 $0xFFFF, s3  }
0x1b1: {  	s28 =	smul.f32 s11, s11;
	s26 =	ssub.s32 $0x5F3759DF, s26;
	s3 =	sshll.u32 s3, $0x6;
	[tilespmem:$0x1FE70] =	vst v10;
	v40 =	vadd.f32 v1, v62  }
0x1b2: {  	s20 =	smul.f32 s26, s18;
	v41 =	vadd.f32 v3, v63;
	v42 =	vadd.f32 v6, v19;
	v46 =	vld [tilespmem:s3+$0x0]  }
0x1b3: {  	s31 =	smul.f32 s8, s31;
	s15 =	ssub.f32 $1.500000000e+00, s15;
	v43 =	vadd.f32 v7, v54;
	v6 =	vsub.f32 v18, v50;
	v1 =	vld [tilespmem:s3+$0x10]  }
0x1b4: {  	v0 =	vsub.f32 v0, v50;
	s1 =	ssub.f32 s1, s28;
	s16 =	smul.f32 s26, s20;
	v45 =	vld [tilespmem:s3+$0x20]  }
0x1b5: {  	s28 =	ssub.f32 $1.500000000e+00, s31;
	v3 =	vmov s25;
	v17 =	vld [tilespmem:s3+$0x30];
	[tilespmem:$0x1FEA0] =	vst v6;
	v6 =	vadd.f32 v41, v40;
	v60 =	vadd.f32 v43, v42  }
0x1b6: {  	s20 =	smul.f32 s5, s15;
	s15 =	sadd.s32 $0x10B, s10;
	s29 =	ssub.f32 $1.500000000e+00, s16;
	v10 =	vsub.f32 v28, v3  }
0x1b7: {  	s2 =	sadd.f32 $9.999999740e-06, s2;
	s31 =	smul.f32 s8, s28;
	s16 =	sand.u32 $0xFFF8, s15;
	v7 =	vld [tilespmem:s22+$0xFFFFFF00];
	[tilespmem:$0x1FEB0] =	vst v0;
	v6 =	vadd.f32 v60, v6  }
0x1b8: {  	s5 =	sadd.s32 $0x10C, s10;
	s8 =	sshrl.u32 s16, $0x3;
	v61 =	vmul.f32 v40, v40;
	v52 =	vmul.f32 v41, v41;
	s6 =	smul.f32 s26, s29;
	v0 =	vld [tilespmem:s22+$0xFFFFFF10];
	[tilespmem:$0x1FEC0] =	vst v10;
	v10 =	vsub.f32 v27, v3  }
0x1b9: {  	v62 =	vmul.f32 v42, v42;
	v53 =	vmul.f32 v43, v43;
	s26 =	sand.u32 $0xFFF8, s5;
	s8 =	smul.u32 $0x147B, s8;
	v28 =	vld [tilespmem:s22+$0xFFFFFF20];
	(xrf2) =	vadd.scan.msk.f32 $0xffff, v6;
	v6 =	vsub.f32 v29, v3  }
0x1ba: {  	s25 =	smul.f32 $5.000000000e-01, s2;
	s16 =	sshrl.u32 s26, $0x3;
	v54 =	vld [tilespmem:s22+$0xFFFFFF30];
	[tilespmem:$0x1FED0] =	vst v10;
	v3 =	vsub.f32 v30, v3  }
0x1bb: {  	s2 =	sshra.s32 s2, $0x1;
	v39 =	vadd.f32 v52, v61;
	v50 =	vadd.f32 v53, v62;
	v52 =	vmov s30;
	s28 =	smul.u32 $0x147B, s16;
	s8 =	sshrl.u32 s8, $0x11;
	v27 =	vld [tilespmem:s22+$0xFFFFFF40];
	[tilespmem:$0x1FEE0] =	vst v6  }
0x1bc: {  	s2 =	ssub.s32 $0x5F3759DF, s2;
	s8 =	smul.u32 $0xC8, s8;
	v29 =	vld [tilespmem:s22+$0xFFFFFF50];
	[tilespmem:$0x1FEF0] =	vst v3;
	v3 =	vsub.f32 v31, v52  }
0x1bd: {  	s29 =	smul.f32 s2, s25;
	s3 =	sshrl.u32 s28, $0x11;
	v6 =	vadd.f32 v50, v39;
	v30 =	vld [tilespmem:s22+$0xFFFFFF60]  }
0x1be: {  	s3 =	smul.u32 $0xC8, s3;
	s8 =	ssub.s32 s15, s8;
	v53 =	vld [tilespmem:s22+$0xFFFFFF70];
	[tilespmem:$0x1FF00] =	vst v3;
	v3 =	vsub.f32 v33, v52  }
0x1bf: {  	s1 =	sadd.f32 $9.999999740e-06, s1;
	s28 =	sand.u32 $0xFFFF, s8;
	(xrf2) =	vadd.scan.msk.f32 $0xffff, v6;
	v6 =	vsub.f32 v32, v52  }
0x1c0: {  	s16 =	smul.f32 s2, s29;
	s3 =	ssub.s32 s5, s3;
	s5 =	sshll.u32 s28, $0x6;
	[tilespmem:$0x1FF10] =	vst v3  }
0x1c1: {  	v63 =	vmov s13;
	s26 =	smul.f32 $5.000000000e-01, s1;
	s1 =	sshra.s32 s1, $0x1;
	v3 =	vld [tilespmem:s5+$0x0];
	[tilespmem:$0x1FF20] =	vst v6;
	v6 =	vsub.f32 v44, v52  }
0x1c2: {  	v15 =	vsub.f32 v15, v63;
	s13 =	ssub.f32 $1.500000000e+00, s16;
	s15 =	ssub.s32 $0x5F3759DF, s1  }
0x1c3: {  	v19 =	vsub.f32 v12, v63;
	s16 =	sadd.s32 $0x10D, s10;
	v39 =	vsub.f32 v14, v63;
	s29 =	smul.f32 s15, s26;
	[tilespmem:$0x1FF30] =	vst v6  }
0x1c4: {  	s1 =	sadd.s32 $0x10E, s10;
	s30 =	sand.u32 $0xFFF8, s16;
	v12 =	vadd.f32 v5, v7;
	s10 =	smul.f32 s2, s13;
	v60 =	vadd.f32 v35, v0;
	v6 =	vld [tilespmem:s5+$0x10]  }
0x1c5: {  	v62 =	vadd.f32 v2, v28;
	v61 =	vadd.f32 v4, v54;
	s8 =	smul.f32 s15, s29;
	s29 =	sshrl.u32 s30, $0x3;
	v5 =	vld [tilespmem:s5+$0x20]  }
0x1c6: {  	v4 =	vmul.f32 v12, v12;
	s3 =	sand.u32 $0xFFFF, s3;
	v7 =	vadd.f32 v60, v12;
	s2 =	smul.u32 $0x147B, s29;
	v14 =	vadd.f32 v47, v27;
	v0 =	vld [tilespmem:s5+$0x30]  }
0x1c7: {  	s3 =	sshll.u32 s3, $0x6;
	v27 =	vmul.f32 v60, v60;
	v28 =	vadd.f32 v61, v62;
	v10 =	vadd.f32 v48, v29;
	v2 =	vld [tilespmem:s22+$0xFFFFFF80]  }
0x1c8: {  	s30 =	sand.u32 $0xFFF8, s1;
	v54 =	vmul.f32 v62, v62;
	s2 =	sshrl.u32 s2, $0x11;
	v11 =	vadd.f32 v49, v30;
	v44 =	vadd.f32 v51, v53;
	v29 =	vld [tilespmem:s3+$0x0]  }
0x1c9: {  	s13 =	sshrl.u32 s30, $0x3;
	v4 =	vadd.f32 v27, v4;
	v7 =	vadd.f32 v28, v7;
	v28 =	vmul.f32 v61, v61;
	s2 =	smul.u32 $0xC8, s2;
	v30 =	vld [tilespmem:s3+$0x10]  }
0x1ca: {  	s8 =	ssub.f32 $1.500000000e+00, s8;
	s13 =	smul.u32 $0x147B, s13;
	v52 =	vadd.f32 v10, v14;
	v27 =	vld [tilespmem:s3+$0x20];
	v53 =	vadd.f32 v44, v11  }
0x1cb: {  	v13 =	vsub.f32 v13, v63;
	v31, _, _ =	vpop (xrf2);
	v28 =	vadd.f32 v28, v54;
	s2 =	ssub.s32 s16, s2;
	v33 =	vld [tilespmem:s22+$0xFFFFFF90]  }
0x1cc: {  	v48 =	vmov s24;
	s13 =	sshrl.u32 s13, $0x11;
	s5 =	smul.f32 s15, s8;
	(v2sf) =	vpush v31, $0xF;
	v31 =	vld [tilespmem:s3+$0x30];
	s2 =	sand.u32 $0xFFFF, s2;
	v18 =	vadd.f32 v53, v52  }
0x1cd: {  	v47 =	vsub.f32 v23, v48;
	v51 =	vsub.f32 v22, v48;
	(xrf2) =	vadd.scan.msk.f32 $0xffff, v7;
	s8 =	smul.u32 $0xC8, s13;
	v22 =	vld [tilespmem:s22+$0xFFFFFFA0];
	s2 =	sshll.u32 s2, $0x6  }
0x1ce: {  	v54 =	vsub.f32 v21, v48;
	v4 =	vadd.f32 v28, v4;
	v32 =	vld [tilespmem:s2+$0x0];
	(xrf2) =	vadd.scan.msk.f32 $0xffff, v18;
	v18 =	vmov s23  }
0x1cf: {  	s1 =	ssub.s32 s1, s8;
	v53 =	vsub.f32 v16, v48;
	v63, _, _ =	vpop (xrf2);
	v7 =	vld [tilespmem:s2+$0x10];
	v48 =	vsub.f32 v38, v18  }
0x1d0: {  	v35 =	vld [tilespmem:s2+$0x20];
	s1 =	sand.u32 $0xFFFF, s1;
	(v2sf) =	vpush v63, $0xF;
	v21 =	vadd.f32 v1, v33;
	v1 =	vmov s19  }
0x1d1: {  	v63 =	vld [tilespmem:s2+$0x30];
	s1 =	sshll.u32 s1, $0x6;
	v50 =	vsub.f32 v36, v18;
	(xrf2) =	vadd.scan.msk.f32 $0xffff, v4;
	v4 =	vsub.f32 v34, v1;
	[tilespmem:$0x1FF40] =	vst v48  }
0x1d2: {  	v16 =	vadd.f32 v46, v2;
	v36 =	vsub.f32 v25, v1;
	v48 =	vld [tilespmem:s1+$0x0]  }
0x1d3: {  	v26 =	vsub.f32 v26, v1;
	v1 =	vsub.f32 v20, v1;
	v2 =	vld [tilespmem:s1+$0x10];
	[tilespmem:$0x1FF50] =	vst v4  }
0x1d4: {  	v4 =	vld [tilespmem:s22+$0xFFFFFFB0];
	[tilespmem:$0x1FF60] =	vst v36  }
0x1d5: {  	v23 =	vmul.f32 v10, v10;
	v52 =	vsub.f32 v24, v18;
	v20 =	vmul.f32 v44, v44;
	v25 =	vld [tilespmem:s22+$0xFFFFFFC0];
	[tilespmem:$0x1FF70] =	vst v1  }
0x1d6: {  	v49 =	vsub.f32 v37, v18;
	v37 =	vmul.f32 v14, v14;
	v1 =	vmul.f32 v11, v11;
	v28 =	vld [tilespmem:s22+$0xFFFFFFD0]  }
0x1d7: {  	v22 =	vadd.f32 v45, v22;
	v24 =	vmul.f32 v16, v16;
	v33 =	vmul.f32 v21, v21;
	v38 =	vld [tilespmem:s22+$0xFFFFFFE0]  }
0x1d8: {  	v18 =	vadd.f32 v23, v37;
	v45 =	vld [tilespmem:s1+$0x20];
	v1 =	vadd.f32 v20, v1  }
0x1d9: {  	s29 =	smul.f32 s10, s25;
	v46 =	vadd.f32 v33, v24;
	v33 =	vld [tilespmem:s22+$0xFFFFFFF0];
	v20, _, _ =	vpop (xrf2)  }
0x1da: {  	s28 =	smul.f32 s6, s18;
	(v2sf) =	vpush v20, $0xF;
	v1 =	vadd.f32 v1, v18;
	v18 =	vld [tilespmem:s22+$0x0]  }
0x1db: {  	s24 =	smul.f32 s29, s10;
	v24 =	vadd.f32 v17, v4;
	v4 =	vld [tilespmem:s22+$0x20];
	v23 =	vadd.f32 v3, v25  }
0x1dc: {  	s13 =	smul.f32 s21, s4;
	v3 =	vld [tilespmem:s22+$0x10];
	v17 =	vadd.f32 v6, v28;
	v37 =	vadd.f32 v5, v38  }
0x1dd: {  	s15 =	smul.f32 s20, s7;
	v20, _, _ =	vpop (xrf2);
	v5 =	vadd.f32 v21, v16;
	v25 =	vadd.f32 v24, v22;
	v28 =	vld [tilespmem:s22+$0x30]  }
0x1de: {  	s16 =	smul.f32 s31, s14;
	(v2sf) =	vpush v20, $0xF;
	v6, _, _ =	vpop (xrf2);
	v20 =	vadd.f32 v0, v33;
	v0 =	vld [tilespmem:s22+$0x40]  }
0x1df: {  	s30 =	smul.f32 s5, s26;
	v33 =	vld [tilespmem:s22+$0x50];
	(v2sf) =	vpush v6, $0xF;
	v6 =	vmul.f32 v22, v22;
	v5 =	vadd.f32 v25, v5  }
0x1e0: {  	s13 =	smul.f32 s13, s21;
	v25 =	vmul.f32 v24, v24;
	v18 =	vadd.f32 v29, v18;
	v36 =	vadd.f32 v27, v4;
	v4 =	vld [tilespmem:s22+$0x70]  }
0x1e1: {  	s3 =	smul.f32 s15, s20;
	v27 =	vadd.f32 v20, v37;
	v38 =	vadd.f32 v30, v3;
	v3 =	vld [tilespmem:s22+$0x60]  }
0x1e2: {  	s15 =	smul.f32 s16, s31;
	v29 =	vld [tilespmem:s22+$0x80];
	v6 =	vadd.f32 v25, v6;
	v25 =	vadd.f32 v17, v23  }
0x1e3: {  	s23 =	smul.f32 s28, s6;
	s2 =	ssub.f32 $1.500000000e+00, s13;
	v34 =	vmul.f32 v17, v17;
	v30 =	vadd.f32 v31, v28;
	v31 =	vmul.f32 v23, v23;
	v28 =	vld [tilespmem:s22+$0x90]  }
0x1e4: {  	s8 =	smul.f32 s30, s5;
	s13 =	ssub.f32 $1.500000000e+00, s15;
	v25 =	vadd.f32 v27, v25;
	v27 =	vld [tilespmem:s22+$0xA0]  }
0x1e5: {  	s29 =	ssub.f32 $1.500000000e+00, s24;
	s30 =	smul.f32 s2, s21;
	(xrf2) =	vadd.scan.msk.f32 $0xffff, v1;
	v32 =	vadd.f32 v32, v0;
	v1 =	vadd.f32 v34, v31;
	v34 =	vld [tilespmem:s1+$0x30]  }
0x1e6: {  	s28 =	ssub.f32 $1.500000000e+00, s23;
	s24 =	smul.f32 s13, s31;
	v7 =	vadd.f32 v7, v33;
	v0 =	vadd.f32 v35, v3;
	v3 =	vld [tilespmem:s22+$0xB0]  }
0x1e7: {  	s8 =	ssub.f32 $1.500000000e+00, s8;
	s21 =	smul.f32 s29, s10;
	v33 =	vadd.f32 v38, v18;
	v4 =	vadd.f32 v63, v4  }
0x1e8: {  	s23 =	smul.f32 s28, s6;
	s6 =	spop (v2sf);
	(xrf2) =	vadd.scan.msk.f32 $0xffff, v5;
	v63 =	vadd.f32 v30, v36;
	v31 =	vadd.f32 v48, v29  }
0x1e9: {  	s6 =	smul.f32 $1.562500000e-02, s6;
	(xrf2) =	vadd.scan.msk.f32 $0xffff, v25;
	v25 =	vadd.f32 v7, v32;
	v5 =	vadd.f32 v2, v28  }
0x1ea: {  	s13 =	smul.f32 s8, s5;
	v2 =	vadd.f32 v63, v33;
	v33 =	vadd.f32 v45, v27  }
0x1eb: {  	s10 =	smul.f32 s6, s6;
	s8 =	spop (v2sf);
	v28 =	vmul.f32 v38, v38;
	v27 =	vadd.f32 v4, v0;
	v29 =	vadd.f32 v34, v3  }
0x1ec: {  	s2 =	smul.f32 $1.562500000e-02, s8;
	(xrf2) =	vadd.scan.msk.f32 $0xffff, v2;
	v2 =	vmul.f32 v37, v37;
	v63 =	vadd.f32 v5, v31;
	v3 =	vmul.f32 v20, v20  }
0x1ed: {  	s3 =	ssub.f32 $1.500000000e+00, s3;
	v25 =	vadd.f32 v27, v25;
	v27 =	vmul.f32 v18, v18;
	v45 =	vadd.f32 v29, v33  }
0x1ee: {  	s2 =	ssub.f32 s2, s10;
	v2 =	vadd.f32 v3, v2  }
0x1ef: {  	s20 =	smul.f32 s3, s20;
	v35 =	vmul.f32 v32, v32;
	(xrf2) =	vadd.scan.msk.f32 $0xffff, v25;
	v3 =	vadd.f32 v28, v27;
	v27 =	vadd.f32 v45, v63  }
0x1f0: {  	s15 =	smul.f32 s30, s4;
	v6 =	vadd.f32 v6, v46;
	s2 =	sadd.f32 $9.999999740e-06, s2;
	v46 =	vmul.f32 v0, v0;
	v34 =	vmul.f32 v30, v30  }
0x1f1: {  	s3 =	smul.f32 s23, s18;
	v28 =	vmul.f32 v36, v36;
	v25, _, _ =	vpop (xrf2);
	v45 =	vmul.f32 v7, v7  }
0x1f2: {  	s18 =	sshra.s32 s2, $0x1;
	s10 =	smul.f32 $5.000000000e-01, s2;
	v48, _, _ =	vpop (xrf2);
	v63 =	vmul.f32 v4, v4;
	v1 =	vadd.f32 v2, v1;
	v2 =	vmul.f32 s0, v59;
	(xrf2) =	vadd.scan.msk.f32 $0xffff, v27  }
0x1f3: {  	s16 =	smul.f32 s20, s7;
	s19 =	ssub.s32 $0x5F3759DF, s18;
	v28 =	vadd.f32 v34, v28;
	(v2sf) =	vpush v48, $0xF;
	v27, _, _ =	vpop (xrf2);
	(xrf2) =	vadd.scan.msk.f32 $0xffff, v6  }
0x1f4: {  	s28 =	smul.f32 s19, s10;
	v45 =	vadd.f32 v45, v35;
	v46 =	vadd.f32 v63, v46;
	(xrf2) =	vadd.scan.msk.f32 $0xffff, v1;
	v1 =	vmul.f32 v2, v15;
	v2 =	vld [tilespmem:$0x1FDB0]  }
0x1f5: {  	s4 =	smul.f32 s24, s14;
	v3 =	vadd.f32 v28, v3;
	(v2sf) =	vpush v27, $0xF  }
0x1f6: {  	s1 =	smul.f32 s19, s28;
	v6 =	vmul.f32 v31, v31;
	v27, _, _ =	vpop (xrf2);
	(v2sf) =	vpush v25, $0xF;
	v25 =	vmul.f32 v5, v5  }
0x1f7: {  	s7 =	smul.f32 s13, s26;
	s26 =	spop (v2sf);
	v28 =	vmul.f32 v29, v29;
	(v2sf) =	vpush v27, $0xF;
	v27 =	vmul.f32 v33, v33  }
0x1f8: {  	s14 =	smul.f32 $1.562500000e-02, s26;
	s29 =	ssub.f32 $1.500000000e+00, s1;
	v48 =	vmov s11;
	v6 =	vadd.f32 v25, v6;
	v25 =	vadd.f32 v46, v45  }
0x1f9: {  	(xrf2) =	vadd.scan.msk.f32 $0xffff, v3;
	v3 =	vmul.f32 s0, v55;
	v27 =	vadd.f32 v28, v27;
	v45 =	vsub.f32 v2, v48;
	v2, _, _ =	vpop (xrf2)  }
0x1fa: {  	s18 =	smul.f32 s19, s29;
	s19 =	spop (v2sf);
	v28 =	vsub.f32 v8, v48;
	v8 =	vmov s14;
	(v2sf) =	vpush v2, $0xF  }
0x1fb: {  	v2 =	vmul.f32 v3, v13;
	v3 =	vadd.f32 v27, v6;
	v6 =	vsub.f32 v12, v8;
	_ =	sdelay $0x1  }
0x1fc: {  	s12 =	smul.f32 s9, s12;
	[tilespmem:$0x1FDC0] =	vst v6;
	v6 =	vsub.f32 v60, v8  }
0x1fd: {  	s2 =	smul.f32 s15, s30  }
0x1fe: {  	s28 =	smul.f32 s18, s10;
	[tilespmem:$0x1FDD0] =	vst v6;
	v6 =	vsub.f32 v62, v8  }
0x1ff: {  	s1 =	smul.f32 s16, s20  }
0x200: {  	s15 =	smul.f32 s28, s18;
	v8 =	vsub.f32 v61, v8  }
0x201: {  	s16 =	smul.f32 $1.562500000e-02, s19  }
0x202: {  	s5 =	smul.f32 s21, s25;
	s25 =	ssub.f32 $1.500000000e+00, s15;
	[tilespmem:$0x1FDE0] =	vst v6;
	v6, _, _ =	vpop (xrf2)  }
0x203: {  	s8 =	smul.f32 s12, s9;
	s26 =	spop (v2sf);
	(xrf2) =	vadd.scan.msk.f32 $0xffff, v25;
	(v2sf) =	vpush v6, $0xF;
	v6 =	vmov s16  }
0x204: {  	s25 =	smul.f32 s25, s18;
	[tilespmem:$0x1FDF0] =	vst v8;
	v8, _, _ =	vpop (xrf2);
	(xrf2) =	vadd.scan.msk.f32 $0xffff, v3;
	v3 =	vsub.f32 v14, v6  }
0x205: {  	s29 =	smul.f32 s14, s14  }
0x206: {  	s10 =	smul.f32 s25, s10;
	[tilespmem:$0x1FE00] =	vst v3;
	v3 =	vsub.f32 v10, v6  }
0x207: {  	s12 =	smul.f32 $1.562500000e-02, s26  }
0x208: {  	s8 =	ssub.f32 $1.500000000e+00, s8;
	s28 =	smul.f32 s10, s25;
	[tilespmem:$0x1FE10] =	vst v3;
	v3 =	vmul.f32 s0, v58  }
0x209: {  	s18 =	ssub.f32 s12, s29  }
0x20a: {  	s12 =	smul.f32 s3, s23;
	s3 =	ssub.f32 $1.500000000e+00, s28;
	v13 =	vmul.f32 v3, v39;
	v3 =	vsub.f32 v44, v6  }
0x20b: {  	s9 =	smul.f32 s8, s9;
	v11 =	vsub.f32 v11, v6  }
0x20c: {  	s11 =	smul.f32 s3, s25;
	s26 =	spop (v2sf)  }
0x20d: {  	v46 =	vsub.f32 v57, v48;
	s29 =	sadd.f32 $9.999999740e-06, s18;
	s8 =	smul.f32 $1.562500000e-02, s26;
	(v2sf) =	vpush v8, $0xF;
	v8 =	vmov s6;
	v12, _, _ =	vpop (xrf2);
	[tilespmem:$0x1FE20] =	vst v11  }
0x20e: {  	s15 =	smul.f32 s4, s24;
	(v2sf) =	vpush v12, $0xF;
	v10 =	vsub.f32 v43, v8;
	v11 =	vmul.f32 s11, v59;
	[tilespmem:$0x1FE30] =	vst v3;
	v3, _, _ =	vpop (xrf2)  }
0x20f: {  	v25 =	vsub.f32 v9, v48;
	s14 =	sshra.s32 s29, $0x1;
	s18 =	smul.f32 $5.000000000e-01, s29;
	s29 =	spop (v2sf);
	(v2sf) =	vpush v3, $0xF;
	v3 =	vmov s8  }
0x210: {  	s4 =	smul.f32 s16, s16;
	v6 =	vmul.f32 v11, v10;
	v43 =	vsub.f32 v16, v3;
	v10 =	vsub.f32 v21, v3  }
0x211: {  	s10 =	smul.f32 s5, s21;
	s19 =	ssub.s32 $0x5F3759DF, s14;
	v48 =	vsub.f32 v22, v3;
	v3 =	vsub.f32 v24, v3  }
0x212: {  	s25 =	smul.f32 s19, s18  }
0x213: {  	s2 =	ssub.f32 $1.500000000e+00, s2;
	s5 =	smul.f32 s7, s13;
	[tilespmem:$0x1FE50] =	vst v3;
	v3 =	vld [tilespmem:$0x1FE60]  }
0x214: {  	s3 =	smul.f32 s19, s25;
	v27 =	vsub.f32 v40, v8;
	v11 =	vld [tilespmem:$0x1FE70]  }
0x215: {  	s1 =	ssub.f32 $1.500000000e+00, s1;
	s7 =	smul.f32 s2, s30;
	v35 =	vsub.f32 v42, v8;
	v39 =	vsub.f32 v41, v8;
	v8, _, _ =	vpop (xrf2)  }
0x216: {  	s28 =	ssub.f32 $1.500000000e+00, s3;
	s16 =	smul.f32 $1.562500000e-02, s29;
	(v2sf) =	vpush v8, $0xF;
	v8 =	vmul.f32 s9, v55  }
0x217: {  	s3 =	smul.f32 s1, s20;
	s30 =	spop (v2sf);
	[tilespmem:$0x1FE40] =	vst v10;
	v10 =	vmul.f32 s9, v56  }
0x218: {  	s14 =	smul.f32 s19, s28;
	s19 =	spop (v2sf);
	v8 =	vmul.f32 v8, v3;
	v3 =	vmov s16  }
0x219: {  	s20 =	smul.f32 $1.562500000e-02, s19;
	v10 =	vmul.f32 v10, v11;
	v11 =	vsub.f32 v23, v3  }
0x21a: {  	v44 =	vsub.f32 v37, v3  }
0x21b: {  	v22 =	vsub.f32 v20, v3;
	[tilespmem:$0x1FE80] =	vst v11;
	v11 =	vsub.f32 v17, v3;
	v3 =	vmov s20  }
0x21c: {  	v42 =	vsub.f32 v18, v3;
	v24 =	vsub.f32 v38, v3  }
0x21d: {  	v23 =	vsub.f32 v36, v3;
	v57 =	vsub.f32 v30, v3;
	v3 =	vld [tilespmem:$0x1FEB0];
	_ =	sdelay $0x2  }
0x21e: {  	v12 =	vmul.f32 s9, v59;
	_ =	sdelay $0x1  }
0x21f: {  	v12 =	vmul.f32 v12, v3;
	v3 =	vld [tilespmem:$0x1FEC0];
	_ =	sdelay $0x1  }
0x220: {  	v15 =	vld [tilespmem:$0x1FEA0];
	s15 =	ssub.f32 $1.500000000e+00, s15  }
0x221: {  	v14 =	vmul.f32 s7, v55  }
0x222: {  	s1 =	smul.f32 s15, s24;
	s26 =	spop (v2sf);
	[tilespmem:$0x1FE90] =	vst v11;
	v11, _, _ =	vpop (xrf2)  }
0x223: {  	s24 =	ssub.f32 $1.500000000e+00, s10;
	s10 =	smul.f32 $1.562500000e-02, s26;
	(v2sf) =	vpush v11, $0xF;
	v11 =	vmul.f32 s9, v58;
	v14 =	vmul.f32 v14, v3;
	v3 =	vld [tilespmem:$0x1FED0]  }
0x224: {  	_ = 	snop  }
0x225: {  	v11 =	vmul.f32 v11, v15;
	v15 =	vmov s10  }
0x226: {  	v37 =	vsub.f32 v7, v15;
	v7 =	vmul.f32 s7, v56;
	_ =	sdelay $0x1  }
0x227: {  	v7 =	vmul.f32 v7, v3;
	v3 =	vld [tilespmem:$0x1FEE0];
	_ =	sdelay $0x2  }
0x228: {  	v60 =	vsub.f32 v0, v15;
	v0 =	vmul.f32 s7, v58;
	_ =	sdelay $0x1  }
0x229: {  	v0 =	vmul.f32 v0, v3;
	v3 =	vld [tilespmem:$0x1FEF0];
	_ =	sdelay $0x2  }
0x22a: {  	v63 =	vmul.f32 s7, v59;
	_ =	sdelay $0x1  }
0x22b: {  	v32 =	vsub.f32 v32, v15;
	v36 =	vsub.f32 v4, v15;
	v15 =	vmul.f32 v63, v3;
	v3 =	vld [tilespmem:$0x1FF00];
	_ =	sdelay $0x2  }
0x22c: {  	v4 =	vmul.f32 s3, v55;
	_ =	sdelay $0x1  }
0x22d: {  	v17 =	vmul.f32 v4, v3;
	v3 =	vld [tilespmem:$0x1FF10]  }
0x22e: {  	s5 =	ssub.f32 $1.500000000e+00, s5;
	_ =	sdelay $0x1  }
0x22f: {  	s6 =	smul.f32 s5, s13;
	v38 =	vmul.f32 s3, v56  }
0x230: {  	s29 =	smul.f32 $1.562500000e-02, s30;
	s30 =	spop (v2sf)  }
0x231: {  	s13 =	smul.f32 $1.562500000e-02, s30;
	v16 =	vmul.f32 v38, v3;
	v3 =	vld [tilespmem:$0x1FF20];
	_ =	sdelay $0x1  }
0x232: {  	v34 =	vmov s13  }
0x233: {  	v30 =	vsub.f32 v5, v34;
	v5 =	vmul.f32 s3, v58  }
0x234: {  	v61 =	vld [tilespmem:$0x1FF80]  }
0x235: {  	v5 =	vmul.f32 v5, v3;
	v3 =	vld [tilespmem:$0x1FFB0];
	_ =	sdelay $0x1  }
0x236: {  	v62 =	vld [tilespmem:$0x1FF90]  }
0x237: {  	v9 =	vmul.f32 s0, v56;
	_ =	sdelay $0x1  }
0x238: {  	v9 =	vmul.f32 v9, v19;
	v2 =	vadd.f32 v2, v61;
	v1 =	vadd.f32 v1, v3;
	v3 =	vld [tilespmem:$0x1FF30];
	_ =	sdelay $0x1  }
0x239: {  	v9 =	vadd.f32 v9, v62;
	[tilespmem:s17+$0xC0] =	vst v2  }
0x23a: {  	v40 =	vsub.f32 v33, v34;
	v33 =	vmul.f32 s3, v59;
	[tilespmem:s17+$0xF0] =	vst v1  }
0x23b: {  	v2 =	vld [tilespmem:$0x1FFA0];
	[tilespmem:s17+$0xD0] =	vst v9  }
0x23c: {  	v18 =	vmul.f32 v33, v3;
	v3 =	vld [tilespmem:$0x1FFB0]  }
0x23d: {  	v38 =	vmul.f32 s1, v58  }
0x23e: {  	s12 =	ssub.f32 $1.500000000e+00, s12  }
0x23f: {  	v41 =	vsub.f32 v29, v34;
	v9 =	vmul.f32 v38, v51;
	v51 =	vld [tilespmem:$0x1FFA0]  }
0x240: {  	s2 =	smul.f32 s12, s23;
	v63 =	vsub.f32 v31, v34;
	v34 =	vmul.f32 s1, v55;
	v2 =	vadd.f32 v13, v2  }
0x241: {  	s25 =	smul.f32 s14, s18;
	v6 =	vadd.f32 v6, v3  }
0x242: {  	s0 =	smul.f32 s24, s21;
	v8 =	vadd.f32 v8, v61;
	v1 =	vmul.f32 v34, v47;
	v47 =	vmul.f32 s2, v55;
	[tilespmem:s17+$0xE0] =	vst v2  }
0x243: {  	s19 =	smul.f32 s20, s20;
	v10 =	vadd.f32 v10, v62;
	[tilespmem:s22+$0xF0] =	vst v6  }
0x244: {  	s28 =	smul.f32 s25, s14;
	v20 =	vmul.f32 s1, v56;
	v11 =	vadd.f32 v11, v51;
	v6 =	vmul.f32 v47, v52;
	v52 =	vld [tilespmem:$0x1FFB0];
	[tilespmem:s17+$0xFFFFFF00] =	vst v8  }
0x245: {  	s8 =	smul.f32 s8, s8;
	s24 =	spop (v2sf);
	[tilespmem:s17+$0xFFFFFF10] =	vst v10  }
0x246: {  	s25 =	smul.f32 $1.562500000e-02, s24;
	v13 =	vmul.f32 v20, v54;
	v20 =	vmul.f32 s1, v59;
	[tilespmem:s17+$0xFFFFFF20] =	vst v11  }
0x247: {  	s4 =	ssub.f32 s29, s4;
	s20 =	smul.f32 s10, s10;
	v3 =	vld [tilespmem:$0x1FF40]  }
0x248: {  	s9 =	ssub.f32 $1.500000000e+00, s28;
	s28 =	spop (v2sf);
	v14 =	vadd.f32 v14, v61;
	v2 =	vmul.f32 v20, v53;
	v20 =	vmul.f32 s2, v56  }
0x249: {  	s30 =	spop (v2sf);
	s7 =	smul.f32 s16, s16;
	v12 =	vadd.f32 v12, v52  }
0x24a: {  	s3 =	ssub.f32 s25, s8;
	s8 =	smul.f32 $1.562500000e-02, s28;
	v8 =	vmul.f32 v20, v50;
	v20 =	vmul.f32 s2, v59;
	[tilespmem:s17+$0xFFFFFF40] =	vst v14  }
0x24b: {  	s12 =	smul.f32 s9, s14;
	s9 =	spop (v2sf);
	[tilespmem:s17+$0xFFFFFF30] =	vst v12  }
0x24c: {  	s29 =	ssub.f32 s8, s7;
	s8 =	smul.f32 $1.562500000e-02, s30;
	v20 =	vmul.f32 v20, v3;
	v3 =	vld [tilespmem:$0x1FF50]  }
0x24d: {  	s5 =	sadd.f32 $9.999999740e-06, s4;
	s10 =	smul.f32 $1.562500000e-02, s9  }
0x24e: {  	s7 =	ssub.f32 s8, s19;
	v7 =	vadd.f32 v7, v62  }
0x24f: {  	s23 =	sshra.s32 s5, $0x1;
	s14 =	smul.f32 $5.000000000e-01, s5;
	s19 =	ssub.f32 s10, s20;
	v0 =	vadd.f32 v0, v51;
	v11 =	vmul.f32 s0, v56  }
0x250: {  	s21 =	ssub.s32 $0x5F3759DF, s23;
	s5 =	smul.f32 s13, s13;
	s3 =	sadd.f32 $9.999999740e-06, s3;
	v54 =	vmul.f32 s2, v58;
	v12 =	vadd.f32 v15, v52;
	[tilespmem:s17+$0xFFFFFF50] =	vst v7  }
0x251: {  	s26 =	smul.f32 s21, s14;
	s24 =	sadd.f32 $9.999999740e-06, s19;
	v5 =	vadd.f32 v5, v51;
	v10 =	vmul.f32 s0, v55;
	v14 =	vmul.f32 v11, v3;
	v3 =	vld [tilespmem:$0x1FF60];
	[tilespmem:s17+$0xFFFFFF60] =	vst v0  }
0x252: {  	s15 =	smul.f32 $5.000000000e-01, s3;
	v17 =	vadd.f32 v17, v61;
	v1 =	vadd.f32 v1, v61;
	v0 =	vld [tilespmem:$0x1FF70];
	[tilespmem:s17+$0xFFFFFF70] =	vst v12  }
0x253: {  	s19 =	smul.f32 $5.000000000e-01, s24;
	s20 =	spop (v2sf);
	v19 =	vmul.f32 v54, v49;
	v21 =	vmul.f32 v10, v26;
	[tilespmem:s17+$0xFFFFFFA0] =	vst v5;
	v5 =	vadd.f32 v13, v62  }
0x254: {  	s3 =	sshra.s32 s3, $0x1;
	s13 =	sadd.f32 $9.999999740e-06, s7;
	s23 =	smul.f32 $1.562500000e-02, s20;
	v9 =	vadd.f32 v9, v51;
	v10 =	vmul.f32 s0, v58;
	[tilespmem:s17+$0xFFFFFFC0] =	vst v1;
	v1 =	vmul.f32 s11, v56  }
0x255: {  	s4 =	ssub.s32 $0x5F3759DF, s3;
	s1 =	smul.f32 s21, s26;
	v11 =	vmul.f32 s0, v59;
	v12 =	vadd.f32 v16, v62;
	[tilespmem:s17+$0xFFFFFFD0] =	vst v5;
	v5 =	vmul.f32 s11, v58  }
0x256: {  	s25 =	sshra.s32 s13, $0x1;
	s5 =	ssub.f32 s23, s5;
	s26 =	smul.f32 $5.000000000e-01, s13;
	v13 =	vadd.f32 v2, v52;
	v2 =	vmul.f32 v1, v39;
	v7 =	vmul.f32 v10, v3  }
0x257: {  	s3 =	smul.f32 s4, s15;
	s23 =	ssub.s32 $0x5F3759DF, s25;
	s2 =	sadd.f32 $9.999999740e-06, s29;
	[tilespmem:s17+$0xFFFFFF90] =	vst v12;
	v12 =	vadd.f32 v18, v52;
	v10 =	vmul.f32 s6, v55;
	v1 =	vmul.f32 v5, v35  }
0x258: {  	s28 =	sadd.f32 $9.999999740e-06, s5;
	s5 =	smul.f32 s23, s26;
	s29 =	sshra.s32 s24, $0x1;
	[tilespmem:s17+$0xFFFFFFE0] =	vst v9;
	v9 =	vadd.f32 v21, v61;
	v15 =	vmul.f32 v11, v0;
	v11 =	vmul.f32 s6, v56  }
0x259: {  	s24 =	ssub.s32 $0x5F3759DF, s29;
	s16 =	smul.f32 $5.000000000e-01, s2;
	[tilespmem:s17+$0xFFFFFFB0] =	vst v12;
	v12 =	vadd.f32 v6, v61;
	v0 =	vmul.f32 v10, v45;
	v10 =	vmul.f32 s6, v58  }
0x25a: {  	s2 =	sshra.s32 s2, $0x1;
	s8 =	smul.f32 s24, s19;
	v6 =	vadd.f32 v14, v62;
	v29 =	vmul.f32 v11, v46;
	v11 =	vmul.f32 s11, v55  }
0x25b: {  	s30 =	sshra.s32 s28, $0x1;
	s7 =	ssub.s32 $0x5F3759DF, s2;
	v7 =	vadd.f32 v7, v51;
	s11 =	smul.f32 $5.000000000e-01, s28;
	v28 =	vmul.f32 v10, v28;
	v10 =	vmul.f32 s6, v59  }
0x25c: {  	s31 =	simm.s32 $0x7780;
	s25 =	ssub.s32 $0x5F3759DF, s30;
	s2 =	smul.f32 s7, s16;
	[tilespmem:s17+$0xFFFFFF80] =	vst v17;
	v5 =	vadd.f32 v15, v52;
	v27 =	vmul.f32 v11, v27;
	v11 =	vadd.f32 v19, v51  }
0x25d: {  	s13 =	ssub.f32 $1.500000000e+00, s1;
	s0 =	simm.s32 $0x8;
	[tilespmem:s17+$0xFFFFFFF0] =	vst v13;
	s20 =	smul.f32 s25, s11;
	v34 =	vmul.f32 v10, v25;
	v10 =	vadd.f32 v8, v62;
	v8 =	vadd.f32 v20, v52  }
.LBB2_5:
0x25e: {  	s1 =	rddreg [dreg:$0x5]  }
0x25f: {  	[dreg:$0xe] =	wrdreg s14;
	[tilespmem:$0x1FCA0] =	vst v22;
	s28 =	sadd.s32 s0, s1  }
0x260: {  	[dreg:$0x9] =	wrdreg s19;
	[tilespmem:$0x1FCC0] =	vst v24;
	s19 =	sadd.s32 $0x10F, s28  }
0x261: {  	[dreg:$0xd] =	wrdreg s26;
	[tilespmem:s17+$0x20] =	vst v11;
	s26 =	sand.u32 $0xFFF8, s19  }
0x262: {  	[dreg:$0xc] =	wrdreg s16;
	v4 =	vmov v57;
	[tilespmem:s17+$0x30] =	vst v8;
	s3 =	smul.f32 s4, s3;
	s9 =	sshrl.u32 s26, $0x3  }
0x263: {  	[dreg:$0xb] =	wrdreg s11;
	v0 =	vadd.f32 v0, v61;
	v3 =	vmov v32;
	[tilespmem:$0x1FCE0] =	vst v4;
	s9 =	smul.u32 $0x147B, s9  }
0x264: {  	[dreg:$0xa] =	wrdreg s15;
	[tilespmem:$0x1FCF0] =	vst v3;
	s2 =	smul.f32 s7, s2;
	v3 =	vadd.f32 v28, v51  }
0x265: {  	v13 =	vadd.f32 v27, v61;
	s22 =	sadd.s32 $0x200, s22;
	s15 =	smul.f32 s23, s5;
	[tilespmem:s17+$0x80] =	vst v0;
	s9 =	sshrl.u32 s9, $0x11  }
0x266: {  	[dreg:$0x8] =	wrdreg s12;
	v0 =	vld [tilespmem:s22+$0xC0];
	[tilespmem:s17+$0xA0] =	vst v3;
	s9 =	smul.u32 $0xC8, s9  }
0x267: {  	[dreg:$0x7] =	wrdreg s18;
	v2 =	vadd.f32 v2, v62;
	s30 =	sadd.s32 $0x8, s0;
	s29 =	smul.f32 s24, s8;
	v4 =	vmov v41;
	v3 =	vld [tilespmem:s22+$0xD0];
	[tilespmem:s31+$0xC0] =	vst v13  }
0x268: {  	v1 =	vadd.f32 v1, v51;
	s1 =	sadd.s32 $0x109, s28;
	s8 =	sadd.s32 $0x10B, s28;
	[tilespmem:$0x1FD80] =	vst v4;
	s9 =	ssub.s32 s19, s9  }
0x269: {  	s16 =	sadd.s32 $0x10C, s28;
	s6 =	ssub.f32 $1.500000000e+00, s3;
	v4 =	vld [tilespmem:s22+$0xE0];
	[tilespmem:s31+$0xD0] =	vst v2;
	s9 =	sand.u32 $0xFFFF, s9  }
0x26a: {  	s5 =	sadd.s32 $0x10D, s28;
	s10 =	ssub.f32 $1.500000000e+00, s2;
	v2 =	vld [tilespmem:s22+$0xF0];
	[tilespmem:s31+$0xE0] =	vst v1;
	s9 =	sshll.u32 s9, $0x6  }
0x26b: {  	[tilespmem:s17+$0x0] =	vst v12;
	s2 =	sadd.s32 $0x108, s28;
	s3 =	sadd.s32 $0x10A, s28;
	s12 =	sand.u32 $0xFFF8, s1;
	v1 =	vld [tilespmem:s9+$0x0]  }
0x26c: {  	[tilespmem:s17+$0x70] =	vst v5;
	s28 =	sadd.s32 $0x10E, s28;
	s14 =	sand.u32 $0xFFF8, s8;
	s12 =	sshrl.u32 s12, $0x3;
	v5 =	vld [tilespmem:s9+$0x10]  }
0x26d: {  	[tilespmem:s17+$0x50] =	vst v6;
	s0 =	sand.u32 $0xFFF8, s2;
	s14 =	sshrl.u32 s14, $0x3;
	s12 =	smul.u32 $0x147B, s12;
	v6 =	vld [tilespmem:s9+$0x20]  }
0x26e: {  	v8 =	vmov v40;
	[tilespmem:s17+$0x60] =	vst v7;
	s11 =	sand.u32 $0xFFF8, s3;
	s18 =	sshrl.u32 s0, $0x3;
	s14 =	smul.u32 $0x147B, s14;
	v7 =	vld [tilespmem:s9+$0x30]  }
0x26f: {  	[tilespmem:$0x1FD50] =	vst v8;
	v8 =	vld [tilespmem:s22+$0xFFFFFF00];
	s0 =	sand.u32 $0xFFF8, s28;
	s11 =	sshrl.u32 s11, $0x3;
	s18 =	smul.u32 $0x147B, s18  }
0x270: {  	v11 =	vmov v30;
	[tilespmem:s17+$0x40] =	vst v9;
	[dreg:$0x6] =	wrdreg s30;
	v9 =	vld [tilespmem:s22+$0xFFFFFF10];
	s0 =	sshrl.u32 s0, $0x3;
	s11 =	smul.u32 $0x147B, s11  }
0x271: {  	v14 =	vmov v63;
	v12 =	vadd.f32 v29, v62;
	[tilespmem:$0x1FD40] =	vst v11;
	p0 =	slt.u32 s30, $0xF8;
	v11 =	vld [tilespmem:s22+$0xFFFFFF30];
	s12 =	sshrl.u32 s12, $0x11;
	s0 =	smul.u32 $0x147B, s0  }
0x272: {  	[tilespmem:$0x1FD30] =	vst v14;
	v14 =	vld [tilespmem:s22+$0xFFFFFF80];
	s30 =	sand.u32 $0xFFF8, s16;
	s14 =	sshrl.u32 s14, $0x11;
	s12 =	smul.u32 $0xC8, s12;
	v38 =	vadd.f32 v1, v0;
	v31 =	vadd.f32 v5, v3  }
0x273: {  	v21 =	vld [tilespmem:s22+$0xFFFFFFC0];
	[tilespmem:s17+$0x90] =	vst v12;
	s26 =	sand.u32 $0xFFF8, s5;
	s18 =	sshrl.u32 s18, $0x11;
	s14 =	smul.u32 $0xC8, s14;
	v12 =	vadd.f32 v6, v4;
	v39 =	vadd.f32 v7, v2  }
0x274: {  	[tilespmem:s17+$0x10] =	vst v10;
	v10 =	vadd.f32 v34, v52;
	v22 =	vld [tilespmem:s22+$0xFFFFFFE0];
	s18 =	smul.u32 $0xC8, s18;
	s19 =	sshrl.u32 s30, $0x3;
	s30 =	sshrl.u32 s26, $0x3;
	v5 =	vmul.f32 v38, v38;
	v6 =	vmul.f32 v31, v31  }
0x275: {  	v24 =	vld [tilespmem:s22+$0xFFFFFFF0];
	s0 =	sshrl.u32 s0, $0x11;
	s1 =	ssub.s32 s1, s12;
	s30 =	smul.u32 $0x147B, s30;
	[tilespmem:$0x1FC40] =	vst v12;
	v4 =	vadd.f32 v39, v12;
	v12 =	vmul.f32 v12, v12;
	v13 =	vmul.f32 v39, v39  }
0x276: {  	[tilespmem:s17+$0xB0] =	vst v10;
	v10 =	vld [tilespmem:s22+$0xFFFFFF20];
	s0 =	smul.u32 $0xC8, s0;
	s1 =	sand.u32 $0xFFFF, s1;
	v2 =	vadd.f32 v31, v38  }
0x277: {  	v15 =	vmov v36;
	v34 =	vld [tilespmem:s22+$0x80];
	s26 =	smul.u32 $0x147B, s19;
	s19 =	sshrl.u32 s30, $0x11;
	s30 =	sshll.u32 s1, $0x6;
	v5 =	vadd.f32 v6, v5;
	v6 =	vadd.f32 v13, v12  }
0x278: {  	[tilespmem:$0x1FD20] =	vst v15;
	s2 =	ssub.s32 s2, s18;
	s9 =	sshrl.u32 s11, $0x11;
	s1 =	smul.f32 s21, s13;
	v15 =	vld [tilespmem:s30+$0x0];
	v2 =	vadd.f32 v4, v2  }
0x279: {  	s2 =	sand.u32 $0xFFFF, s2;
	s0 =	ssub.s32 s28, s0;
	s9 =	smul.u32 $0xC8, s9;
	v0 =	vld [tilespmem:s22+$0xFFFFFF40];
	v5 =	vadd.f32 v6, v5  }
0x27a: {  	s11 =	sshrl.u32 s26, $0x11;
	s2 =	sshll.u32 s2, $0x6;
	s26 =	smul.u32 $0xC8, s19;
	v1 =	vld [tilespmem:s22+$0xFFFFFF50];
	(xrf2) =	vadd.scan.msk.f32 $0xffff, v2  }
0x27b: {  	s0 =	sand.u32 $0xFFFF, s0;
	s18 =	smul.u32 $0xC8, s11;
	v6 =	vld [tilespmem:s2+$0x10];
	(xrf2) =	vadd.scan.msk.f32 $0xffff, v5  }
0x27c: {  	s19 =	smul.f32 s25, s20;
	s3 =	ssub.s32 s3, s9;
	s5 =	ssub.s32 s5, s26;
	v3 =	vld [tilespmem:s22+$0xFFFFFF60]  }
0x27d: {  	s26 =	rddreg [dreg:$0xe];
	s3 =	sand.u32 $0xFFFF, s3;
	s12 =	sand.u32 $0xFFFF, s5;
	v7 =	vld [tilespmem:s22+$0xFFFFFF70]  }
0x27e: {  	s5 =	sshll.u32 s0, $0x6;
	s0 =	ssub.f32 $1.500000000e+00, s19;
	s20 =	smul.f32 s1, s26;
	v2 =	vld [tilespmem:s2+$0x0]  }
0x27f: {  	s8 =	ssub.s32 s8, s14;
	s14 =	sshll.u32 s3, $0x6;
	s3 =	smul.f32 s7, s10;
	v4 =	vld [tilespmem:s22+$0xFFFFFF90]  }
0x280: {  	[tilespmem:$0x1FC80] =	vst v48;
	s10 =	smul.f32 s25, s0;
	v48 =	vadd.f32 v6, v9;
	v9 =	vld [tilespmem:s30+$0x30]  }
0x281: {  	s15 =	ssub.f32 $1.500000000e+00, s15;
	s0 =	smul.f32 s20, s1;
	v13 =	vld [tilespmem:s2+$0x20]  }
0x282: {  	s29 =	ssub.f32 $1.500000000e+00, s29;
	v5 =	vld [tilespmem:s2+$0x30];
	s2 =	smul.f32 s4, s6  }
0x283: {  	s4 =	smul.f32 s23, s15;
	v47 =	vadd.f32 v2, v8;
	v2 =	vld [tilespmem:s30+$0x10]  }
0x284: {  	s19 =	rddreg [dreg:$0xc];
	v49 =	vadd.f32 v15, v0;
	v0 =	vld [tilespmem:s14+$0x10];
	s6 =	smul.f32 s24, s29;
	v15, _, _ =	vpop (xrf2)  }
0x285: {  	[tilespmem:$0x1FC70] =	vst v43;
	s15 =	rddreg [dreg:$0xa];
	s23 =	smul.f32 s3, s19;
	v6 =	vld [tilespmem:s30+$0x20];
	v43 =	vadd.f32 v9, v7;
	(v2sf) =	vpush v15, $0xF;
	v9, _, _ =	vpop (xrf2)  }
0x286: {  	s9 =	ssub.s32 s16, s18;
	s25 =	rddreg [dreg:$0xd];
	v12 =	vld [tilespmem:s22+$0xFFFFFFA0];
	s21 =	smul.f32 s2, s15;
	(v2sf) =	vpush v9, $0xF  }
0x287: {  	[tilespmem:$0x1FC90] =	vst v44;
	s8 =	sand.u32 $0xFFFF, s8;
	s9 =	sand.u32 $0xFFFF, s9;
	s24 =	smul.f32 s4, s25;
	v44 =	vadd.f32 v5, v11;
	v11 =	vld [tilespmem:s14+$0x0]  }
0x288: {  	s18 =	sshll.u32 s8, $0x6;
	s16 =	sshll.u32 s9, $0x6;
	v46 =	vadd.f32 v13, v10;
	s9 =	smul.f32 s23, s3;
	v50 =	vadd.f32 v2, v1;
	v1 =	vld [tilespmem:s14+$0x20]  }
0x289: {  	[tilespmem:$0x1FCB0] =	vst v42;
	s0 =	ssub.f32 $1.500000000e+00, s0;
	v42 =	vadd.f32 v0, v4;
	v0 =	vld [tilespmem:s18+$0x20];
	s7 =	smul.f32 s21, s2;
	v8 =	vmul.f32 v47, v47;
	v10 =	vmul.f32 v48, v48  }
0x28a: {  	s11 =	smul.f32 s24, s4;
	v5 =	vadd.f32 v48, v47;
	v45 =	vadd.f32 v6, v3;
	v6 =	vld [tilespmem:s14+$0x30];
	s14 =	rddreg [dreg:$0x9]  }
0x28b: {  	v16 =	vmovc v60;
	v13 =	vmul.f32 v46, v46;
	v60 =	vadd.f32 v44, v46;
	v2 =	vadd.f32 v10, v8;
	v8 =	vld [tilespmem:s18+$0x0];
	s29 =	smul.f32 s6, s14  }
0x28c: {  	s9 =	ssub.f32 $1.500000000e+00, s9;
	s24 =	smul.f32 s0, s1;
	v61 =	vmul.f32 v44, v44;
	v3 =	vmul.f32 v49, v49;
	v15 =	vadd.f32 v11, v14;
	v11 =	vld [tilespmem:s18+$0x10]  }
0x28d: {  	s8 =	sshll.u32 s12, $0x6;
	v5 =	vadd.f32 v60, v5;
	v7 =	vmul.f32 v50, v50;
	s12 =	smul.f32 s29, s6;
	v19 =	vadd.f32 v1, v12;
	v12 =	vld [tilespmem:s18+$0x30];
	s18 =	rddreg [dreg:$0xb]  }
0x28e: {  	v32 =	vld [tilespmem:s5+$0x20];
	v13 =	vadd.f32 v61, v13;
	v10 =	vmul.f32 v45, v45;
	v14 =	vmul.f32 v43, v43;
	s30 =	smul.f32 s10, s18  }
0x28f: {  	v26 =	vld [tilespmem:s5+$0x30];
	v62 =	vmul.f32 v42, v42;
	s7 =	ssub.f32 $1.500000000e+00, s7;
	s21 =	smul.f32 s9, s3;
	v4 =	vadd.f32 v43, v45;
	v9 =	vadd.f32 v50, v49  }
0x290: {  	v18 =	vld [tilespmem:s16+$0x0];
	v3 =	vadd.f32 v7, v3;
	v7 =	vadd.f32 v14, v10;
	v1 =	vmul.f32 v15, v15;
	s1 =	ssub.f32 $1.500000000e+00, s12;
	s13 =	smul.f32 s30, s10  }
0x291: {  	s11 =	ssub.f32 $1.500000000e+00, s11;
	s23 =	smul.f32 s7, s2;
	(xrf2) =	vadd.scan.msk.f32 $0xffff, v5;
	v2 =	vadd.f32 v13, v2;
	v13 =	vld [tilespmem:s8+$0x30];
	v4 =	vadd.f32 v4, v9  }
0x292: {  	v30 =	vadd.f32 v62, v1;
	v1 =	vadd.f32 v7, v3;
	v3 =	vld [tilespmem:s8+$0x0];
	s7 =	smul.f32 s1, s6;
	s2 =	ssub.f32 $1.500000000e+00, s13  }
0x293: {  	v7 =	vld [tilespmem:s8+$0x10];
	s13 =	smul.f32 s11, s4  }
0x294: {  	(xrf2) =	vadd.scan.msk.f32 $0xffff, v4;
	v4 =	vld [tilespmem:s8+$0x20];
	s4 =	smul.f32 s2, s10;
	s8 =	spop (v2sf)  }
0x295: {  	v63 =	vld [tilespmem:s16+$0x10];
	(xrf2) =	vadd.scan.msk.f32 $0xffff, v2;
	s6 =	smul.f32 $1.562500000e-02, s8;
	s9 =	spop (v2sf)  }
0x296: {  	(xrf2) =	vadd.scan.msk.f32 $0xffff, v1;
	v1 =	vld [tilespmem:s22+$0xFFFFFFB0];
	s0 =	smul.f32 $1.562500000e-02, s9  }
0x297: {  	v5 =	vld [tilespmem:s16+$0x30];
	s10 =	smul.f32 s6, s6  }
0x298: {  	v10 =	vld [tilespmem:s16+$0x20]  }
0x299: {  	v14 =	vld [tilespmem:s5+$0x0];
	s0 =	ssub.f32 s0, s10  }
0x29a: {  	v52 =	vadd.f32 v8, v21;
	v8 =	vld [tilespmem:s22+$0x10]  }
0x29b: {  	v20, _, _ =	vpop (xrf2);
	v51 =	vadd.f32 v6, v1;
	v6 =	vld [tilespmem:s22+$0x0];
	s0 =	sadd.f32 $9.999999740e-06, s0  }
0x29c: {  	s20 =	rddreg [dreg:$0x8];
	s29 =	smul.f32 s23, s15;
	(v2sf) =	vpush v20, $0xF;
	v20 =	vld [tilespmem:s22+$0xFFFFFFD0]  }
0x29d: {  	s11 =	rddreg [dreg:$0x7];
	v55 =	vadd.f32 v12, v24;
	v24 =	vld [tilespmem:s22+$0x40];
	s9 =	sshra.s32 s0, $0x1;
	s15 =	smul.f32 $5.000000000e-01, s0  }
0x29e: {  	[tilespmem:$0x1FCD0] =	vst v23;
	v2 =	vld [tilespmem:s5+$0x10];
	s12 =	smul.f32 s20, s11;
	s11 =	ssub.s32 $0x5F3759DF, s9  }
0x29f: {  	[tilespmem:$0x1FC50] =	vst v15;
	v15 =	vadd.f32 v42, v15;
	v58 =	vadd.f32 v63, v8;
	v8 =	vld [tilespmem:s22+$0x60];
	v23, _, _ =	vpop (xrf2);
	s16 =	smul.f32 s11, s15  }
0x2a0: {  	(v2sf) =	vpush v23, $0xF;
	v56 =	vadd.f32 v18, v6;
	v6 =	vld [tilespmem:s22+$0x50]  }
0x2a1: {  	v21 =	vadd.f32 v51, v19;
	v53 =	vadd.f32 v11, v20;
	v11 =	vld [tilespmem:s22+$0x20];
	s9 =	smul.f32 s11, s16  }
0x2a2: {  	s28 =	smul.f32 s24, s26;
	v54 =	vadd.f32 v0, v22;
	v60 =	vadd.f32 v3, v24;
	v3 =	vld [tilespmem:s22+$0x90]  }
0x2a3: {  	v15 =	vadd.f32 v21, v15;
	v20 =	vld [tilespmem:s22+$0x30];
	s9 =	ssub.f32 $1.500000000e+00, s9  }
0x2a4: {  	s3 =	smul.f32 s28, s24;
	v33 =	vadd.f32 v55, v54;
	v62 =	vadd.f32 v4, v8;
	v8 =	vld [tilespmem:s22+$0xB0];
	v1, _, _ =	vpop (xrf2)  }
0x2a5: {  	(v2sf) =	vpush v1, $0xF;
	v1, _, _ =	vpop (xrf2);
	(xrf2) =	vadd.scan.msk.f32 $0xffff, v15;
	v61 =	vadd.f32 v7, v6;
	v6 =	vld [tilespmem:s22+$0xA0];
	s9 =	smul.f32 s11, s9  }
0x2a6: {  	s10 =	smul.f32 s13, s25;
	v12 =	vadd.f32 v53, v52;
	v57 =	vadd.f32 v10, v11;
	v11 =	vld [tilespmem:s22+$0x70]  }
0x2a7: {  	v9 =	vmul.f32 v19, v19;
	[tilespmem:$0x1FC60] =	vst v19;
	v19 =	vadd.f32 v14, v34;
	s25 =	smul.f32 s9, s15  }
0x2a8: {  	s30 =	smul.f32 s21, s19;
	v12 =	vadd.f32 v33, v12;
	v59 =	vadd.f32 v5, v20  }
0x2a9: {  	v4 =	vmul.f32 v60, v60;
	v28 =	vadd.f32 v2, v3;
	v29 =	vadd.f32 v26, v8;
	s0 =	smul.f32 s25, s9  }
0x2aa: {  	s5 =	smul.f32 s7, s14;
	v5 =	vadd.f32 v58, v56;
	(xrf2) =	vadd.scan.msk.f32 $0xffff, v12;
	v12 =	vmul.f32 v61, v61;
	v20 =	vadd.f32 v59, v57  }
0x2ab: {  	v25 =	vmul.f32 v55, v55;
	s2 =	smul.f32 s29, s23;
	v27 =	vadd.f32 v32, v6;
	v63 =	vadd.f32 v13, v11;
	s29 =	ssub.f32 $1.500000000e+00, s0  }
0x2ac: {  	s14 =	smul.f32 s4, s18;
	v21 =	vmul.f32 v54, v54;
	v4 =	vadd.f32 v12, v4;
	v2 =	vadd.f32 v20, v5  }
0x2ad: {  	s18 =	spop (v2sf);
	v11 =	vadd.f32 v61, v60;
	v14 =	vadd.f32 v63, v62;
	s9 =	smul.f32 s29, s9  }
0x2ae: {  	v17 =	vmovc v37;
	v13 =	vadd.f32 v25, v21;
	v21 =	vmul.f32 v62, v62;
	s19 =	smul.f32 $1.562500000e-02, s18;
	v36 =	vmul.f32 v63, v63  }
0x2af: {  	v23 =	vmul.f32 v51, v51;
	v37, _, _ =	vpop (xrf2);
	v5 =	vadd.f32 v28, v19;
	s28 =	spop (v2sf);
	(xrf2) =	vadd.scan.msk.f32 $0xffff, v2;
	v2 =	vadd.f32 v14, v11;
	s15 =	smul.f32 s9, s15  }
0x2b0: {  	v0 =	vmul.f32 v52, v52;
	s16 =	smul.f32 $1.562500000e-02, s28;
	v11 =	vadd.f32 v29, v27;
	v12 =	vadd.f32 v36, v21  }
0x2b1: {  	v15 =	vmul.f32 v58, v58;
	v9 =	vadd.f32 v23, v9;
	v22 =	vmul.f32 v53, v53;
	s25 =	smul.f32 s15, s9  }
0x2b2: {  	v10 =	vmul.f32 v56, v56;
	v5 =	vadd.f32 v11, v5;
	v11 =	vadd.f32 v12, v4;
	v4 =	vld [tilespmem:$0x1FFD0]  }
0x2b3: {  	v35 =	vmul.f32 v57, v57;
	v40 =	vmov s19;
	v41 =	vmov s16;
	s11 =	ssub.f32 $1.500000000e+00, s25  }
0x2b4: {  	s1 =	smul.f32 s30, s21;
	v23 =	vmul.f32 v59, v59;
	v32 =	vsub.f32 v46, v40;
	v46 =	vsub.f32 v50, v41;
	v50 =	vld [tilespmem:$0x1FFE0];
	(xrf2) =	vadd.scan.msk.f32 $0xffff, v2  }
0x2b5: {  	v7 =	vadd.f32 v22, v0;
	v8 =	vadd.f32 v15, v10;
	s9 =	smul.f32 s11, s9  }
0x2b6: {  	s8 =	smul.f32 s12, s20;
	v10 =	vadd.f32 v23, v35;
	s30 =	spop (v2sf);
	(v2sf) =	vpush v37, $0xF  }
0x2b7: {  	s5 =	smul.f32 s5, s7;
	v35 =	vsub.f32 v45, v41;
	v45 =	vld [tilespmem:$0x1FFC0];
	v2 =	vadd.f32 v9, v30;
	v9, _, _ =	vpop (xrf2);
	v0 =	vmul.f32 s9, v4  }
0x2b8: {  	s14 =	smul.f32 s14, s4;
	s12 =	ssub.f32 $1.500000000e+00, s8;
	(v2sf) =	vpush v9, $0xF;
	v9 =	vmov s6;
	(xrf2) =	vadd.scan.msk.f32 $0xffff, v5  }
0x2b9: {  	s8 =	ssub.f32 $1.500000000e+00, s3;
	s26 =	smul.f32 s19, s19;
	v12 =	vsub.f32 v39, v9;
	(xrf2) =	vadd.scan.msk.f32 $0xffff, v2;
	v2 =	vld [tilespmem:$0x1FFF0];
	[tilespmem:$0x1FD60] =	vst v0;
	v0 =	vmul.f32 s9, v50  }
0x2ba: {  	s3 =	ssub.f32 $1.500000000e+00, s2;
	v7 =	vadd.f32 v13, v7;
	s19 =	smul.f32 $1.562500000e-02, s30  }
0x2bb: {  	s8 =	smul.f32 s8, s24;
	(v2sf) =	vpush v1, $0xF;
	v1, _, _ =	vpop (xrf2);
	v12 =	vmul.f32 v0, v12;
	v0 =	vld [tilespmem:$0x1FFB0]  }
0x2bc: {  	s3 =	smul.f32 s3, s23;
	s2 =	ssub.f32 s19, s26;
	(v2sf) =	vpush v1, $0xF;
	v1 =	vmul.f32 s9, v45  }
0x2bd: {  	s1 =	ssub.f32 $1.500000000e+00, s1;
	s10 =	smul.f32 s10, s13  }
0x2be: {  	s30 =	smul.f32 s12, s20;
	s2 =	sadd.f32 $9.999999740e-06, s2;
	(xrf2) =	vadd.scan.msk.f32 $0xffff, v7;
	v7, _, _ =	vpop (xrf2);
	[tilespmem:$0x1FD90] =	vst v1;
	v1 =	vmul.f32 s9, v2  }
0x2bf: {  	v3 =	vmul.f32 v19, v19;
	v10 =	vadd.f32 v10, v8;
	s12 =	smul.f32 s1, s21;
	(v2sf) =	vpush v7, $0xF  }
0x2c0: {  	v6 =	vmul.f32 v28, v28;
	s26 =	sshra.s32 s2, $0x1;
	s18 =	smul.f32 $5.000000000e-01, s2;
	[tilespmem:$0x1FDA0] =	vst v1;
	v1 =	vadd.f32 v12, v0;
	v0 =	vsub.f32 v38, v9  }
0x2c1: {  	s5 =	ssub.f32 $1.500000000e+00, s5;
	s0 =	smul.f32 s16, s16;
	s15 =	ssub.s32 $0x5F3759DF, s26  }
0x2c2: {  	v15 =	vmul.f32 v27, v27;
	v3 =	vadd.f32 v6, v3;
	v8 =	vsub.f32 v47, v40;
	s28 =	smul.f32 s15, s18;
	[tilespmem:$0x1FD70] =	vst v0;
	v0 =	vld [tilespmem:$0x1FC40]  }
0x2c3: {  	v14 =	vmul.f32 v29, v29;
	v33 =	vsub.f32 v44, v40;
	v47 =	vsub.f32 v49, v41;
	s16 =	smul.f32 s5, s7;
	s29 =	ssub.f32 $1.500000000e+00, s14;
	(xrf2) =	vadd.scan.msk.f32 $0xffff, v10  }
0x2c4: {  	v34 =	vsub.f32 v43, v41;
	v43 =	vmul.f32 s30, v45;
	v37 =	vmul.f32 s30, v50;
	s11 =	smul.f32 s15, s28;
	v10, _, _ =	vpop (xrf2);
	(xrf2) =	vadd.scan.msk.f32 $0xffff, v11  }
0x2c5: {  	v6 =	vadd.f32 v14, v15;
	v41 =	vmul.f32 s8, v45;
	v24 =	vmul.f32 s8, v50;
	s2 =	smul.f32 s29, s4  }
0x2c6: {  	v30 =	vsub.f32 v48, v40;
	v26 =	vmul.f32 s3, v45;
	v22 =	vmul.f32 s3, v50;
	s20 =	spop (v2sf);
	s11 =	ssub.f32 $1.500000000e+00, s11  }
0x2c7: {  	[tilespmem:$0x1FD00] =	vst v17;
	s10 =	ssub.f32 $1.500000000e+00, s10;
	v20 =	vmul.f32 s12, v45;
	v17 =	vmul.f32 s12, v50;
	s21 =	smul.f32 $1.562500000e-02, s20;
	v48 =	vsub.f32 v0, v9;
	v0 =	vld [tilespmem:$0x1FC50]  }
0x2c8: {  	v6 =	vadd.f32 v6, v3;
	v5 =	vmul.f32 s30, v4;
	v36 =	vmul.f32 s30, v2;
	s14 =	smul.f32 s15, s11  }
0x2c9: {  	v49 =	vsub.f32 v31, v9;
	v39 =	vmul.f32 s8, v2;
	v21 =	vmul.f32 s12, v2;
	s15 =	smul.f32 s10, s13  }
0x2ca: {  	[tilespmem:$0x1FD10] =	vst v16;
	v13 =	vmul.f32 s16, v2;
	v16 =	vmul.f32 s2, v2;
	(v2sf) =	vpush v10, $0xF  }
0x2cb: {  	v7, _, _ =	vpop (xrf2);
	v31 =	vmov s21;
	v15 =	vmul.f32 s15, v2;
	v38 =	vmul.f32 s3, v2;
	v2 =	vld [tilespmem:$0x1FDC0]  }
0x2cc: {  	(xrf2) =	vadd.scan.msk.f32 $0xffff, v6;
	(v2sf) =	vpush v7, $0xF;
	v7 =	vmul.f32 s2, v45;
	v6, _, _ =	vpop (xrf2);
	s23 =	spop (v2sf);
	v3 =	vsub.f32 v0, v31;
	v0 =	vld [tilespmem:$0x1FC60]  }
0x2cd: {  	(v2sf) =	vpush v6, $0xF;
	v14 =	vmul.f32 s15, v45;
	v10 =	vmul.f32 s15, v50;
	s6 =	smul.f32 $1.562500000e-02, s23;
	s24 =	spop (v2sf);
	v6, _, _ =	vpop (xrf2)  }
0x2ce: {  	v12 =	vmul.f32 s16, v45;
	s25 =	spop (v2sf);
	(v2sf) =	vpush v6, $0xF;
	v45 =	vsub.f32 v42, v31;
	v42, _, _ =	vpop (xrf2)  }
0x2cf: {  	v6 =	vmul.f32 s2, v50;
	[tilespmem:s22+$0xF0] =	vst v1;
	v1 =	vmov s6;
	s30 =	spop (v2sf);
	(v2sf) =	vpush v42, $0xF  }
0x2d0: {  	s26 =	smul.f32 $1.562500000e-02, s25;
	v42 =	vsub.f32 v52, v1;
	v2 =	vmul.f32 v5, v2;
	v52 =	vsub.f32 v54, v1  }
0x2d1: {  	v9 =	vmul.f32 s16, v50;
	v50 =	vsub.f32 v55, v1;
	v44 =	vsub.f32 v0, v31  }
0x2d2: {  	v5 =	vmovc v8;
	v0 =	vmov s26;
	v31 =	vsub.f32 v51, v31;
	v51 =	vsub.f32 v53, v1  }
0x2d3: {  	[tilespmem:$0x1FDC0] =	vst v5;
	v5 =	vld [tilespmem:$0x1FDD0];
	v54 =	vsub.f32 v56, v0;
	v53 =	vsub.f32 v58, v0  }
0x2d4: {  	v55 =	vsub.f32 v57, v0;
	v57 =	vsub.f32 v59, v0;
	v0 =	vld [tilespmem:$0x1FDF0]  }
0x2d5: {  	s28 =	smul.f32 s6, s6  }
0x2d6: {  	s6 =	smul.f32 $1.562500000e-02, s30;
	_ =	sdelay $0x1  }
0x2d7: {  	s9 =	smul.f32 s14, s18;
	v1 =	vmov s6  }
0x2d8: {  	s7 =	smul.f32 $1.562500000e-02, s24;
	v43 =	vmul.f32 v43, v5;
	v5 =	vmovc v30;
	v0 =	vmul.f32 v37, v0;
	v37 =	vsub.f32 v61, v1;
	v61 =	vld [tilespmem:$0x1FF80]  }
0x2d9: {  	s19 =	smul.f32 s9, s14;
	[tilespmem:$0x1FDD0] =	vst v5;
	v5 =	vld [tilespmem:$0x1FDE0]  }
0x2da: {  	s0 =	ssub.f32 s7, s0  }
0x2db: {  	s5 =	ssub.f32 $1.500000000e+00, s19;
	v8, _, _ =	vpop (xrf2)  }
0x2dc: {  	s0 =	sadd.f32 $9.999999740e-06, s0;
	s9 =	spop (v2sf);
	(v2sf) =	vpush v8, $0xF  }
0x2dd: {  	v23 =	vmul.f32 s12, v4;
	s4 =	smul.f32 s21, s21;
	v30 =	vmovc v32;
	v32 =	vsub.f32 v60, v1;
	v56 =	vld [tilespmem:$0x1FE10];
	v2 =	vadd.f32 v2, v61  }
0x2de: {  	s17 =	smov.u32 s31;
	s12 =	smul.f32 s5, s14;
	s5 =	sshra.s32 s0, $0x1;
	v8 =	vmul.f32 v36, v5;
	v60 =	vsub.f32 v62, v1;
	v36 =	vsub.f32 v63, v1;
	v1 =	vld [tilespmem:$0x1FE00]  }
0x2df: {  	s21 =	ssub.s32 $0x5F3759DF, s5;
	s5 =	smul.f32 $1.562500000e-02, s9;
	[tilespmem:s17+$0xFFFFFF00] =	vst v2;
	v2 =	vld [tilespmem:$0x1FFA0]  }
0x2e0: {  	[tilespmem:$0x1FDE0] =	vst v30;
	v5 =	vmov v33  }
0x2e1: {  	v40 =	vmul.f32 s8, v4;
	v30 =	vmov v47;
	[tilespmem:$0x1FDF0] =	vst v5;
	v5 =	vmov s5  }
0x2e2: {  	v63 =	vsub.f32 v19, v5;
	[tilespmem:$0x1FE00] =	vst v30;
	v30 =	vsub.f32 v28, v5;
	v19 =	vmul.f32 v41, v56  }
0x2e3: {  	v41 =	vsub.f32 v29, v5;
	v1 =	vmul.f32 v40, v1;
	v40 =	vsub.f32 v27, v5;
	v5 =	vld [tilespmem:$0x1FE20];
	v27 =	vmovc v35  }
0x2e4: {  	[tilespmem:$0x1FE20] =	vst v27;
	v27 =	vld [tilespmem:$0x1FE30];
	v2 =	vadd.f32 v8, v2;
	_ =	sdelay $0x1  }
0x2e5: {  	[tilespmem:s17+$0xFFFFFF20] =	vst v2;
	v2 =	vld [tilespmem:$0x1FCA0];
	_ =	sdelay $0x2  }
0x2e6: {  	v24 =	vmul.f32 v24, v27;
	v27 =	vld [tilespmem:$0x1FC70]  }
0x2e7: {  	v62 =	vld [tilespmem:$0x1FF90]  }
0x2e8: {  	v17 =	vmul.f32 v17, v2;
	v2 =	vld [tilespmem:$0x1FCB0]  }
0x2e9: {  	v25 =	vmul.f32 s3, v4;
	_ =	sdelay $0x1  }
0x2ea: {  	v18 =	vmul.f32 s15, v4;
	v25 =	vmul.f32 v25, v27;
	v27 =	vmov v34  }
0x2eb: {  	[tilespmem:$0x1FE30] =	vst v27;
	v27 =	vadd.f32 v43, v62;
	v43 =	vmov v3;
	v3 =	vld [tilespmem:$0x1FE50]  }
0x2ec: {  	v18 =	vmul.f32 v18, v2;
	v2 =	vld [tilespmem:$0x1FCC0];
	_ =	sdelay $0x3  }
0x2ed: {  	v3 =	vmul.f32 v22, v3;
	v22 =	vld [tilespmem:$0x1FFB0]  }
0x2ee: {  	v14 =	vmul.f32 v14, v2;
	v2 =	vld [tilespmem:$0x1FCD0];
	_ =	sdelay $0x1  }
0x2ef: {  	v1 =	vadd.f32 v1, v61;
	_ =	sdelay $0x1  }
0x2f0: {  	[tilespmem:s17+$0xFFFFFF40] =	vst v1;
	v1 =	vld [tilespmem:$0x1FFA0]  }
0x2f1: {  	v0 =	vadd.f32 v0, v22;
	v15 =	vmul.f32 v15, v2;
	v2 =	vld [tilespmem:$0x1FCE0];
	_ =	sdelay $0x1  }
0x2f2: {  	[tilespmem:s17+$0xFFFFFF30] =	vst v0;
	v0 =	vadd.f32 v19, v62  }
0x2f3: {  	v5 =	vmul.f32 v39, v5;
	v22 =	vld [tilespmem:$0x1FE90]  }
0x2f4: {  	[tilespmem:s17+$0xFFFFFF50] =	vst v0;
	v0 =	vld [tilespmem:$0x1FFB0]  }
0x2f5: {  	v1 =	vadd.f32 v5, v1;
	v5 =	vmul.f32 v10, v2;
	v2 =	vld [tilespmem:$0x1FCF0];
	_ =	sdelay $0x2  }
0x2f6: {  	v11 =	vmul.f32 s16, v4  }
0x2f7: {  	v20 =	vmul.f32 v20, v22;
	v22 =	vld [tilespmem:$0x1FC90]  }
0x2f8: {  	v59 =	vmul.f32 v11, v2;
	v2 =	vadd.f32 v24, v0;
	v0 =	vld [tilespmem:$0x1FD00];
	_ =	sdelay $0x4  }
0x2f9: {  	v21 =	vmul.f32 v21, v22;
	v22 =	vmul.f32 v12, v0;
	v0 =	vld [tilespmem:$0x1FD10];
	_ =	sdelay $0x1  }
0x2fa: {  	v28 =	vmov v46  }
0x2fb: {  	[tilespmem:$0x1FE10] =	vst v28;
	v28 =	vld [tilespmem:$0x1FE40]  }
0x2fc: {  	v8 =	vld [tilespmem:$0x1FE80]  }
0x2fd: {  	v13 =	vmul.f32 v13, v0;
	v0 =	vld [tilespmem:$0x1FD20];
	_ =	sdelay $0x2  }
0x2fe: {  	v26 =	vmul.f32 v26, v28;
	v28 =	vld [tilespmem:$0x1FC80];
	[tilespmem:s17+$0xFFFFFF60] =	vst v1  }
0x2ff: {  	v1 =	vadd.f32 v25, v61;
	[tilespmem:s17+$0xFFFFFF70] =	vst v2;
	v2 =	vld [tilespmem:$0x1FD40]  }
0x300: {  	v8 =	vmul.f32 v23, v8;
	v23 =	vmul.f32 v9, v0;
	v0 =	vld [tilespmem:$0x1FD30]  }
0x301: {  	[tilespmem:s17+$0xFFFFFF80] =	vst v1;
	v1 =	vld [tilespmem:$0x1FFA0];
	_ =	sdelay $0x1  }
0x302: {  	v4 =	vmul.f32 s2, v4  }
0x303: {  	v58 =	vmul.f32 v38, v28  }
0x304: {  	s14 =	smul.f32 $5.000000000e-01, s0;
	v29 =	vmul.f32 v7, v2;
	v2 =	vld [tilespmem:$0x1FD50];
	v0 =	vmul.f32 v4, v0;
	v4 =	vadd.f32 v26, v62  }
0x305: {  	s29 =	smul.f32 s26, s26;
	v9 =	vadd.f32 v58, v1;
	v1 =	vld [tilespmem:$0x1FD80]  }
0x306: {  	s13 =	smul.f32 s21, s14;
	[tilespmem:s17+$0xFFFFFF90] =	vst v4;
	v4 =	vld [tilespmem:$0x1FFB0]  }
0x307: {  	s11 =	spop (v2sf);
	s10 =	smul.f32 s5, s5  }
0x308: {  	s5 =	smul.f32 $1.562500000e-02, s11  }
0x309: {  	s8 =	smul.f32 s6, s6;
	v7 =	vld [tilespmem:$0x1FD70]  }
0x30a: {  	s15 =	spop (v2sf);
	s4 =	ssub.f32 s5, s4;
	v28 =	vmul.f32 v16, v2;
	v2 =	vld [tilespmem:$0x1FD60]  }
0x30b: {  	s16 =	spop (v2sf);
	s5 =	smul.f32 $1.562500000e-02, s15;
	v34 =	vmul.f32 v6, v1;
	v1 =	vld [tilespmem:$0x1FD90];
	v3 =	vadd.f32 v3, v4;
	v4 =	vmov v42  }
0x30c: {  	s6 =	smul.f32 s21, s13;
	s4 =	sadd.f32 $9.999999740e-06, s4;
	[tilespmem:$0x1FE80] =	vst v4;
	v4 =	vld [tilespmem:$0x1FFA0]  }
0x30d: {  	s20 =	spop (v2sf);
	s3 =	ssub.f32 s5, s28  }
0x30e: {  	s5 =	smul.f32 $1.562500000e-02, s16;
	s24 =	spop (v2sf)  }
0x30f: {  	s28 =	smul.f32 $1.562500000e-02, s24;
	s3 =	sadd.f32 $9.999999740e-06, s3  }
0x310: {  	s19 =	sshra.s32 s4, $0x1;
	s15 =	smul.f32 $5.000000000e-01, s4;
	s2 =	ssub.f32 s5, s29;
	[tilespmem:s17+$0xFFFFFF10] =	vst v27;
	v27 =	vmul.f32 v2, v7;
	v2 =	vmul.f32 v1, v49;
	v1 =	vld [tilespmem:$0x1FDA0]  }
0x311: {  	s5 =	smul.f32 $1.562500000e-02, s20;
	s4 =	ssub.s32 $0x5F3759DF, s19;
	s1 =	ssub.f32 s28, s10;
	v7 =	vmov v45;
	v11 =	vadd.f32 v15, v4;
	v4 =	vld [tilespmem:$0x1FFB0]  }
0x312: {  	s23 =	sshra.s32 s3, $0x1;
	s16 =	smul.f32 $5.000000000e-01, s3;
	s2 =	sadd.f32 $9.999999740e-06, s2;
	[tilespmem:$0x1FE40] =	vst v7;
	v7 =	vld [tilespmem:$0x1FFB0]  }
0x313: {  	s0 =	ssub.f32 s5, s8;
	s3 =	smul.f32 s4, s15;
	s7 =	ssub.s32 $0x5F3759DF, s23;
	[tilespmem:s17+$0xFFFFFFB0] =	vst v3;
	v3 =	vld [tilespmem:$0x1FFA0]  }
0x314: {  	s30 =	sadd.f32 $9.999999740e-06, s1;
	s26 =	smul.f32 $5.000000000e-01, s2;
	[tilespmem:s17+$0xFFFFFFA0] =	vst v9  }
0x315: {  	s25 =	sshra.s32 s2, $0x1;
	s2 =	smul.f32 s7, s16;
	v9 =	vadd.f32 v8, v61;
	v8 =	vmovc v31;
	v1 =	vmul.f32 v1, v48;
	v48 =	vmovc v44;
	v44 =	vmov v52;
	v52 =	vld [tilespmem:$0x1FFB0]  }
0x316: {  	s0 =	sadd.f32 $9.999999740e-06, s0;
	s11 =	smul.f32 $5.000000000e-01, s30;
	[tilespmem:$0x1FE50] =	vst v8;
	v6 =	vadd.f32 v20, v62;
	v8 =	vadd.f32 v5, v4;
	v4 =	vmov v51;
	v51 =	vld [tilespmem:$0x1FFA0]  }
.Ltmp1:
0x317: {  	[tilespmem:s17+$0xFFFFFFC0] =	vst v9;
	v7 =	vadd.f32 v17, v7;
	(pc) =	sbr.rel @p0 .LBB2_5-.Ltmp1, $4  }
0x318: {  	s23 =	ssub.s32 $0x5F3759DF, s25;
	s1 =	sshra.s32 s30, $0x1;
	s19 =	smul.f32 $5.000000000e-01, s0;
	[tilespmem:s17+$0xFFFFFFD0] =	vst v6;
	v3 =	vadd.f32 v21, v3  }
0x319: {  	s29 =	sshra.s32 s0, $0x1;
	s5 =	smul.f32 s23, s26;
	s25 =	ssub.s32 $0x5F3759DF, s1;
	v10 =	vadd.f32 v14, v62;
	v12 =	vadd.f32 v18, v61;
	[tilespmem:s17+$0xFFFFFFF0] =	vst v7  }
0x31a: {  	s13 =	ssub.f32 $1.500000000e+00, s6;
	s24 =	ssub.s32 $0x5F3759DF, s29;
	s20 =	smul.f32 s25, s11;
	v24 =	vmovc v53;
	v9 =	vadd.f32 v59, v61;
	v6 =	vadd.f32 v22, v62;
	v22 =	vmov v50;
	[tilespmem:s17+$0xFFFFFFE0] =	vst v3  }
0x31b: {  	s31 =	smov.u32 s22;
	s0 =	rddreg [dreg:$0x6];
	s8 =	smul.f32 s24, s19;
	v42 =	vmovc v54;
	v5 =	vadd.f32 v23, v52;
	v23 =	vmov v55;
	[tilespmem:$0x1FE90] =	vst v4;
	v7 =	vadd.f32 v13, v51  }
0x31c: {  	s0 =	smul.f32 s4, s3  }
0x31d: {  	s3 =	smul.f32 s21, s13  }
0x31e: {  	s1 =	smul.f32 s7, s2  }
0x31f: {  	s10 =	smul.f32 s23, s5  }
0x320: {  	s21 =	smul.f32 s25, s20  }
0x321: {  	s20 =	smul.f32 s12, s18  }
0x322: {  	s13 =	smul.f32 s24, s8;
	s0 =	ssub.f32 $1.500000000e+00, s0  }
0x323: {  	s1 =	ssub.f32 $1.500000000e+00, s1;
	s22 =	smul.f32 s3, s14  }
0x324: {  	s2 =	ssub.f32 $1.500000000e+00, s10;
	s0 =	smul.f32 s4, s0  }
0x325: {  	s6 =	smul.f32 s7, s1  }
0x326: {  	s5 =	ssub.f32 $1.500000000e+00, s21;
	s2 =	smul.f32 s23, s2  }
0x327: {  	s4 =	ssub.f32 $1.500000000e+00, s13;
	s9 =	smul.f32 s22, s3  }
0x328: {  	s1 =	smul.f32 s25, s5  }
0x329: {  	s7 =	smul.f32 s24, s4  }
0x32a: {  	s23 =	smul.f32 s0, s15  }
0x32b: {  	[tilespmem:s17+$0x0] =	vst v12;
	s24 =	smul.f32 s6, s16  }
0x32c: {  	[tilespmem:s17+$0x10] =	vst v10;
	s30 =	ssub.f32 $1.500000000e+00, s9;
	s9 =	smul.f32 s2, s26  }
0x32d: {  	[tilespmem:s17+$0x20] =	vst v11;
	s4 =	smul.f32 s23, s0  }
0x32e: {  	[tilespmem:s17+$0x30] =	vst v8;
	s8 =	smul.f32 s24, s6  }
0x32f: {  	[tilespmem:s17+$0x40] =	vst v9;
	s5 =	smul.f32 s30, s3  }
0x330: {  	[tilespmem:s17+$0x50] =	vst v6;
	s10 =	smul.f32 s7, s19  }
0x331: {  	v0 =	vadd.f32 v0, v61;
	[tilespmem:s17+$0x60] =	vst v7;
	s13 =	smul.f32 s9, s2  }
0x332: {  	v3 =	vadd.f32 v29, v62;
	[tilespmem:s17+$0x70] =	vst v5;
	s23 =	smul.f32 s20, s12  }
0x333: {  	v4 =	vadd.f32 v28, v51;
	[tilespmem:s17+$0x80] =	vst v0;
	s4 =	ssub.f32 $1.500000000e+00, s4;
	s21 =	smul.f32 s10, s7  }
0x334: {  	v28 =	vadd.f32 v34, v52;
	[tilespmem:s17+$0x90] =	vst v3;
	s8 =	ssub.f32 $1.500000000e+00, s8;
	s24 =	smul.f32 s5, s14  }
0x335: {  	v55 =	vld [tilespmem:$0x1FFD0];
	[tilespmem:s17+$0xA0] =	vst v4;
	s22 =	ssub.f32 $1.500000000e+00, s13;
	s0 =	smul.f32 s4, s0  }
0x336: {  	v31 =	vadd.f32 v27, v61;
	v56 =	vld [tilespmem:$0x1FFC0];
	[tilespmem:s17+$0xB0] =	vst v28;
	s4 =	smul.f32 s8, s6  }
0x337: {  	v58 =	vld [tilespmem:$0x1FFF0];
	s25 =	ssub.f32 $1.500000000e+00, s23;
	s3 =	smul.f32 s22, s2  }
0x338: {  	v34 =	vadd.f32 v2, v62;
	v6 =	vld [tilespmem:$0x1FDC0];
	[tilespmem:s31+$0xC0] =	vst v31;
	s30 =	ssub.f32 $1.500000000e+00, s21;
	s8 =	smul.f32 s24, s5  }
0x339: {  	v1 =	vadd.f32 v1, v51;
	v59 =	vld [tilespmem:$0x1FFE0];
	s2 =	smul.f32 s25, s12  }
0x33a: {  	v39 =	vld [tilespmem:$0x1FDD0];
	[tilespmem:s31+$0xD0] =	vst v34;
	s10 =	smul.f32 s30, s7  }
0x33b: {  	v46 =	vld [tilespmem:$0x1FDE0];
	[tilespmem:s31+$0xE0] =	vst v1;
	s13 =	smul.f32 s0, s15  }
0x33c: {  	v49 =	vld [tilespmem:$0x1FDF0];
	s12 =	ssub.f32 $1.500000000e+00, s8;
	v29 =	vmul.f32 s2, v55;
	s15 =	smul.f32 s4, s16  }
0x33d: {  	v7 =	vld [tilespmem:$0x1FE00];
	v33 =	vmul.f32 s2, v56;
	s16 =	smul.f32 s1, s11  }
0x33e: {  	v35 =	vmul.f32 s2, v58;
	s5 =	smul.f32 s12, s5;
	v3 =	vmul.f32 v29, v6  }
0x33f: {  	v38 =	vmul.f32 s2, v59;
	s20 =	smul.f32 s3, s26;
	v4 =	vmul.f32 v33, v39  }
0x340: {  	s14 =	smul.f32 s13, s0;
	v2 =	vmul.f32 v35, v46;
	v45 =	vmul.f32 s5, v55;
	v3 =	vadd.f32 v3, v61  }
0x341: {  	s7 =	smul.f32 s15, s4;
	v5 =	vmul.f32 v38, v49;
	v4 =	vadd.f32 v4, v62  }
0x342: {  	s17 =	smul.f32 s16, s1;
	v2 =	vadd.f32 v2, v51;
	v0 =	vmul.f32 v45, v7;
	[tilespmem:s31+$0xFFFFFF00] =	vst v3  }
0x343: {  	s21 =	smul.f32 s20, s3;
	s6 =	ssub.f32 $1.500000000e+00, s14;
	v9 =	vadd.f32 v5, v52;
	v54 =	vld [tilespmem:$0x1FE10];
	[tilespmem:s31+$0xFFFFFF10] =	vst v4  }
0x344: {  	s22 =	smul.f32 s10, s19;
	v47 =	vmul.f32 s5, v56;
	s18 =	ssub.f32 $1.500000000e+00, s7;
	v11 =	vld [tilespmem:$0x1FE20];
	[tilespmem:s31+$0xFFFFFF20] =	vst v2;
	v0 =	vadd.f32 v0, v61  }
0x345: {  	v50 =	vmul.f32 s5, v58;
	v53 =	vmul.f32 s5, v59;
	s5 =	ssub.f32 $1.500000000e+00, s17;
	s0 =	smul.f32 s6, s0;
	v13 =	vld [tilespmem:$0x1FE30];
	[tilespmem:s31+$0xFFFFFF30] =	vst v9  }
0x346: {  	s23 =	ssub.f32 $1.500000000e+00, s21;
	s4 =	smul.f32 s18, s4;
	[tilespmem:s31+$0xFFFFFF40] =	vst v0  }
0x347: {  	s1 =	smul.f32 s5, s1;
	v10 =	vmul.f32 s0, v55;
	v12 =	vmul.f32 s0, v56;
	v17 =	vld [tilespmem:$0x1FE40]  }
0x348: {  	s3 =	smul.f32 s23, s3;
	v14 =	vmul.f32 s0, v58;
	v1 =	vmul.f32 v47, v54  }
0x349: {  	v16 =	vmul.f32 s0, v59;
	s24 =	smul.f32 s1, s11;
	v6 =	vmul.f32 v50, v11  }
0x34a: {  	s0 =	smul.f32 s22, s10;
	v31 =	vmul.f32 s4, v59;
	v3 =	vmul.f32 v53, v13;
	v1 =	vadd.f32 v1, v62  }
0x34b: {  	v5 =	vmul.f32 v10, v43;
	v4 =	vmul.f32 v14, v48;
	s25 =	smul.f32 s24, s1;
	v15 =	vadd.f32 v6, v51  }
0x34c: {  	s0 =	ssub.f32 $1.500000000e+00, s0;
	v43 =	vmul.f32 s3, v58;
	v2 =	vmul.f32 v12, v17;
	[tilespmem:s31+$0xFFFFFF50] =	vst v1;
	v18 =	vadd.f32 v3, v52  }
0x34d: {  	v27 =	vmul.f32 s4, v58;
	v20 =	vadd.f32 v5, v61;
	v29 =	vadd.f32 v4, v51;
	s2 =	ssub.f32 $1.500000000e+00, s25;
	[tilespmem:s31+$0xFFFFFF60] =	vst v15  }
0x34e: {  	s0 =	smul.f32 s0, s10;
	v4 =	vmul.f32 v31, v22;
	v1 =	vmul.f32 v43, v23;
	v25 =	vld [tilespmem:$0x1FE50];
	[tilespmem:s31+$0xFFFFFF70] =	vst v18;
	v26 =	vadd.f32 v2, v62  }
0x34f: {  	s1 =	smul.f32 s2, s1;
	v2 =	vmul.f32 v27, v44;
	v44 =	vmul.f32 s3, v59;
	v28 =	vld [tilespmem:$0x1FE80];
	[tilespmem:s31+$0xFFFFFF80] =	vst v20  }
0x350: {  	v19 =	vmul.f32 s4, v55;
	v4 =	vadd.f32 v4, v52;
	v47 =	vmul.f32 s0, v58;
	v33 =	vld [tilespmem:$0x1FE90];
	[tilespmem:s31+$0xFFFFFF90] =	vst v26  }
0x351: {  	v50 =	vmul.f32 s1, v56;
	v1 =	vadd.f32 v1, v51;
	[tilespmem:s31+$0xFFFFFFA0] =	vst v29;
	v0 =	vmul.f32 v44, v57  }
0x352: {  	v46 =	vmul.f32 s0, v56;
	v2 =	vadd.f32 v2, v51;
	[tilespmem:s31+$0xFFFFFFF0] =	vst v4;
	v4 =	vmul.f32 v47, v60  }
0x353: {  	v21 =	vmul.f32 s4, v56;
	[tilespmem:s31+$0x20] =	vst v1;
	v1 =	vmul.f32 v50, v30;
	v0 =	vadd.f32 v0, v52  }
0x354: {  	v35 =	vmul.f32 s3, v55;
	[tilespmem:s31+$0xFFFFFFE0] =	vst v2;
	v2 =	vmul.f32 v46, v37;
	v4 =	vadd.f32 v4, v51  }
0x355: {  	v39 =	vmul.f32 s3, v56;
	v1 =	vadd.f32 v1, v62;
	v6 =	vmul.f32 v16, v25;
	[tilespmem:s31+$0x30] =	vst v0  }
0x356: {  	v3 =	vmul.f32 v19, v28;
	v2 =	vadd.f32 v2, v62;
	[tilespmem:s31+$0x60] =	vst v4;
	v5 =	vmul.f32 v21, v33  }
0x357: {  	v45 =	vmul.f32 s0, v55;
	[tilespmem:s31+$0x90] =	vst v1;
	v34 =	vadd.f32 v6, v52;
	v6 =	vmul.f32 v35, v42  }
0x358: {  	v38 =	vadd.f32 v3, v61;
	v3 =	vmul.f32 v39, v24;
	[tilespmem:s31+$0x50] =	vst v2;
	v5 =	vadd.f32 v5, v62  }
0x359: {  	v48 =	vmul.f32 s0, v59;
	[tilespmem:s31+$0xFFFFFFB0] =	vst v34;
	v6 =	vadd.f32 v6, v61  }
0x35a: {  	v49 =	vmul.f32 s1, v55;
	v3 =	vadd.f32 v3, v62;
	[tilespmem:s31+$0xFFFFFFD0] =	vst v5;
	v5 =	vmul.f32 v45, v32  }
0x35b: {  	v53 =	vmul.f32 s1, v58;
	[tilespmem:s31+$0x0] =	vst v6;
	v6 =	vmul.f32 v48, v36  }
0x35c: {  	v54 =	vmul.f32 s1, v59;
	[tilespmem:s31+$0x10] =	vst v3;
	v3 =	vmul.f32 v49, v63;
	v5 =	vadd.f32 v5, v61  }
0x35d: {  	v0 =	vmul.f32 v53, v40;
	[tilespmem:s31+$0xFFFFFFC0] =	vst v38;
	v6 =	vadd.f32 v6, v52  }
0x35e: {  	v60 =	vmul.f32 v54, v41;
	v57 =	vadd.f32 v3, v61;
	[tilespmem:s31+$0x40] =	vst v5  }
0x35f: {  	v0 =	vadd.f32 v0, v51;
	[tilespmem:s31+$0x70] =	vst v6  }
0x360: {  	v63 =	vadd.f32 v60, v52;
	[tilespmem:s31+$0x80] =	vst v57  }
0x361: {  	s26 =	rddreg [dreg:$0x1d];
	[tilespmem:s31+$0xA0] =	vst v0  }
0x362: {  	[tilespmem:s31+$0xB0] =	vst v63  }
0x363: {  	s29 =	rddreg [dreg:$0x1c]  }
0x364: {  	s23 =	rddreg [dreg:$0x3];
	s29 =	sadd.s32 $0x1, s29  }
0x365: {  	s30 =	rddreg [dreg:$0x1b];
	p0 =	sne.s32 s29, $0x32  }
.Ltmp2:
0x366: {  	s0 =	sshll.u32 s26, $0x3;
	s31 =	rddreg [dreg:$0x1a];
	(pc) =	sbr.rel @p0 .LBB2_2-.Ltmp2, $4  }
0x367: {  	s4 =	simm.s32 $0x7480;
	s25 =	rddreg [dreg:$0x10];
	s0 =	sand.u32 $0x1FFFF800, s0  }
0x368: {  	s24 =	simm.s32 $0x0;
	s26 =	rddreg [dreg:$0x12];
	s0 =	sadd.s32 s23, s0  }
0x369: {  	[hbm4b:s0+s24] =	stream.linear.scatter [tilespmem:s4], [sflag:$0x4], $0x4000, $0x38;
	[tilespmem:$0xB480] =	vst v63  }
0x36a: {  	s28 =	rddreg [dreg:$0x14];
	s2 =	sadd.s32 $0x200, s30;
	s0 =	sadd.s32 $0x200, s31  }
0x36b: {  	s0 =	simm.s32 $0x3  }
0x36c: {  	_ =	swait.ge [sflag:s0], $0x4000  }
0x36d: {  	[sflag:s0] =	ssyncset.done $0x0  }
0x36e: {  	s1 =	simm.s32 $0x4;
	[sflag:s0] =	ssyncadd.s32 $0xFFFFC000  }
0x36f: {  	_ =	swait.ge [sflag:s1], $0x4000  }
0x370: {  	s2 =	rddreg [dreg:$0x19]  }
0x371: {  	s31 =	rddreg [dreg:$0x18];
	s2 =	sadd.s32 $0x1, s2  }
0x372: {  	p0 =	sne.s32 s2, s31  }
.Ltmp3:
0x373: {  	_ = 	snop;
	(pc) =	sbr.rel @p0 .LBB2_1-.Ltmp3, $3  }
0x374: {  	_ =	sdelay $0x1  }
0x375: {  	[sflag:s1] =	ssyncset.done $0x0  }
0x376: {  	[sflag:s1] =	ssyncadd.s32 $0xFFFFC000  }
0x377: {  	_ =	sfence.sel $0x180000  }
0x378: {  	[bflag:$0x0] =	sbarrier.arrive $0xFFFF  }
0x379: {  	_ =	strace $0x90000047  }
0x37a: {  	s0 =	stileid.u32;
	[bflag:$0x2] =	sbarrier.arrive $0xFFFF  }
0x37b: {  	p0 =	sne.s32 s0, $0x0;
	s0 =	rddreg [dreg:$0x4]  }
0x37c: {  	s0 =	sadd.s32 @!p0 $0x100000, s0  }
0x37d: {  	[sflag:s0] =	ssyncadd.tile.s32 @!p0 $0x1;
	_ =	shalt  }
.Lfunc_end2:
_tile_overlayer_lowered:
.L_overlay_start_2:
0x37e: {  	(tag) =	ssettag $0x2  }
0x37f: {  	s0 =	rddreg [dreg:$0x0];
	s2 =	stileid.u32  }
0x380: {  	s1 =	rddreg [dreg:$0x1];
	p0 =	sne.s32 s2, $0x0  }
0x381: {  	s3 =	rddreg [dreg:$0x2];
	[bflag:$0x3] =	sbarrier.arrive $0xFFFF;
	s2 =	simm.s32 @!p0 $0x1C05  }
0x382: {  	[timem:s3], [sflag:s2] =	dma.local @!p0 [hbm:s0], s1  }
0x383: {  	s0 =	simm.s32 @!p0 $0x5  }
0x384: {  	_ =	swait.ge @!p0 [sflag:s0], s1  }
0x385: {  	s1 =	ssub.s32 @!p0 $0x0, s1;
	[sflag:s0] =	ssyncset.done @!p0 $0x0  }
0x386: {  	[sflag:s0] =	ssyncadd.s32 @!p0 s1  }
0x387: {  	[bflag:$0x3] =	sbarrier.arrive $0xFFFF  }
0x388: {  	_ =	shalt  }

// kernel: sparse-core-data-format-call.cloned.1.call-start
scs
called_computation_lowered:
.L_overlay_start_0:
0x0: {  	s2 =	sld [smem:$0x3FD9]  }
0x1: {  	s3 =	sld [smem:$0x3FFE];
	_ =	sdelay $0x1  }
0x2: {  	s1 =	srdreg.scid  }
0x3: {  	s0 =	sand.u32 $0x1, s1  }
0x4: {  	s18 =	sshll.u32 s0, $0xA;
	s2 =	sadd.s32 s3, s2  }
0x5: {  	s2 =	sadd.s32 s2, s18  }
0x6: {  	[smem:$0x3FC3] =	sst s2  }
0x7: {  	_ = 	snop  }
0x8: {  	s2 =	sld [smem:$0x3FD0];
	(tm) =	ssettm $0x1  }
0x9: {  	s19 =	sld [smem:$0x3FFB];
	_ =	sdelay $0x3  }
0xa: {  	_ =	strace s19  }
0xb: {  	s3 =	sld [smem:$0x3FFC];
	_ =	sdelay $0x3  }
0xc: {  	_ =	strace s3  }
0xd: {  	s3 =	sld [smem:$0x3FFD];
	_ =	sdelay $0x3  }
0xe: {  	_ =	strace s3  }
0xf: {  	_ =	strace $0x8FFFFFFF  }
0x10: {  	s20 =	sld [smem:$0x3FDB];
	_ =	sdelay $0x1  }
0x11: {  	s4 =	simm.s32 $_scs_section_size  }
0x12: {  	s5 =	simm.s32 $_size__tile_overlayer_lowered;
	s6 =	simm.s32 $_tile_overlayer_lowered  }
0x13: {  	s23 =	simm.s32 $0x1BFF;
	s22 =	sshll.u32 s6, $0x1;
	s3 =	sadd.s32 s4, s20  }
0x14: {  	s7 =	simm.s32 $0x0;
	s21 =	sshll.u32 s5, $0x1;
	s5 =	sadd.s32 s22, s3  }
0x15: {  	[timem:s7], [sflag:s23] =	dma.local [hbm:s5], s21  }
0x16: {  	_ =	swait.ge [sflag:s23], s21  }
0x17: {  	s4 =	ssub.s32 $0x0, s21;
	[sflag:s23] =	ssyncset.done $0x0  }
0x18: {  	[sflag:s23] =	ssyncadd.s32 s4;
	_ =	sdelay $0x1  }
0x19: {  	s24 =	simm.s32 $0x1B8B  }
0x1a: {  	_ =	swait.ge [sflag:s24], $0x1  }
0x1b: {  	[sflag:s24] =	ssyncset.done $0x0  }
0x1c: {  	s26 =	simm.s32 $0x1B8E;
	s25 =	sld [smem:$0x3FFE];
	[sflag:s24] =	ssyncadd.s32 $0xFFFFFFFF  }
0x1d: {  	s27 =	simm.s32 $execute0_lowered;
	[smem:$0x3FD2] =	sst s26  }
0x1e: {  	s5 =	sshll.u32 s27, $0x1;
	_ =	strace $0x80000049;
	[dreg:$0x1] =	wrdreg $0xFFFFFFFF  }
0x1f: {  	s28 =	simm.s32 $_size_execute0_lowered;
	s3 =	sadd.s32 s3, s5;
	[dreg:$0x0] =	wrdreg $0x0  }
0x20: {  	s5 =	sshll.u32 s28, $0x1;
	[dreg:$0x2] =	wrdreg s3  }
0x21: {  	[dreg:$0x3] =	wrdreg s5  }
0x22: {  	[dreg:$0x4] =	wrdreg $0xC0  }
0x23: {  	_ =	task [dreg:s7], $0x5FFFF  }
0x24: {  	[dreg:$0x1] =	wrdreg $0xFFFFFFFF  }
0x25: {  	[dreg:$0x0] =	wrdreg $0x60  }
0x26: {  	[dreg:$0x2] =	wrdreg s25  }
0x27: {  	[dreg:$0x3] =	wrdreg s2  }
0x28: {  	[dreg:$0x4] =	wrdreg $0x9  }
0x29: {  	_ =	task.clear_ibuf [dreg:s7], $0x5FFFF;
	_ =	strace $0x90000049  }
0x2a: {  	s29 =	simm.s32 $0x9;
	_ =	strace $0x8000004B  }
0x2b: {  	_ =	swait.ge [sflag:s29], $0x1  }
0x2c: {  	[sflag:s29] =	ssyncadd.s32 $0xFFFFFFFF  }
0x2d: {  	_ =	strace $0x9000004B  }
0x2e: {  	_ =	sfence  }
0x2f: {  	s30 =	sld [smem:$0x0];
	_ =	sdelay $0x2  }
0x30: {  	s31 =	sshll.u32 s1, $0xD;
	s1 =	sshrl.u32 s1, $0x2  }
0x31: {  	s3 =	sand.u32 $0x4000, s31;
	s1 =	sadd.s32 s1, s30  }
0x32: {  	s0 =	sor.u32 s3, s0;
	s1 =	sshll.u32 s1, $0x11  }
0x33: {  	s0 =	sor.u32 s1, s0  }
0x34: {  	s0 =	sadd.s32 $0x8F2B, s0  }
0x35: {  	[sflag:s0] =	ssyncadd.remote.s32 $0x1  }
0x36: {  	_ =	sfence.sel $0xFFFF  }
0x37: {  	[dreg:$0x0] =	wrdreg $0xFFFFFFFF;
	(pc) =	sbr.abs _section_cstart, $3  }
0x38: {  	[dreg:$0x1] =	wrdreg $0xFFFFFFFF  }
0x39: {  	_ =	task.clear_ibuf [dreg:s7], $0x2FFFF;
	_ =	strace $0x9FFFFFFF  }
0x3a: {  	(tm) =	ssettm $0x7FFFFFFF  }
0x3b: {  	_ =	shalt  }
tec
execute0_lowered:
.L_overlay_start_1:
0x0: {  	(tag) =	ssettag $0x1  }
0x1: {  	s0 =	srdreg.scid  }
0x2: {  	s1 =	sshll.u32 s0, $0x4  }
0x3: {  	s0 =	stileid.u32;
	s1 =	sand.u32 $0x10, s1  }
0x4: {  	s1 =	sor.u32 s0, s1  }
0x5: {  	s6 =	rddreg [dreg:$0x0];
	s4 =	simm.s32 $0x1;
	s2 =	sshll.u32 s1, $0x7  }
0x6: {  	s7 =	simm.s32 $0x2;
	s12 =	simm.s32 $0x0;
	s1 =	ssub.s32 $0x1000, s2  }
0x7: {  	s8 =	simm.s32 $0x8000;
	s13 =	simm.s32 $0x0;
	s3 =	sand.u32 $0xF80, s1  }
0x8: {  	s9 =	simm.s32 $0x0;
	s5 =	sshrl.u32 s1, $0xC;
	p0 =	sne.s32 s3, $0x0  }
.Ltmp0:
0x9: {  	s1 =	rddreg [dreg:$0x2];
	s4 =	simm.s32 @!p0 $0x0;
	(pc) =	sbr.rel .LBB1_1-.Ltmp0, $4  }
0xa: {  	s11 =	simm.s32 $0x0;
	s3 =	rddreg [dreg:$0x1];
	s5 =	sadd.s32 s4, s5  }
0xb: {  	_ =	strace $0x8000004A;
	s4 =	simm.s32 $0x1;
	s5 =	smul.u32 $0xC8, s5  }
0xc: {  	s6 =	sadd.s32 $0xC00, s6;
	s10 =	smov.u32 s2;
	[sflag:s4] =	ssyncpa.u1 $0x0  }
0xd: {  	p0 =	por $0x0, $0x0;
	[sflag:s7] =	ssyncpa.u1 $0x0;
	s7 =	sor.u32 $0x1, s5  }
.LBB1_4:
0xe: {  	s16 =	sshll.u32 s13, $0x3;
	s17 =	sand.u32 $0x78, s13  }
0xf: {  	s30 =	sand.u32 $0x7E00, s13;
	s12 =	sshll.u32 s12, $0xF;
	s16 =	sand.u32 $0xC00, s16  }
0x10: {  	[tilespmem:s15+$0x810 ss:$0x81] =	vst.msk $0xffff, v2;
	s31 =	sand.u32 $0x7, s13;
	s16 =	sor.u32 s17, s16;
	s17 =	sadd.s32 s3, s30  }
0x11: {  	[tilespmem:s15+$0x1020 ss:$0x81] =	vst.msk $0xffff, v0;
	s13 =	sshll.u32 s31, $0x12;
	s12 =	sadd.s32 s12, s17;
	s16 =	sshrl.u32 s16, $0x3  }
0x12: {  	[tilespmem:s15+$0x0 ss:$0x81] =	vst.msk $0xffff, v1;
	s13 =	sor.u32 $0x400, s13;
	s12 =	sadd.s32 s16, s12  }
0x13: {  	[hbm4b:s12+s13] =	stream.strided.scatter [tilespmem:s14], [sflag:$0x2], $0x2000, s8, s13, $0x20;
	[tilespmem:$0x8080] =	vst v63  }
.LBB1_5:
0x14: {  	s14 =	sadd.s32 $0x1, s9  }
0x15: {  	s12 =	sadd.s32 $0x1000, s10;
	s16 =	smov.u32 s10;
	p2 =	sgt.s32 s14, $0xC7  }
0x16: {  	s16 =	smov.u32 @p2 s12  }
0x17: {  	s14 =	simm.s32 @p2 $0x0;
	p2 =	sgt.s32 s16, $0xFFF  }
0x18: {  	s16 =	smov.u32 @p2 s2;
	p2 =	sne.s32 s11, s7  }
.Ltmp1:
0x19: {  	p1 =	slt.u32 s11, $0x2;
	(pc) =	sbr.rel @!p2 .LBB1_6-.Ltmp1, $4  }
0x1a: {  	s15 =	simm.s32 @!p1 $0x2  }
0x1b: {  	s13 =	smov.u32 s10;
	p0 =	por !p0, !p0;
	_ =	swait.ge @!p1 [sflag:s15], $0x2000  }
0x1c: {  	s12 =	smov.u32 s9;
	[sflag:s15] =	ssyncset.done @!p1 $0x0;
	s9 =	smov.u32 s14  }
0x1d: {  	s11 =	sadd.s32 $0x1, s11;
	[sflag:s15] =	ssyncadd.s32 @!p1 $0xFFFFE000;
	s10 =	smov.u32 s16  }
.LBB1_1:
0x1e: {  	p1 =	sge.u32 s11, s5  }
0x1f: {  	s14 =	sand.u32 @!p1 $0x1FFFFFF, s9  }
0x20: {  	s15 =	smulhi.u32 @!p1 $0x147AE15, s14;
	_ =	sdelay $0x1  }
0x21: {  	s15 =	smul.u32 @!p1 $0xC8, s15  }
0x22: {  	s16 =	sxor.u32 @!p1 $0xFFFFFFFF, s11;
	s17 =	smul.u32 @!p1 $0xC80, s10  }
0x23: {  	s31 =	sadd.s32 $0xFFFFFFFF, s11;
	s16 =	sshll.u32 @!p1 s16, $0xD;
	s14 =	ssub.s32 @!p1 s14, s15  }
0x24: {  	s15 =	sand.u32 @!p1 $0x2000, s16;
	s16 =	sadd.s32 @!p1 s6, s17;
	s14 =	sshll.u32 @!p1 s14, $0x4  }
0x25: {  	s17 =	simm.s32 @!p1 $0x6400;
	s14 =	sadd.s32 @!p1 s14, s16;
	s16 =	simm.s32 @!p1 $0x40  }
0x26: {  	[tilespmem:s15], [sflag:$0x1] =	stream.strided.gather @!p1 [hbm4b:s14+s16], $0x2000, s17, s16, $0x38;
	[tilespmem:$0x8080] =	vst v63  }
0x27: {  	p1 =	sge.u32 s31, s5  }
.Ltmp2:
0x28: {  	_ = 	snop;
	(pc) =	sbr.rel @p1 .LBB1_5-.Ltmp2, $1  }
0x29: {  	_ =	sdelay $0x3  }
0x2a: {  	s14 =	simm.s32 $0x1  }
0x2b: {  	_ =	swait.ge [sflag:s4], $0x2000;
	s14 =	simm.s32 @!p0 $0x0  }
0x2c: {  	[sflag:s4] =	ssyncset.done $0x0;
	s15 =	sshll.u32 s14, $0xD  }
0x2d: {  	[sflag:s4] =	ssyncadd.s32 $0xFFFFE000;
	s18 =	sor.u32 $0x20, s15  }
0x2e: {  	s14 =	smul.u32 $0x8100, s14;
	v3 =	vld [tilespmem:s18+$0x10]  }
0x2f: {  	s30 =	sand.u32 $0x1, s11;
	v2 =	vld [tilespmem:s18+$0xFFFFFFF0]  }
0x30: {  	s15 =	smul.u32 $0x8100, s30;
	s14 =	sshrl.u32 s14, $0x2;
	v0 =	vld [tilespmem:s18+$0x0]  }
0x31: {  	v1 =	vld [tilespmem:s18+$0xFFFFFFE0];
	s16 =	sor.u32 $0x4000, s14  }
0x32: {  	s31 =	sshrl.u32 s15, $0x2;
	s15 =	sadd.s32 $0x0, s16  }
0x33: {  	s17 =	simm.s32 $0x4;
	s18 =	sadd.s32 $0x40, s18;
	s14 =	sor.u32 $0x4000, s31;
	[tilespmem:s15+$0x1830 ss:$0x81] =	vst.msk $0xffff, v3  }
.LBB1_3:
0x34: {  	v3 =	vld [tilespmem:s18+$0x10];
	p1 =	sne.s32 s17, $0x1FC;
	[tilespmem:s15+$0x810 ss:$0x81] =	vst.msk $0xffff, v2;
	s19 =	smov.u32 s17;
	s17 =	sadd.s32 $0x4, s17  }
.Ltmp3:
0x35: {  	v2 =	vld [tilespmem:s18+$0xFFFFFFF0];
	[tilespmem:s15+$0x1020 ss:$0x81] =	vst.msk $0xffff, v0;
	(pc) =	sbr.rel @p1 .LBB1_3-.Ltmp3, $4  }
0x36: {  	v0 =	vld [tilespmem:s18+$0x0];
	[tilespmem:s15+$0x0 ss:$0x81] =	vst.msk $0xffff, v1  }
0x37: {  	s15 =	sshra.s32 s19, $0x2;
	v1 =	vld [tilespmem:s18+$0xFFFFFFE0]  }
0x38: {  	s15 =	sadd.s32 s15, s16  }
0x39: {  	s18 =	sadd.s32 $0x40, s18;
	[tilespmem:s15+$0x1830 ss:$0x81] =	vst.msk $0xffff, v3  }
.Ltmp4:
0x3a: {  	_ = 	snop;
	(pc) =	sbr.rel .LBB1_4-.Ltmp4, $1  }
0x3b: {  	_ =	sdelay $0x3  }
.LBB1_6:
0x3c: {  	_ =	sfence.sel $0x180000  }
0x3d: {  	s2 =	simm.s32 $0x1;
	[bflag:$0x0] =	sbarrier.arrive $0xFFFF  }
0x3e: {  	s31 =	simm.s32 $0x2;
	[sflag:s2] =	ssyncpa.u1 $0x1  }
0x3f: {  	[sflag:s31] =	ssyncpa.u1 $0x1  }
0x40: {  	p0 =	sne.s32 s0, $0x0;
	_ =	strace $0x9000004A  }
0x41: {  	s0 =	sadd.s32 @!p0 $0x100000, s1;
	[bflag:$0x2] =	sbarrier.arrive $0xFFFF  }
0x42: {  	[sflag:s0] =	ssyncadd.tile.s32 @!p0 $0x1;
	_ =	shalt  }
.Lfunc_end1:
_tile_overlayer_lowered:
.L_overlay_start_2:
0x43: {  	(tag) =	ssettag $0x2  }
0x44: {  	s0 =	rddreg [dreg:$0x0];
	s2 =	stileid.u32  }
0x45: {  	s1 =	rddreg [dreg:$0x1];
	p0 =	sne.s32 s2, $0x0  }
0x46: {  	s3 =	rddreg [dreg:$0x2];
	[bflag:$0x3] =	sbarrier.arrive $0xFFFF;
	s2 =	simm.s32 @!p0 $0x1C01  }
0x47: {  	[timem:s3], [sflag:s2] =	dma.local @!p0 [hbm:s0], s1  }
0x48: {  	s0 =	simm.s32 @!p0 $0x1  }
0x49: {  	_ =	swait.ge @!p0 [sflag:s0], s1  }
0x4a: {  	s1 =	ssub.s32 @!p0 $0x0, s1;
	[sflag:s0] =	ssyncset.done @!p0 $0x0  }
0x4b: {  	[sflag:s0] =	ssyncadd.s32 @!p0 s1  }
0x4c: {  	[bflag:$0x3] =	sbarrier.arrive $0xFFFF  }
0x4d: {  	_ =	shalt  }

</sc_bundles>
